<compile_context>
chip_gen: v7x
topology: tpu7x:2x2x1
jax: 0.10.2.dev20260603
libtpu: 0.0.44.dev20260713+nightly
codegen_flags: <defaults>
</compile_context>

<pallas_src>
import functools

import jax
import jax.numpy as jnp
from jax import lax
from jax.experimental import pallas as pl
from jax.experimental.pallas import tpu as pltpu
from jax.experimental.pallas import tpu_sc as plsc

N = 10000
E = 320000
D = 128
DH = D // 2

NC = 2
NS = 16
NW = NC * NS
CH = 80
EPW = E // NW
CPW = EPW // CH

ECH = 72
ECPW = 139
EPAD = NW * ECPW * ECH
NCHT = EPAD // ECH
NB = 3
EGRP = ECPW // NB

NPAD = 10240
RPT = NPAD // NS

BLK = 400
GRID = N // BLK

_MESH = plsc.VectorSubcoreMesh(core_axis_name="c", subcore_axis_name="s")
_DEFPREC = jax.lax.Precision.DEFAULT
_SC_PARAMS = pltpu.CompilerParams(needs_layout_passes=False)
_SC_PARAMS_UNTILED = pltpu.CompilerParams(needs_layout_passes=False,
                                          use_tc_tiling_on_sc=False)


@functools.partial(
    pl.kernel,
    out_type=jax.ShapeDtypeStruct((2, NW, N), jnp.float32),
    mesh=_MESH,
    scratch_types=[
        pltpu.VMEM((CPW, CH), jnp.int32),
        pltpu.VMEM((N,), jnp.float32),
    ],
    compiler_params=_SC_PARAMS_UNTILED,
)
def _deg_kernel(src_hbm, dst_hbm, out_hbm, idx_v, hist_v):
    c = lax.axis_index("c")
    s = lax.axis_index("s")
    wid = s * NC + c
    ones = jnp.full((16,), 1.0, dtype=jnp.float32)
    zeros = jnp.zeros((16,), dtype=jnp.float32)

    def one_direction(edge_hbm, out_row):
        pltpu.sync_copy(edge_hbm.at[wid], idx_v)

        def zbody(i, _):
            hist_v[pl.ds(i * 16, 16)] = zeros
            return _

        lax.fori_loop(0, N // 16, zbody, None)

        def hbody(r, _):
            for k in range(CH // 16):
                v = idx_v[r, pl.ds(k * 16, 16)]
                plsc.addupdate_scatter(hist_v, [v], ones)
            return _

        lax.fori_loop(0, CPW, hbody, None)
        pltpu.sync_copy(hist_v, out_row)

    one_direction(src_hbm, out_hbm.at[0, wid])
    one_direction(dst_hbm, out_hbm.at[1, wid])


@functools.partial(
    pl.kernel,
    out_type=jax.ShapeDtypeStruct((NC, NPAD, D), jnp.float32),
    mesh=_MESH,
    scratch_types=[
        pltpu.VMEM((ECPW, ECH), jnp.int32),
        pltpu.VMEM((ECPW, ECH), jnp.int32),
        [pltpu.VMEM((ECH, D), jnp.float32) for _ in range(NB)],
        pltpu.VMEM_SHARED((NPAD, D), jnp.float32),
        [pltpu.SemaphoreType.DMA for _ in range(NB)],
        [pltpu.SemaphoreType.DMA for _ in range(NB)],
        pltpu.SemaphoreType.DMA,
    ],
    compiler_params=_SC_PARAMS_UNTILED,
)
def _edge_kernel(hs_hbm, src_hbm, dst_hbm, out_hbm, isrc, idst, bufs,
                 agg, gsems, ssems, zsem):
    c = lax.axis_index("c")
    s = lax.axis_index("s")
    wid = s * NC + c
    zeros = jnp.zeros((16,), dtype=jnp.float32)

    def zbody(r, _):
        for k in range(D // 16):
            bufs[0][r, pl.ds(k * 16, 16)] = zeros
        return _

    lax.fori_loop(0, ECH, zbody, None)
    off = 0
    for zr in [ECH] * (RPT // ECH) + [RPT % ECH]:
        pltpu.async_copy(bufs[0].at[pl.ds(0, zr)],
                         agg.at[pl.ds(s * RPT + off, zr)], zsem)
        off += zr
    pltpu.sync_copy(src_hbm.at[wid], isrc)
    pltpu.sync_copy(dst_hbm.at[wid], idst)
    for zr in [ECH] * (RPT // ECH) + [RPT % ECH]:
        pltpu.make_async_copy(bufs[0].at[pl.ds(0, zr)],
                              agg.at[pl.ds(s * RPT, zr)], zsem).wait()
    plsc.subcore_barrier()

    def _wait_gather(c_, k):
        pltpu.make_async_copy(hs_hbm.at[isrc.at[c_]], bufs[k], gsems[k]).wait()

    def _start_scatter(c_, k):
        pltpu.async_copy(bufs[k], agg.at[idst.at[c_]], ssems[k], add=True)

    def _wait_scatter_refill(c_, k):
        pltpu.make_async_copy(bufs[k], agg.at[idst.at[c_]], ssems[k]).wait()
        nxt = c_ + NB

        @pl.when(nxt < ECPW)
        def _():
            pltpu.async_copy(hs_hbm.at[isrc.at[nxt]], bufs[k], gsems[k])

    for k in range(NB):
        pltpu.async_copy(hs_hbm.at[isrc.at[k]], bufs[k], gsems[k])

    def body(i, _):
        base = i * NB
        for k in range(NB):
            _wait_gather(base + k, k)
            _start_scatter(base + k, k)
            if k >= NB - 1:
                _wait_scatter_refill(base + k - (NB - 1), k - (NB - 1))
        for k in range(1, NB):
            _wait_scatter_refill(base + k, k)
        return _

    lax.fori_loop(0, EGRP, body, None)

    for k in range(ECPW - EGRP * NB):
        c_ = EGRP * NB + k
        _wait_gather(c_, k)
        pltpu.sync_copy(bufs[k], agg.at[idst.at[c_]], add=True)
    plsc.subcore_barrier()

    pltpu.sync_copy(agg.at[pl.ds(s * RPT, RPT)], out_hbm.at[c, pl.ds(s * RPT, RPT)])


def _mm_scale_body(x_ref, w_ref, deg_ref, out_ref, ns_ref, nd_ref):
    dt = deg_ref[...]
    ds = jnp.maximum(jnp.sum(dt[:, :NW], axis=1, keepdims=True), 1.0)
    dd = jnp.maximum(jnp.sum(dt[:, NW:], axis=1, keepdims=True), 1.0)

    def _rsqrt(d):
        r = jax.lax.rsqrt(d)
        return r * (1.5 - 0.5 * d * r * r)

    ns = _rsqrt(ds)
    nd = _rsqrt(dd)
    ns_ref[...] = ns
    nd_ref[...] = nd
    out_ref[...] = jnp.dot(x_ref[...], w_ref[...], precision=_DEFPREC,
                           preferred_element_type=jnp.float32) * ns


def _mm_scale_tc(x, w, deg_t):
    return pl.pallas_call(
        _mm_scale_body,
        grid=(GRID,),
        in_specs=[
            pl.BlockSpec((BLK, D), lambda i: (i, 0)),
            pl.BlockSpec((D, D), lambda i: (0, 0)),
            pl.BlockSpec((BLK, 2 * NW), lambda i: (i, 0)),
        ],
        out_specs=[
            pl.BlockSpec((BLK, D), lambda i: (i, 0)),
            pl.BlockSpec((BLK, 1), lambda i: (i, 0)),
            pl.BlockSpec((BLK, 1), lambda i: (i, 0)),
        ],
        out_shape=[
            jax.ShapeDtypeStruct((N, D), jnp.float32),
            jax.ShapeDtypeStruct((N, 1), jnp.float32),
            jax.ShapeDtypeStruct((N, 1), jnp.float32),
        ],
    )(x, w, deg_t)


def _mid_body(p_ref, nd_ref, b_ref, w_ref, ns_ref, out_ref):
    agg = p_ref[0] + p_ref[1]
    h = jax.nn.relu(agg * nd_ref[...] + b_ref[...])
    out_ref[...] = jnp.dot(h, w_ref[...], precision=_DEFPREC,
                           preferred_element_type=jnp.float32) * ns_ref[...]


def _mid_tc(p, nd_col, b_row, w, ns_col):
    return pl.pallas_call(
        _mid_body,
        grid=(GRID,),
        in_specs=[
            pl.BlockSpec((NC, BLK, D), lambda i: (0, i, 0)),
            pl.BlockSpec((BLK, 1), lambda i: (i, 0)),
            pl.BlockSpec((1, D), lambda i: (0, 0)),
            pl.BlockSpec((D, D), lambda i: (0, 0)),
            pl.BlockSpec((BLK, 1), lambda i: (i, 0)),
        ],
        out_specs=pl.BlockSpec((BLK, D), lambda i: (i, 0)),
        out_shape=jax.ShapeDtypeStruct((N, D), jnp.float32),
    )(p, nd_col, b_row, w, ns_col)


def _final_body(p_ref, nd_ref, b_ref, wc1_ref, bc1_ref, wc2_ref, bc2_ref,
                ne_ref, ge_ref, lg_ref, acc_ref):
    i = pl.program_id(0)
    agg = p_ref[0] + p_ref[1]
    ne = jax.nn.relu(agg * nd_ref[...] + b_ref[...])
    ne_ref[...] = ne

    @pl.when(i == 0)
    def _():
        acc_ref[...] = jnp.zeros_like(acc_ref)

    acc_ref[...] += jnp.sum(ne, axis=0, keepdims=True)

    @pl.when(i == GRID - 1)
    def _():
        ge = acc_ref[...] * (1.0 / N)
        ge_ref[...] = ge
        hc = jax.nn.relu(jnp.dot(ge, wc1_ref[...], precision=_DEFPREC,
                                 preferred_element_type=jnp.float32)
                         + bc1_ref[...])
        lg_ref[...] = (jnp.sum(hc * wc2_ref[...], axis=1, keepdims=True)
                       + bc2_ref[...])


def _final_tc(p, nd_col, b_row, wc1, bc1_row, wc2, bc2_row):
    return pl.pallas_call(
        _final_body,
        grid=(GRID,),
        in_specs=[
            pl.BlockSpec((NC, BLK, D), lambda i: (0, i, 0)),
            pl.BlockSpec((BLK, 1), lambda i: (i, 0)),
            pl.BlockSpec((1, D), lambda i: (0, 0)),
            pl.BlockSpec((D, D), lambda i: (0, 0)),
            pl.BlockSpec((1, D), lambda i: (0, 0)),
            pl.BlockSpec((1, D), lambda i: (0, 0)),
            pl.BlockSpec((1, 1), lambda i: (0, 0)),
        ],
        out_specs=[
            pl.BlockSpec((BLK, D), lambda i: (i, 0)),
            pl.BlockSpec((1, D), lambda i: (0, 0)),
            pl.BlockSpec((1, 1), lambda i: (0, 0)),
        ],
        out_shape=[
            jax.ShapeDtypeStruct((N, D), jnp.float32),
            jax.ShapeDtypeStruct((1, D), jnp.float32),
            jax.ShapeDtypeStruct((1, 1), jnp.float32),
        ],
        scratch_shapes=[pltpu.VMEM((1, D), jnp.float32)],
    )(p, nd_col, b_row, wc1, bc1_row, wc2, bc2_row)


def kernel(x, edge_index, W1, b1, W2, b2, Wc1, bc1, Wc2, bc2):
    src = edge_index[0]
    dst = edge_index[1]
    src2 = src.reshape(NW, CPW, CH)
    dst2 = dst.reshape(NW, CPW, CH)
    npad_e = EPAD - E
    src3 = jnp.concatenate(
        [src, (jnp.arange(npad_e, dtype=jnp.int32) * 37) % N]
    ).reshape(NW, ECPW, ECH)
    dst3 = jnp.concatenate(
        [dst, N + (jnp.arange(npad_e, dtype=jnp.int32) % (NPAD - N))]
    ).reshape(NW, ECPW, ECH)

    deg = _deg_kernel(src2, dst2)
    deg_t = jnp.transpose(deg, (2, 0, 1)).reshape(N, 2 * NW)
    b1r = b1.reshape(1, D)
    b2r = b2.reshape(1, D)
    bc1r = bc1.reshape(1, D)
    bc2r = bc2.reshape(1, 1)
    wc2r = Wc2.reshape(1, D)

    hs1, ns_col, nd_col = _mm_scale_tc(x, W1, deg_t)
    p1 = _edge_kernel(hs1, src3, dst3)
    hs2 = _mid_tc(p1, nd_col, b1r, W2, ns_col)
    p2 = _edge_kernel(hs2, src3, dst3)
    node_emb, graph_emb, logits = _final_tc(p2, nd_col, b2r, Wc1, bc1r,
                                            wc2r, bc2r)
    return (node_emb, graph_emb, logits)

# --- scband reference (transcript-rebuilt; emitter-appended) ---
"""Pipeline reference for scband-simple-gcn-39857296507369 (READ-ONLY COPY).

The authoritative reference and input builder live on the scoring server;
editing this copy changes nothing except your own understanding.
"""

import jax, jax.numpy as jnp
import numpy as np

N = 10000
E = 320000
D_IN = 128
HID = 128
D_OUT = 128
N_CLS = 1


def _glorot(key, shape):
    fan_in, fan_out = shape[0], shape[1]
    s = (6.0 / (fan_in + fan_out)) ** 0.5
    return jax.random.uniform(key, shape, dtype=jnp.float32, minval=-s, maxval=s)


def setup_inputs(seed: int = 0) -> dict:
    key = jax.random.key(seed)
    ks = jax.random.split(key, 12)
    x = jax.random.normal(ks[0], (N, D_IN), dtype=jnp.float32)
    edge_index = jax.random.randint(ks[1], (2, E), 0, N, dtype=jnp.int32)
    W1 = _glorot(ks[2], (D_IN, HID))
    b1 = jnp.zeros((HID,), dtype=jnp.float32)
    W2 = _glorot(ks[3], (HID, D_OUT))
    b2 = jnp.zeros((D_OUT,), dtype=jnp.float32)
    Wc1 = _glorot(ks[4], (D_OUT, HID))
    bc1 = jnp.zeros((HID,), dtype=jnp.float32)
    Wc2 = _glorot(ks[5], (HID, N_CLS))
    bc2 = jnp.zeros((N_CLS,), dtype=jnp.float32)
    return {"x": x, "edge_index": edge_index, "W1": W1, "b1": b1, "W2": W2, "b2": b2,
            "Wc1": Wc1, "bc1": bc1, "Wc2": Wc2, "bc2": bc2}


def _gcn_conv(x, src, dst, W, b):
    # DGL GraphConv with norm='both': D_out^{-1/2} on src side, aggregate-sum, D_in^{-1/2} on dst side
    deg_out = jnp.maximum(jnp.bincount(src, length=N), 1).astype(jnp.float32)
    deg_in = jnp.maximum(jnp.bincount(dst, length=N), 1).astype(jnp.float32)
    norm_src = deg_out ** -0.5
    norm_dst = deg_in ** -0.5
    h = x @ W
    msg = h[src] * norm_src[src][:, None]
    agg = jnp.zeros((N, h.shape[1]), dtype=h.dtype).at[dst].add(msg)
    agg = agg * norm_dst[:, None]
    return jax.nn.relu(agg + b)


def reference(x, edge_index, W1, b1, W2, b2, Wc1, bc1, Wc2, bc2):
    # dropout layers are identity at inference time
    src = edge_index[0]
    dst = edge_index[1]
    h = _gcn_conv(x, src, dst, W1, b1)
    node_embeddings = _gcn_conv(h, src, dst, W2, b2)
    # AvgPooling over a single graph -> [1, out_feats]
    graph_embedding = jnp.mean(node_embeddings, axis=0, keepdims=True)
    hc = jax.nn.relu(graph_embedding @ Wc1 + bc1)
    logits = hc @ Wc2 + bc2
    return (node_embeddings, graph_embedding, logits)

if __name__ == "__main__":
    import jax
    _d = setup_inputs()
    print(jax.jit(kernel)(*tuple(_d.values())))

</pallas_src>

<mosaic_0001>
#map = affine_map<(d0, d1) -> (0, 0, 0)>
module attributes {stable_mosaic.version = 14 : i64} {
  func.func @_deg_kernel(%arg0: i32, %arg1: i32, %arg2: memref<32x125x80xi32, #tpu.memory_space<hbm>>, %arg3: memref<32x125x80xi32, #tpu.memory_space<hbm>>, %arg4: memref<2x32x10000xf32, #tpu.memory_space<hbm>>, %arg5: memref<125x80xi32, #tpu.memory_space<vmem>>, %arg6: memref<10000xf32, #tpu.memory_space<vmem>>) attributes {dimension_semantics = [#tpu.dimension_semantics<core_parallel>, #tpu.dimension_semantics<subcore_parallel>], iteration_bounds = array<i64: 2, 16>, scalar_prefetch = 0 : i64, scratch_operands = 2 : i64, tpu.core_type = #tpu.core_type<sc_vector_subcore>, window_params = [{transform_indices = #map}, {transform_indices = #map}, {transform_indices = #map}]} {
    %mul3A = arith.constant 2 : i32
    %mul3A_0 = arith.muli %arg1, %mul3A : i32
    %add3A = arith.addi %mul3A_0, %arg0 : i32
    %broadcast_in_dim3A = arith.constant 1.000000e+00 : f32
    %broadcast_in_dim3A_1 = vector.broadcast %broadcast_in_dim3A : f32 to vector<16xf32>
    %broadcast_in_dim3A_2 = arith.constant 0.000000e+00 : f32
    %broadcast_in_dim3A_3 = vector.broadcast %broadcast_in_dim3A_2 : f32 to vector<16xf32>
    "tpu.region"() ({
      %run_scoped3A_24 = tpu.sem_alloc : memref<!tpu.dma_semaphore, #tpu.memory_space<semaphore_mem>>
      %dma_start3A = arith.constant 0 : i32
      %dma_start3A_25 = arith.constant 0 : i32
      %dma_start3A_26 = tpu.memref_slice %arg2[%add3A, %dma_start3A, %dma_start3A_25] : memref<32x125x80xi32, #tpu.memory_space<hbm>> -> memref<1x125x80xi32, #tpu.memory_space<hbm>>
      %dma_start3A_27 = tpu.memref_squeeze %dma_start3A_26 : memref<1x125x80xi32, #tpu.memory_space<hbm>> -> memref<125x80xi32, #tpu.memory_space<hbm>>
      %dma_start3A_28 = arith.constant 0 : i32
      %dma_start3A_29 = arith.constant 0 : i32
      %dma_start3A_30 = tpu.memref_slice %arg2[%add3A, %dma_start3A_28, %dma_start3A_29] : memref<32x125x80xi32, #tpu.memory_space<hbm>> -> memref<1x125x80xi32, #tpu.memory_space<hbm>>
      %dma_start3A_31 = tpu.memref_squeeze %dma_start3A_30 : memref<1x125x80xi32, #tpu.memory_space<hbm>> -> memref<125x80xi32, #tpu.memory_space<hbm>>
      tpu.enqueue_dma source(%dma_start3A_31 : memref<125x80xi32, #tpu.memory_space<hbm>>) target(%arg5 : memref<125x80xi32, #tpu.memory_space<vmem>>) target_semaphore(%run_scoped3A_24 : memref<!tpu.dma_semaphore, #tpu.memory_space<semaphore_mem>>)
      %dma_wait3A = arith.constant 0 : i32
      %dma_wait3A_32 = arith.constant 0 : i32
      %dma_wait3A_33 = tpu.memref_slice %arg2[%add3A, %dma_wait3A, %dma_wait3A_32] : memref<32x125x80xi32, #tpu.memory_space<hbm>> -> memref<1x125x80xi32, #tpu.memory_space<hbm>>
      %dma_wait3A_34 = tpu.memref_squeeze %dma_wait3A_33 : memref<1x125x80xi32, #tpu.memory_space<hbm>> -> memref<125x80xi32, #tpu.memory_space<hbm>>
      %dma_wait3A_35 = arith.constant 0 : i32
      %dma_wait3A_36 = arith.constant 0 : i32
      %dma_wait3A_37 = tpu.memref_slice %arg2[%add3A, %dma_wait3A_35, %dma_wait3A_36] : memref<32x125x80xi32, #tpu.memory_space<hbm>> -> memref<1x125x80xi32, #tpu.memory_space<hbm>>
      %dma_wait3A_38 = tpu.memref_squeeze %dma_wait3A_37 : memref<1x125x80xi32, #tpu.memory_space<hbm>> -> memref<125x80xi32, #tpu.memory_space<hbm>>
      tpu.wait_dma2 semaphore(%run_scoped3A_24 : memref<!tpu.dma_semaphore, #tpu.memory_space<semaphore_mem>>) src(%dma_wait3A_38 : memref<125x80xi32, #tpu.memory_space<hbm>>) dst(%arg5 : memref<125x80xi32, #tpu.memory_space<vmem>>)
      tpu.yield
    }) : () -> ()
    %scan3A = arith.constant 0 : i32
    %scan3A_4 = arith.constant 625 : i32
    %scan3A_5 = arith.addi %scan3A, %scan3A_4 : i32
    %scan3A_6 = arith.constant 1 : i32
    scf.for %scan3A_24 = %scan3A to %scan3A_5 step %scan3A_6  : i32 {
      %mul3A_25 = arith.constant 16 : i32
      %mul3A_26 = arith.muli %scan3A_24, %mul3A_25 : i32
      %swap3A = arith.index_cast %mul3A_26 : i32 to index
      %swap3A_27 = tpu.vector_load %arg6[%swap3A] {strides = array<i32>} : memref<10000xf32, #tpu.memory_space<vmem>>, vector<16xf32>,
      tpu.vector_store %arg6[%swap3A], %broadcast_in_dim3A_3 {strides = array<i32>} : memref<10000xf32, #tpu.memory_space<vmem>>, vector<16xf32>,
    }
    %scan3A_7 = arith.constant 625 : i32
    %scan3A_8 = arith.constant 0 : i32
    %scan3A_9 = arith.constant 125 : i32
    %scan3A_10 = arith.addi %scan3A_8, %scan3A_9 : i32
    %scan3A_11 = arith.constant 1 : i32
    scf.for %scan3A_24 = %scan3A_8 to %scan3A_10 step %scan3A_11  : i32 {
      %get3A = arith.index_cast %scan3A_24 : i32 to index
      %get3A_25 = arith.constant 0 : index
      %get3A_26 = tpu.vector_load %arg5[%get3A, %get3A_25] {strides = array<i32>} : memref<125x80xi32, #tpu.memory_space<vmem>>, vector<16xi32>,
      tpu.vector_store_idx %arg6[%get3A_26], %broadcast_in_dim3A_1 {add = true} : memref<10000xf32, #tpu.memory_space<vmem>>[vector<16xi32>], vector<16xf32>,
      %get3A_27 = arith.index_cast %scan3A_24 : i32 to index
      %get3A_28 = arith.constant 16 : index
      %get3A_29 = tpu.vector_load %arg5[%get3A_27, %get3A_28] {strides = array<i32>} : memref<125x80xi32, #tpu.memory_space<vmem>>, vector<16xi32>,
      tpu.vector_store_idx %arg6[%get3A_29], %broadcast_in_dim3A_1 {add = true} : memref<10000xf32, #tpu.memory_space<vmem>>[vector<16xi32>], vector<16xf32>,
      %get3A_30 = arith.index_cast %scan3A_24 : i32 to index
      %get3A_31 = arith.constant 32 : index
      %get3A_32 = tpu.vector_load %arg5[%get3A_30, %get3A_31] {strides = array<i32>} : memref<125x80xi32, #tpu.memory_space<vmem>>, vector<16xi32>,
      tpu.vector_store_idx %arg6[%get3A_32], %broadcast_in_dim3A_1 {add = true} : memref<10000xf32, #tpu.memory_space<vmem>>[vector<16xi32>], vector<16xf32>,
      %get3A_33 = arith.index_cast %scan3A_24 : i32 to index
      %get3A_34 = arith.constant 48 : index
      %get3A_35 = tpu.vector_load %arg5[%get3A_33, %get3A_34] {strides = array<i32>} : memref<125x80xi32, #tpu.memory_space<vmem>>, vector<16xi32>,
      tpu.vector_store_idx %arg6[%get3A_35], %broadcast_in_dim3A_1 {add = true} : memref<10000xf32, #tpu.memory_space<vmem>>[vector<16xi32>], vector<16xf32>,
      %get3A_36 = arith.index_cast %scan3A_24 : i32 to index
      %get3A_37 = arith.constant 64 : index
      %get3A_38 = tpu.vector_load %arg5[%get3A_36, %get3A_37] {strides = array<i32>} : memref<125x80xi32, #tpu.memory_space<vmem>>, vector<16xi32>,
      tpu.vector_store_idx %arg6[%get3A_38], %broadcast_in_dim3A_1 {add = true} : memref<10000xf32, #tpu.memory_space<vmem>>[vector<16xi32>], vector<16xf32>,
    }
    %scan3A_12 = arith.constant 125 : i32
    %run_scoped3A = arith.constant 0 : i32
    "tpu.region"() ({
      %run_scoped3A_24 = tpu.sem_alloc : memref<!tpu.dma_semaphore, #tpu.memory_space<semaphore_mem>>
      %dma_start3A = arith.constant 0 : i32
      %dma_start3A_25 = tpu.memref_slice %arg4[%run_scoped3A, %add3A, %dma_start3A] : memref<2x32x10000xf32, #tpu.memory_space<hbm>> -> memref<1x1x10000xf32, #tpu.memory_space<hbm>>
      %dma_start3A_26 = tpu.memref_squeeze %dma_start3A_25 : memref<1x1x10000xf32, #tpu.memory_space<hbm>> -> memref<10000xf32, #tpu.memory_space<hbm>>
      %dma_start3A_27 = arith.constant 0 : i32
      %dma_start3A_28 = tpu.memref_slice %arg4[%run_scoped3A, %add3A, %dma_start3A_27] : memref<2x32x10000xf32, #tpu.memory_space<hbm>> -> memref<1x1x10000xf32, #tpu.memory_space<hbm>>
      %dma_start3A_29 = tpu.memref_squeeze %dma_start3A_28 : memref<1x1x10000xf32, #tpu.memory_space<hbm>> -> memref<10000xf32, #tpu.memory_space<hbm>>
      tpu.enqueue_dma source(%arg6 : memref<10000xf32, #tpu.memory_space<vmem>>) target(%dma_start3A_29 : memref<10000xf32, #tpu.memory_space<hbm>>) target_semaphore(%run_scoped3A_24 : memref<!tpu.dma_semaphore, #tpu.memory_space<semaphore_mem>>)
      %dma_wait3A = arith.constant 0 : i32
      %dma_wait3A_30 = tpu.memref_slice %arg4[%run_scoped3A, %add3A, %dma_wait3A] : memref<2x32x10000xf32, #tpu.memory_space<hbm>> -> memref<1x1x10000xf32, #tpu.memory_space<hbm>>
      %dma_wait3A_31 = tpu.memref_squeeze %dma_wait3A_30 : memref<1x1x10000xf32, #tpu.memory_space<hbm>> -> memref<10000xf32, #tpu.memory_space<hbm>>
      %dma_wait3A_32 = arith.constant 0 : i32
      %dma_wait3A_33 = tpu.memref_slice %arg4[%run_scoped3A, %add3A, %dma_wait3A_32] : memref<2x32x10000xf32, #tpu.memory_space<hbm>> -> memref<1x1x10000xf32, #tpu.memory_space<hbm>>
      %dma_wait3A_34 = tpu.memref_squeeze %dma_wait3A_33 : memref<1x1x10000xf32, #tpu.memory_space<hbm>> -> memref<10000xf32, #tpu.memory_space<hbm>>
      tpu.wait_dma2 semaphore(%run_scoped3A_24 : memref<!tpu.dma_semaphore, #tpu.memory_space<semaphore_mem>>) src(%arg6 : memref<10000xf32, #tpu.memory_space<vmem>>) dst(%dma_wait3A_34 : memref<10000xf32, #tpu.memory_space<hbm>>)
      tpu.yield
    }) : () -> ()
    "tpu.region"() ({
      %run_scoped3A_24 = tpu.sem_alloc : memref<!tpu.dma_semaphore, #tpu.memory_space<semaphore_mem>>
      %dma_start3A = arith.constant 0 : i32
      %dma_start3A_25 = arith.constant 0 : i32
      %dma_start3A_26 = tpu.memref_slice %arg3[%add3A, %dma_start3A, %dma_start3A_25] : memref<32x125x80xi32, #tpu.memory_space<hbm>> -> memref<1x125x80xi32, #tpu.memory_space<hbm>>
      %dma_start3A_27 = tpu.memref_squeeze %dma_start3A_26 : memref<1x125x80xi32, #tpu.memory_space<hbm>> -> memref<125x80xi32, #tpu.memory_space<hbm>>
      %dma_start3A_28 = arith.constant 0 : i32
      %dma_start3A_29 = arith.constant 0 : i32
      %dma_start3A_30 = tpu.memref_slice %arg3[%add3A, %dma_start3A_28, %dma_start3A_29] : memref<32x125x80xi32, #tpu.memory_space<hbm>> -> memref<1x125x80xi32, #tpu.memory_space<hbm>>
      %dma_start3A_31 = tpu.memref_squeeze %dma_start3A_30 : memref<1x125x80xi32, #tpu.memory_space<hbm>> -> memref<125x80xi32, #tpu.memory_space<hbm>>
      tpu.enqueue_dma source(%dma_start3A_31 : memref<125x80xi32, #tpu.memory_space<hbm>>) target(%arg5 : memref<125x80xi32, #tpu.memory_space<vmem>>) target_semaphore(%run_scoped3A_24 : memref<!tpu.dma_semaphore, #tpu.memory_space<semaphore_mem>>)
      %dma_wait3A = arith.constant 0 : i32
      %dma_wait3A_32 = arith.constant 0 : i32
      %dma_wait3A_33 = tpu.memref_slice %arg3[%add3A, %dma_wait3A, %dma_wait3A_32] : memref<32x125x80xi32, #tpu.memory_space<hbm>> -> memref<1x125x80xi32, #tpu.memory_space<hbm>>
      %dma_wait3A_34 = tpu.memref_squeeze %dma_wait3A_33 : memref<1x125x80xi32, #tpu.memory_space<hbm>> -> memref<125x80xi32, #tpu.memory_space<hbm>>
      %dma_wait3A_35 = arith.constant 0 : i32
      %dma_wait3A_36 = arith.constant 0 : i32
      %dma_wait3A_37 = tpu.memref_slice %arg3[%add3A, %dma_wait3A_35, %dma_wait3A_36] : memref<32x125x80xi32, #tpu.memory_space<hbm>> -> memref<1x125x80xi32, #tpu.memory_space<hbm>>
      %dma_wait3A_38 = tpu.memref_squeeze %dma_wait3A_37 : memref<1x125x80xi32, #tpu.memory_space<hbm>> -> memref<125x80xi32, #tpu.memory_space<hbm>>
      tpu.wait_dma2 semaphore(%run_scoped3A_24 : memref<!tpu.dma_semaphore, #tpu.memory_space<semaphore_mem>>) src(%dma_wait3A_38 : memref<125x80xi32, #tpu.memory_space<hbm>>) dst(%arg5 : memref<125x80xi32, #tpu.memory_space<vmem>>)
      tpu.yield
    }) : () -> ()
    %scan3A_13 = arith.constant 0 : i32
    %scan3A_14 = arith.constant 625 : i32
    %scan3A_15 = arith.addi %scan3A_13, %scan3A_14 : i32
    %scan3A_16 = arith.constant 1 : i32
    scf.for %scan3A_24 = %scan3A_13 to %scan3A_15 step %scan3A_16  : i32 {
      %mul3A_25 = arith.constant 16 : i32
      %mul3A_26 = arith.muli %scan3A_24, %mul3A_25 : i32
      %swap3A = arith.index_cast %mul3A_26 : i32 to index
      %swap3A_27 = tpu.vector_load %arg6[%swap3A] {strides = array<i32>} : memref<10000xf32, #tpu.memory_space<vmem>>, vector<16xf32>,
      tpu.vector_store %arg6[%swap3A], %broadcast_in_dim3A_3 {strides = array<i32>} : memref<10000xf32, #tpu.memory_space<vmem>>, vector<16xf32>,
    }
    %scan3A_17 = arith.constant 625 : i32
    %scan3A_18 = arith.constant 0 : i32
    %scan3A_19 = arith.constant 125 : i32
    %scan3A_20 = arith.addi %scan3A_18, %scan3A_19 : i32
    %scan3A_21 = arith.constant 1 : i32
    scf.for %scan3A_24 = %scan3A_18 to %scan3A_20 step %scan3A_21  : i32 {
      %get3A = arith.index_cast %scan3A_24 : i32 to index
      %get3A_25 = arith.constant 0 : index
      %get3A_26 = tpu.vector_load %arg5[%get3A, %get3A_25] {strides = array<i32>} : memref<125x80xi32, #tpu.memory_space<vmem>>, vector<16xi32>,
      tpu.vector_store_idx %arg6[%get3A_26], %broadcast_in_dim3A_1 {add = true} : memref<10000xf32, #tpu.memory_space<vmem>>[vector<16xi32>], vector<16xf32>,
      %get3A_27 = arith.index_cast %scan3A_24 : i32 to index
      %get3A_28 = arith.constant 16 : index
      %get3A_29 = tpu.vector_load %arg5[%get3A_27, %get3A_28] {strides = array<i32>} : memref<125x80xi32, #tpu.memory_space<vmem>>, vector<16xi32>,
      tpu.vector_store_idx %arg6[%get3A_29], %broadcast_in_dim3A_1 {add = true} : memref<10000xf32, #tpu.memory_space<vmem>>[vector<16xi32>], vector<16xf32>,
      %get3A_30 = arith.index_cast %scan3A_24 : i32 to index
      %get3A_31 = arith.constant 32 : index
      %get3A_32 = tpu.vector_load %arg5[%get3A_30, %get3A_31] {strides = array<i32>} : memref<125x80xi32, #tpu.memory_space<vmem>>, vector<16xi32>,
      tpu.vector_store_idx %arg6[%get3A_32], %broadcast_in_dim3A_1 {add = true} : memref<10000xf32, #tpu.memory_space<vmem>>[vector<16xi32>], vector<16xf32>,
      %get3A_33 = arith.index_cast %scan3A_24 : i32 to index
      %get3A_34 = arith.constant 48 : index
      %get3A_35 = tpu.vector_load %arg5[%get3A_33, %get3A_34] {strides = array<i32>} : memref<125x80xi32, #tpu.memory_space<vmem>>, vector<16xi32>,
      tpu.vector_store_idx %arg6[%get3A_35], %broadcast_in_dim3A_1 {add = true} : memref<10000xf32, #tpu.memory_space<vmem>>[vector<16xi32>], vector<16xf32>,
      %get3A_36 = arith.index_cast %scan3A_24 : i32 to index
      %get3A_37 = arith.constant 64 : index
      %get3A_38 = tpu.vector_load %arg5[%get3A_36, %get3A_37] {strides = array<i32>} : memref<125x80xi32, #tpu.memory_space<vmem>>, vector<16xi32>,
      tpu.vector_store_idx %arg6[%get3A_38], %broadcast_in_dim3A_1 {add = true} : memref<10000xf32, #tpu.memory_space<vmem>>[vector<16xi32>], vector<16xf32>,
    }
    %scan3A_22 = arith.constant 125 : i32
    %run_scoped3A_23 = arith.constant 1 : i32
    "tpu.region"() ({
      %run_scoped3A_24 = tpu.sem_alloc : memref<!tpu.dma_semaphore, #tpu.memory_space<semaphore_mem>>
      %dma_start3A = arith.constant 0 : i32
      %dma_start3A_25 = tpu.memref_slice %arg4[%run_scoped3A_23, %add3A, %dma_start3A] : memref<2x32x10000xf32, #tpu.memory_space<hbm>> -> memref<1x1x10000xf32, #tpu.memory_space<hbm>>
      %dma_start3A_26 = tpu.memref_squeeze %dma_start3A_25 : memref<1x1x10000xf32, #tpu.memory_space<hbm>> -> memref<10000xf32, #tpu.memory_space<hbm>>
      %dma_start3A_27 = arith.constant 0 : i32
      %dma_start3A_28 = tpu.memref_slice %arg4[%run_scoped3A_23, %add3A, %dma_start3A_27] : memref<2x32x10000xf32, #tpu.memory_space<hbm>> -> memref<1x1x10000xf32, #tpu.memory_space<hbm>>
      %dma_start3A_29 = tpu.memref_squeeze %dma_start3A_28 : memref<1x1x10000xf32, #tpu.memory_space<hbm>> -> memref<10000xf32, #tpu.memory_space<hbm>>
      tpu.enqueue_dma source(%arg6 : memref<10000xf32, #tpu.memory_space<vmem>>) target(%dma_start3A_29 : memref<10000xf32, #tpu.memory_space<hbm>>) target_semaphore(%run_scoped3A_24 : memref<!tpu.dma_semaphore, #tpu.memory_space<semaphore_mem>>)
      %dma_wait3A = arith.constant 0 : i32
      %dma_wait3A_30 = tpu.memref_slice %arg4[%run_scoped3A_23, %add3A, %dma_wait3A] : memref<2x32x10000xf32, #tpu.memory_space<hbm>> -> memref<1x1x10000xf32, #tpu.memory_space<hbm>>
      %dma_wait3A_31 = tpu.memref_squeeze %dma_wait3A_30 : memref<1x1x10000xf32, #tpu.memory_space<hbm>> -> memref<10000xf32, #tpu.memory_space<hbm>>
      %dma_wait3A_32 = arith.constant 0 : i32
      %dma_wait3A_33 = tpu.memref_slice %arg4[%run_scoped3A_23, %add3A, %dma_wait3A_32] : memref<2x32x10000xf32, #tpu.memory_space<hbm>> -> memref<1x1x10000xf32, #tpu.memory_space<hbm>>
      %dma_wait3A_34 = tpu.memref_squeeze %dma_wait3A_33 : memref<1x1x10000xf32, #tpu.memory_space<hbm>> -> memref<10000xf32, #tpu.memory_space<hbm>>
      tpu.wait_dma2 semaphore(%run_scoped3A_24 : memref<!tpu.dma_semaphore, #tpu.memory_space<semaphore_mem>>) src(%arg6 : memref<10000xf32, #tpu.memory_space<vmem>>) dst(%dma_wait3A_34 : memref<10000xf32, #tpu.memory_space<hbm>>)
      tpu.yield
    }) : () -> ()
    return
  }
}

#map = affine_map<(d0, d1) -> (0, 0)>
#map1 = affine_map<(d0, d1) -> (0, 0, 0)>
module attributes {stable_mosaic.version = 14 : i64} {
  func.func @_edge_kernel(%arg0: i32, %arg1: i32, %arg2: memref<10000x128xf32, #tpu.memory_space<hbm>>, %arg3: memref<32x139x72xi32, #tpu.memory_space<hbm>>, %arg4: memref<32x139x72xi32, #tpu.memory_space<hbm>>, %arg5: memref<2x10240x128xf32, #tpu.memory_space<hbm>>, %arg6: memref<139x72xi32, #tpu.memory_space<vmem>>, %arg7: memref<139x72xi32, #tpu.memory_space<vmem>>, %arg8: memref<72x128xf32, #tpu.memory_space<vmem>>, %arg9: memref<72x128xf32, #tpu.memory_space<vmem>>, %arg10: memref<72x128xf32, #tpu.memory_space<vmem>>, %arg11: memref<10240x128xf32, #tpu.memory_space<vmem_shared>>, %arg12: memref<!tpu.dma_semaphore, #tpu.memory_space<semaphore_mem>>, %arg13: memref<!tpu.dma_semaphore, #tpu.memory_space<semaphore_mem>>, %arg14: memref<!tpu.dma_semaphore, #tpu.memory_space<semaphore_mem>>, %arg15: memref<!tpu.dma_semaphore, #tpu.memory_space<semaphore_mem>>, %arg16: memref<!tpu.dma_semaphore, #tpu.memory_space<semaphore_mem>>, %arg17: memref<!tpu.dma_semaphore, #tpu.memory_space<semaphore_mem>>, %arg18: memref<!tpu.dma_semaphore, #tpu.memory_space<semaphore_mem>>) attributes {dimension_semantics = [#tpu.dimension_semantics<core_parallel>, #tpu.dimension_semantics<subcore_parallel>], iteration_bounds = array<i64: 2, 16>, scalar_prefetch = 0 : i64, scratch_operands = 13 : i64, tpu.core_type = #tpu.core_type<sc_vector_subcore>, window_params = [{transform_indices = #map}, {transform_indices = #map1}, {transform_indices = #map1}, {transform_indices = #map1}]} {
    %mul3A = arith.constant 2 : i32
    %mul3A_0 = arith.muli %arg1, %mul3A : i32
    %add3A = arith.addi %mul3A_0, %arg0 : i32
    %broadcast_in_dim3A = arith.constant 0.000000e+00 : f32
    %broadcast_in_dim3A_1 = vector.broadcast %broadcast_in_dim3A : f32 to vector<16xf32>
    %scan3A = arith.constant 0 : i32
    %scan3A_2 = arith.constant 72 : i32
    %scan3A_3 = arith.addi %scan3A, %scan3A_2 : i32
    %scan3A_4 = arith.constant 1 : i32
    scf.for %scan3A_276 = %scan3A to %scan3A_3 step %scan3A_4  : i32 {
      %swap3A = arith.index_cast %scan3A_276 : i32 to index
      %swap3A_277 = arith.constant 0 : index
      %swap3A_278 = tpu.vector_load %arg8[%swap3A, %swap3A_277] {strides = array<i32>} : memref<72x128xf32, #tpu.memory_space<vmem>>, vector<16xf32>,
      tpu.vector_store %arg8[%swap3A, %swap3A_277], %broadcast_in_dim3A_1 {strides = array<i32>} : memref<72x128xf32, #tpu.memory_space<vmem>>, vector<16xf32>,
      %swap3A_279 = arith.index_cast %scan3A_276 : i32 to index
      %swap3A_280 = arith.constant 16 : index
      %swap3A_281 = tpu.vector_load %arg8[%swap3A_279, %swap3A_280] {strides = array<i32>} : memref<72x128xf32, #tpu.memory_space<vmem>>, vector<16xf32>,
      tpu.vector_store %arg8[%swap3A_279, %swap3A_280], %broadcast_in_dim3A_1 {strides = array<i32>} : memref<72x128xf32, #tpu.memory_space<vmem>>, vector<16xf32>,
      %swap3A_282 = arith.index_cast %scan3A_276 : i32 to index
      %swap3A_283 = arith.constant 32 : index
      %swap3A_284 = tpu.vector_load %arg8[%swap3A_282, %swap3A_283] {strides = array<i32>} : memref<72x128xf32, #tpu.memory_space<vmem>>, vector<16xf32>,
      tpu.vector_store %arg8[%swap3A_282, %swap3A_283], %broadcast_in_dim3A_1 {strides = array<i32>} : memref<72x128xf32, #tpu.memory_space<vmem>>, vector<16xf32>,
      %swap3A_285 = arith.index_cast %scan3A_276 : i32 to index
      %swap3A_286 = arith.constant 48 : index
      %swap3A_287 = tpu.vector_load %arg8[%swap3A_285, %swap3A_286] {strides = array<i32>} : memref<72x128xf32, #tpu.memory_space<vmem>>, vector<16xf32>,
      tpu.vector_store %arg8[%swap3A_285, %swap3A_286], %broadcast_in_dim3A_1 {strides = array<i32>} : memref<72x128xf32, #tpu.memory_space<vmem>>, vector<16xf32>,
      %swap3A_288 = arith.index_cast %scan3A_276 : i32 to index
      %swap3A_289 = arith.constant 64 : index
      %swap3A_290 = tpu.vector_load %arg8[%swap3A_288, %swap3A_289] {strides = array<i32>} : memref<72x128xf32, #tpu.memory_space<vmem>>, vector<16xf32>,
      tpu.vector_store %arg8[%swap3A_288, %swap3A_289], %broadcast_in_dim3A_1 {strides = array<i32>} : memref<72x128xf32, #tpu.memory_space<vmem>>, vector<16xf32>,
      %swap3A_291 = arith.index_cast %scan3A_276 : i32 to index
      %swap3A_292 = arith.constant 80 : index
      %swap3A_293 = tpu.vector_load %arg8[%swap3A_291, %swap3A_292] {strides = array<i32>} : memref<72x128xf32, #tpu.memory_space<vmem>>, vector<16xf32>,
      tpu.vector_store %arg8[%swap3A_291, %swap3A_292], %broadcast_in_dim3A_1 {strides = array<i32>} : memref<72x128xf32, #tpu.memory_space<vmem>>, vector<16xf32>,
      %swap3A_294 = arith.index_cast %scan3A_276 : i32 to index
      %swap3A_295 = arith.constant 96 : index
      %swap3A_296 = tpu.vector_load %arg8[%swap3A_294, %swap3A_295] {strides = array<i32>} : memref<72x128xf32, #tpu.memory_space<vmem>>, vector<16xf32>,
      tpu.vector_store %arg8[%swap3A_294, %swap3A_295], %broadcast_in_dim3A_1 {strides = array<i32>} : memref<72x128xf32, #tpu.memory_space<vmem>>, vector<16xf32>,
      %swap3A_297 = arith.index_cast %scan3A_276 : i32 to index
      %swap3A_298 = arith.constant 112 : index
      %swap3A_299 = tpu.vector_load %arg8[%swap3A_297, %swap3A_298] {strides = array<i32>} : memref<72x128xf32, #tpu.memory_space<vmem>>, vector<16xf32>,
      tpu.vector_store %arg8[%swap3A_297, %swap3A_298], %broadcast_in_dim3A_1 {strides = array<i32>} : memref<72x128xf32, #tpu.memory_space<vmem>>, vector<16xf32>,
    }
    %scan3A_5 = arith.constant 72 : i32
    %mul3A_6 = arith.constant 640 : i32
    %mul3A_7 = arith.muli %arg1, %mul3A_6 : i32
    %add3A_8 = arith.constant 0 : i32
    %add3A_9 = arith.addi %mul3A_7, %add3A_8 : i32
    %dma_start3A = arith.constant 0 : i32
    %dma_start3A_10 = arith.constant 0 : i32
    %dma_start3A_11 = tpu.memref_slice %arg8[%dma_start3A, %dma_start3A_10] : memref<72x128xf32, #tpu.memory_space<vmem>> -> memref<72x128xf32, #tpu.memory_space<vmem>>
    %dma_start3A_12 = arith.constant 0 : i32
    %dma_start3A_13 = tpu.memref_slice %arg11[%add3A_9, %dma_start3A_12] : memref<10240x128xf32, #tpu.memory_space<vmem_shared>> -> memref<72x128xf32, #tpu.memory_space<vmem_shared>>
    %dma_start3A_14 = arith.constant 0 : i32
    %dma_start3A_15 = tpu.memref_slice %arg11[%add3A_9, %dma_start3A_14] : memref<10240x128xf32, #tpu.memory_space<vmem_shared>> -> memref<72x128xf32, #tpu.memory_space<vmem_shared>>
    %dma_start3A_16 = arith.constant 0 : i32
    %dma_start3A_17 = arith.constant 0 : i32
    %dma_start3A_18 = tpu.memref_slice %arg8[%dma_start3A_16, %dma_start3A_17] : memref<72x128xf32, #tpu.memory_space<vmem>> -> memref<72x128xf32, #tpu.memory_space<vmem>>
    tpu.enqueue_dma source(%dma_start3A_18 : memref<72x128xf32, #tpu.memory_space<vmem>>) target(%dma_start3A_15 : memref<72x128xf32, #tpu.memory_space<vmem_shared>>) target_semaphore(%arg18 : memref<!tpu.dma_semaphore, #tpu.memory_space<semaphore_mem>>)
    %mul3A_19 = arith.constant 640 : i32
    %mul3A_20 = arith.muli %arg1, %mul3A_19 : i32
    %add3A_21 = arith.constant 72 : i32
    %add3A_22 = arith.addi %mul3A_20, %add3A_21 : i32
    %dma_start3A_23 = arith.constant 0 : i32
    %dma_start3A_24 = arith.constant 0 : i32
    %dma_start3A_25 = tpu.memref_slice %arg8[%dma_start3A_23, %dma_start3A_24] : memref<72x128xf32, #tpu.memory_space<vmem>> -> memref<72x128xf32, #tpu.memory_space<vmem>>
    %dma_start3A_26 = arith.constant 0 : i32
    %dma_start3A_27 = tpu.memref_slice %arg11[%add3A_22, %dma_start3A_26] : memref<10240x128xf32, #tpu.memory_space<vmem_shared>> -> memref<72x128xf32, #tpu.memory_space<vmem_shared>>
    %dma_start3A_28 = arith.constant 0 : i32
    %dma_start3A_29 = tpu.memref_slice %arg11[%add3A_22, %dma_start3A_28] : memref<10240x128xf32, #tpu.memory_space<vmem_shared>> -> memref<72x128xf32, #tpu.memory_space<vmem_shared>>
    %dma_start3A_30 = arith.constant 0 : i32
    %dma_start3A_31 = arith.constant 0 : i32
    %dma_start3A_32 = tpu.memref_slice %arg8[%dma_start3A_30, %dma_start3A_31] : memref<72x128xf32, #tpu.memory_space<vmem>> -> memref<72x128xf32, #tpu.memory_space<vmem>>
    tpu.enqueue_dma source(%dma_start3A_32 : memref<72x128xf32, #tpu.memory_space<vmem>>) target(%dma_start3A_29 : memref<72x128xf32, #tpu.memory_space<vmem_shared>>) target_semaphore(%arg18 : memref<!tpu.dma_semaphore, #tpu.memory_space<semaphore_mem>>)
    %mul3A_33 = arith.constant 640 : i32
    %mul3A_34 = arith.muli %arg1, %mul3A_33 : i32
    %add3A_35 = arith.constant 144 : i32
    %add3A_36 = arith.addi %mul3A_34, %add3A_35 : i32
    %dma_start3A_37 = arith.constant 0 : i32
    %dma_start3A_38 = arith.constant 0 : i32
    %dma_start3A_39 = tpu.memref_slice %arg8[%dma_start3A_37, %dma_start3A_38] : memref<72x128xf32, #tpu.memory_space<vmem>> -> memref<72x128xf32, #tpu.memory_space<vmem>>
    %dma_start3A_40 = arith.constant 0 : i32
    %dma_start3A_41 = tpu.memref_slice %arg11[%add3A_36, %dma_start3A_40] : memref<10240x128xf32, #tpu.memory_space<vmem_shared>> -> memref<72x128xf32, #tpu.memory_space<vmem_shared>>
    %dma_start3A_42 = arith.constant 0 : i32
    %dma_start3A_43 = tpu.memref_slice %arg11[%add3A_36, %dma_start3A_42] : memref<10240x128xf32, #tpu.memory_space<vmem_shared>> -> memref<72x128xf32, #tpu.memory_space<vmem_shared>>
    %dma_start3A_44 = arith.constant 0 : i32
    %dma_start3A_45 = arith.constant 0 : i32
    %dma_start3A_46 = tpu.memref_slice %arg8[%dma_start3A_44, %dma_start3A_45] : memref<72x128xf32, #tpu.memory_space<vmem>> -> memref<72x128xf32, #tpu.memory_space<vmem>>
    tpu.enqueue_dma source(%dma_start3A_46 : memref<72x128xf32, #tpu.memory_space<vmem>>) target(%dma_start3A_43 : memref<72x128xf32, #tpu.memory_space<vmem_shared>>) target_semaphore(%arg18 : memref<!tpu.dma_semaphore, #tpu.memory_space<semaphore_mem>>)
    %mul3A_47 = arith.constant 640 : i32
    %mul3A_48 = arith.muli %arg1, %mul3A_47 : i32
    %add3A_49 = arith.constant 216 : i32
    %add3A_50 = arith.addi %mul3A_48, %add3A_49 : i32
    %dma_start3A_51 = arith.constant 0 : i32
    %dma_start3A_52 = arith.constant 0 : i32
    %dma_start3A_53 = tpu.memref_slice %arg8[%dma_start3A_51, %dma_start3A_52] : memref<72x128xf32, #tpu.memory_space<vmem>> -> memref<72x128xf32, #tpu.memory_space<vmem>>
    %dma_start3A_54 = arith.constant 0 : i32
    %dma_start3A_55 = tpu.memref_slice %arg11[%add3A_50, %dma_start3A_54] : memref<10240x128xf32, #tpu.memory_space<vmem_shared>> -> memref<72x128xf32, #tpu.memory_space<vmem_shared>>
    %dma_start3A_56 = arith.constant 0 : i32
    %dma_start3A_57 = tpu.memref_slice %arg11[%add3A_50, %dma_start3A_56] : memref<10240x128xf32, #tpu.memory_space<vmem_shared>> -> memref<72x128xf32, #tpu.memory_space<vmem_shared>>
    %dma_start3A_58 = arith.constant 0 : i32
    %dma_start3A_59 = arith.constant 0 : i32
    %dma_start3A_60 = tpu.memref_slice %arg8[%dma_start3A_58, %dma_start3A_59] : memref<72x128xf32, #tpu.memory_space<vmem>> -> memref<72x128xf32, #tpu.memory_space<vmem>>
    tpu.enqueue_dma source(%dma_start3A_60 : memref<72x128xf32, #tpu.memory_space<vmem>>) target(%dma_start3A_57 : memref<72x128xf32, #tpu.memory_space<vmem_shared>>) target_semaphore(%arg18 : memref<!tpu.dma_semaphore, #tpu.memory_space<semaphore_mem>>)
    %mul3A_61 = arith.constant 640 : i32
    %mul3A_62 = arith.muli %arg1, %mul3A_61 : i32
    %add3A_63 = arith.constant 288 : i32
    %add3A_64 = arith.addi %mul3A_62, %add3A_63 : i32
    %dma_start3A_65 = arith.constant 0 : i32
    %dma_start3A_66 = arith.constant 0 : i32
    %dma_start3A_67 = tpu.memref_slice %arg8[%dma_start3A_65, %dma_start3A_66] : memref<72x128xf32, #tpu.memory_space<vmem>> -> memref<72x128xf32, #tpu.memory_space<vmem>>
    %dma_start3A_68 = arith.constant 0 : i32
    %dma_start3A_69 = tpu.memref_slice %arg11[%add3A_64, %dma_start3A_68] : memref<10240x128xf32, #tpu.memory_space<vmem_shared>> -> memref<72x128xf32, #tpu.memory_space<vmem_shared>>
    %dma_start3A_70 = arith.constant 0 : i32
    %dma_start3A_71 = tpu.memref_slice %arg11[%add3A_64, %dma_start3A_70] : memref<10240x128xf32, #tpu.memory_space<vmem_shared>> -> memref<72x128xf32, #tpu.memory_space<vmem_shared>>
    %dma_start3A_72 = arith.constant 0 : i32
    %dma_start3A_73 = arith.constant 0 : i32
    %dma_start3A_74 = tpu.memref_slice %arg8[%dma_start3A_72, %dma_start3A_73] : memref<72x128xf32, #tpu.memory_space<vmem>> -> memref<72x128xf32, #tpu.memory_space<vmem>>
    tpu.enqueue_dma source(%dma_start3A_74 : memref<72x128xf32, #tpu.memory_space<vmem>>) target(%dma_start3A_71 : memref<72x128xf32, #tpu.memory_space<vmem_shared>>) target_semaphore(%arg18 : memref<!tpu.dma_semaphore, #tpu.memory_space<semaphore_mem>>)
    %mul3A_75 = arith.constant 640 : i32
    %mul3A_76 = arith.muli %arg1, %mul3A_75 : i32
    %add3A_77 = arith.constant 360 : i32
    %add3A_78 = arith.addi %mul3A_76, %add3A_77 : i32
    %dma_start3A_79 = arith.constant 0 : i32
    %dma_start3A_80 = arith.constant 0 : i32
    %dma_start3A_81 = tpu.memref_slice %arg8[%dma_start3A_79, %dma_start3A_80] : memref<72x128xf32, #tpu.memory_space<vmem>> -> memref<72x128xf32, #tpu.memory_space<vmem>>
    %dma_start3A_82 = arith.constant 0 : i32
    %dma_start3A_83 = tpu.memref_slice %arg11[%add3A_78, %dma_start3A_82] : memref<10240x128xf32, #tpu.memory_space<vmem_shared>> -> memref<72x128xf32, #tpu.memory_space<vmem_shared>>
    %dma_start3A_84 = arith.constant 0 : i32
    %dma_start3A_85 = tpu.memref_slice %arg11[%add3A_78, %dma_start3A_84] : memref<10240x128xf32, #tpu.memory_space<vmem_shared>> -> memref<72x128xf32, #tpu.memory_space<vmem_shared>>
    %dma_start3A_86 = arith.constant 0 : i32
    %dma_start3A_87 = arith.constant 0 : i32
    %dma_start3A_88 = tpu.memref_slice %arg8[%dma_start3A_86, %dma_start3A_87] : memref<72x128xf32, #tpu.memory_space<vmem>> -> memref<72x128xf32, #tpu.memory_space<vmem>>
    tpu.enqueue_dma source(%dma_start3A_88 : memref<72x128xf32, #tpu.memory_space<vmem>>) target(%dma_start3A_85 : memref<72x128xf32, #tpu.memory_space<vmem_shared>>) target_semaphore(%arg18 : memref<!tpu.dma_semaphore, #tpu.memory_space<semaphore_mem>>)
    %mul3A_89 = arith.constant 640 : i32
    %mul3A_90 = arith.muli %arg1, %mul3A_89 : i32
    %add3A_91 = arith.constant 432 : i32
    %add3A_92 = arith.addi %mul3A_90, %add3A_91 : i32
    %dma_start3A_93 = arith.constant 0 : i32
    %dma_start3A_94 = arith.constant 0 : i32
    %dma_start3A_95 = tpu.memref_slice %arg8[%dma_start3A_93, %dma_start3A_94] : memref<72x128xf32, #tpu.memory_space<vmem>> -> memref<72x128xf32, #tpu.memory_space<vmem>>
    %dma_start3A_96 = arith.constant 0 : i32
    %dma_start3A_97 = tpu.memref_slice %arg11[%add3A_92, %dma_start3A_96] : memref<10240x128xf32, #tpu.memory_space<vmem_shared>> -> memref<72x128xf32, #tpu.memory_space<vmem_shared>>
    %dma_start3A_98 = arith.constant 0 : i32
    %dma_start3A_99 = tpu.memref_slice %arg11[%add3A_92, %dma_start3A_98] : memref<10240x128xf32, #tpu.memory_space<vmem_shared>> -> memref<72x128xf32, #tpu.memory_space<vmem_shared>>
    %dma_start3A_100 = arith.constant 0 : i32
    %dma_start3A_101 = arith.constant 0 : i32
    %dma_start3A_102 = tpu.memref_slice %arg8[%dma_start3A_100, %dma_start3A_101] : memref<72x128xf32, #tpu.memory_space<vmem>> -> memref<72x128xf32, #tpu.memory_space<vmem>>
    tpu.enqueue_dma source(%dma_start3A_102 : memref<72x128xf32, #tpu.memory_space<vmem>>) target(%dma_start3A_99 : memref<72x128xf32, #tpu.memory_space<vmem_shared>>) target_semaphore(%arg18 : memref<!tpu.dma_semaphore, #tpu.memory_space<semaphore_mem>>)
    %mul3A_103 = arith.constant 640 : i32
    %mul3A_104 = arith.muli %arg1, %mul3A_103 : i32
    %add3A_105 = arith.constant 504 : i32
    %add3A_106 = arith.addi %mul3A_104, %add3A_105 : i32
    %dma_start3A_107 = arith.constant 0 : i32
    %dma_start3A_108 = arith.constant 0 : i32
    %dma_start3A_109 = tpu.memref_slice %arg8[%dma_start3A_107, %dma_start3A_108] : memref<72x128xf32, #tpu.memory_space<vmem>> -> memref<72x128xf32, #tpu.memory_space<vmem>>
    %dma_start3A_110 = arith.constant 0 : i32
    %dma_start3A_111 = tpu.memref_slice %arg11[%add3A_106, %dma_start3A_110] : memref<10240x128xf32, #tpu.memory_space<vmem_shared>> -> memref<72x128xf32, #tpu.memory_space<vmem_shared>>
    %dma_start3A_112 = arith.constant 0 : i32
    %dma_start3A_113 = tpu.memref_slice %arg11[%add3A_106, %dma_start3A_112] : memref<10240x128xf32, #tpu.memory_space<vmem_shared>> -> memref<72x128xf32, #tpu.memory_space<vmem_shared>>
    %dma_start3A_114 = arith.constant 0 : i32
    %dma_start3A_115 = arith.constant 0 : i32
    %dma_start3A_116 = tpu.memref_slice %arg8[%dma_start3A_114, %dma_start3A_115] : memref<72x128xf32, #tpu.memory_space<vmem>> -> memref<72x128xf32, #tpu.memory_space<vmem>>
    tpu.enqueue_dma source(%dma_start3A_116 : memref<72x128xf32, #tpu.memory_space<vmem>>) target(%dma_start3A_113 : memref<72x128xf32, #tpu.memory_space<vmem_shared>>) target_semaphore(%arg18 : memref<!tpu.dma_semaphore, #tpu.memory_space<semaphore_mem>>)
    %mul3A_117 = arith.constant 640 : i32
    %mul3A_118 = arith.muli %arg1, %mul3A_117 : i32
    %add3A_119 = arith.constant 576 : i32
    %add3A_120 = arith.addi %mul3A_118, %add3A_119 : i32
    %dma_start3A_121 = arith.constant 0 : i32
    %dma_start3A_122 = arith.constant 0 : i32
    %dma_start3A_123 = tpu.memref_slice %arg8[%dma_start3A_121, %dma_start3A_122] : memref<72x128xf32, #tpu.memory_space<vmem>> -> memref<64x128xf32, #tpu.memory_space<vmem>>
    %dma_start3A_124 = arith.constant 0 : i32
    %dma_start3A_125 = tpu.memref_slice %arg11[%add3A_120, %dma_start3A_124] : memref<10240x128xf32, #tpu.memory_space<vmem_shared>> -> memref<64x128xf32, #tpu.memory_space<vmem_shared>>
    %dma_start3A_126 = arith.constant 0 : i32
    %dma_start3A_127 = tpu.memref_slice %arg11[%add3A_120, %dma_start3A_126] : memref<10240x128xf32, #tpu.memory_space<vmem_shared>> -> memref<64x128xf32, #tpu.memory_space<vmem_shared>>
    %dma_start3A_128 = arith.constant 0 : i32
    %dma_start3A_129 = arith.constant 0 : i32
    %dma_start3A_130 = tpu.memref_slice %arg8[%dma_start3A_128, %dma_start3A_129] : memref<72x128xf32, #tpu.memory_space<vmem>> -> memref<64x128xf32, #tpu.memory_space<vmem>>
    tpu.enqueue_dma source(%dma_start3A_130 : memref<64x128xf32, #tpu.memory_space<vmem>>) target(%dma_start3A_127 : memref<64x128xf32, #tpu.memory_space<vmem_shared>>) target_semaphore(%arg18 : memref<!tpu.dma_semaphore, #tpu.memory_space<semaphore_mem>>)
    "tpu.region"() ({
      %run_scoped3A_276 = tpu.sem_alloc : memref<!tpu.dma_semaphore, #tpu.memory_space<semaphore_mem>>
      %dma_start3A_277 = arith.constant 0 : i32
      %dma_start3A_278 = arith.constant 0 : i32
      %dma_start3A_279 = tpu.memref_slice %arg3[%add3A, %dma_start3A_277, %dma_start3A_278] : memref<32x139x72xi32, #tpu.memory_space<hbm>> -> memref<1x139x72xi32, #tpu.memory_space<hbm>>
      %dma_start3A_280 = tpu.memref_squeeze %dma_start3A_279 : memref<1x139x72xi32, #tpu.memory_space<hbm>> -> memref<139x72xi32, #tpu.memory_space<hbm>>
      %dma_start3A_281 = arith.constant 0 : i32
      %dma_start3A_282 = arith.constant 0 : i32
      %dma_start3A_283 = tpu.memref_slice %arg3[%add3A, %dma_start3A_281, %dma_start3A_282] : memref<32x139x72xi32, #tpu.memory_space<hbm>> -> memref<1x139x72xi32, #tpu.memory_space<hbm>>
      %dma_start3A_284 = tpu.memref_squeeze %dma_start3A_283 : memref<1x139x72xi32, #tpu.memory_space<hbm>> -> memref<139x72xi32, #tpu.memory_space<hbm>>
      tpu.enqueue_dma source(%dma_start3A_284 : memref<139x72xi32, #tpu.memory_space<hbm>>) target(%arg6 : memref<139x72xi32, #tpu.memory_space<vmem>>) target_semaphore(%run_scoped3A_276 : memref<!tpu.dma_semaphore, #tpu.memory_space<semaphore_mem>>)
      %dma_wait3A_285 = arith.constant 0 : i32
      %dma_wait3A_286 = arith.constant 0 : i32
      %dma_wait3A_287 = tpu.memref_slice %arg3[%add3A, %dma_wait3A_285, %dma_wait3A_286] : memref<32x139x72xi32, #tpu.memory_space<hbm>> -> memref<1x139x72xi32, #tpu.memory_space<hbm>>
      %dma_wait3A_288 = tpu.memref_squeeze %dma_wait3A_287 : memref<1x139x72xi32, #tpu.memory_space<hbm>> -> memref<139x72xi32, #tpu.memory_space<hbm>>
      %dma_wait3A_289 = arith.constant 0 : i32
      %dma_wait3A_290 = arith.constant 0 : i32
      %dma_wait3A_291 = tpu.memref_slice %arg3[%add3A, %dma_wait3A_289, %dma_wait3A_290] : memref<32x139x72xi32, #tpu.memory_space<hbm>> -> memref<1x139x72xi32, #tpu.memory_space<hbm>>
      %dma_wait3A_292 = tpu.memref_squeeze %dma_wait3A_291 : memref<1x139x72xi32, #tpu.memory_space<hbm>> -> memref<139x72xi32, #tpu.memory_space<hbm>>
      tpu.wait_dma2 semaphore(%run_scoped3A_276 : memref<!tpu.dma_semaphore, #tpu.memory_space<semaphore_mem>>) src(%dma_wait3A_292 : memref<139x72xi32, #tpu.memory_space<hbm>>) dst(%arg6 : memref<139x72xi32, #tpu.memory_space<vmem>>)
      tpu.yield
    }) : () -> ()
    "tpu.region"() ({
      %run_scoped3A_276 = tpu.sem_alloc : memref<!tpu.dma_semaphore, #tpu.memory_space<semaphore_mem>>
      %dma_start3A_277 = arith.constant 0 : i32
      %dma_start3A_278 = arith.constant 0 : i32
      %dma_start3A_279 = tpu.memref_slice %arg4[%add3A, %dma_start3A_277, %dma_start3A_278] : memref<32x139x72xi32, #tpu.memory_space<hbm>> -> memref<1x139x72xi32, #tpu.memory_space<hbm>>
      %dma_start3A_280 = tpu.memref_squeeze %dma_start3A_279 : memref<1x139x72xi32, #tpu.memory_space<hbm>> -> memref<139x72xi32, #tpu.memory_space<hbm>>
      %dma_start3A_281 = arith.constant 0 : i32
      %dma_start3A_282 = arith.constant 0 : i32
      %dma_start3A_283 = tpu.memref_slice %arg4[%add3A, %dma_start3A_281, %dma_start3A_282] : memref<32x139x72xi32, #tpu.memory_space<hbm>> -> memref<1x139x72xi32, #tpu.memory_space<hbm>>
      %dma_start3A_284 = tpu.memref_squeeze %dma_start3A_283 : memref<1x139x72xi32, #tpu.memory_space<hbm>> -> memref<139x72xi32, #tpu.memory_space<hbm>>
      tpu.enqueue_dma source(%dma_start3A_284 : memref<139x72xi32, #tpu.memory_space<hbm>>) target(%arg7 : memref<139x72xi32, #tpu.memory_space<vmem>>) target_semaphore(%run_scoped3A_276 : memref<!tpu.dma_semaphore, #tpu.memory_space<semaphore_mem>>)
      %dma_wait3A_285 = arith.constant 0 : i32
      %dma_wait3A_286 = arith.constant 0 : i32
      %dma_wait3A_287 = tpu.memref_slice %arg4[%add3A, %dma_wait3A_285, %dma_wait3A_286] : memref<32x139x72xi32, #tpu.memory_space<hbm>> -> memref<1x139x72xi32, #tpu.memory_space<hbm>>
      %dma_wait3A_288 = tpu.memref_squeeze %dma_wait3A_287 : memref<1x139x72xi32, #tpu.memory_space<hbm>> -> memref<139x72xi32, #tpu.memory_space<hbm>>
      %dma_wait3A_289 = arith.constant 0 : i32
      %dma_wait3A_290 = arith.constant 0 : i32
      %dma_wait3A_291 = tpu.memref_slice %arg4[%add3A, %dma_wait3A_289, %dma_wait3A_290] : memref<32x139x72xi32, #tpu.memory_space<hbm>> -> memref<1x139x72xi32, #tpu.memory_space<hbm>>
      %dma_wait3A_292 = tpu.memref_squeeze %dma_wait3A_291 : memref<1x139x72xi32, #tpu.memory_space<hbm>> -> memref<139x72xi32, #tpu.memory_space<hbm>>
      tpu.wait_dma2 semaphore(%run_scoped3A_276 : memref<!tpu.dma_semaphore, #tpu.memory_space<semaphore_mem>>) src(%dma_wait3A_292 : memref<139x72xi32, #tpu.memory_space<hbm>>) dst(%arg7 : memref<139x72xi32, #tpu.memory_space<vmem>>)
      tpu.yield
    }) : () -> ()
    %mul3A_131 = arith.constant 640 : i32
    %mul3A_132 = arith.muli %arg1, %mul3A_131 : i32
    %dma_wait3A = arith.constant 0 : i32
    %dma_wait3A_133 = arith.constant 0 : i32
    %dma_wait3A_134 = tpu.memref_slice %arg8[%dma_wait3A, %dma_wait3A_133] : memref<72x128xf32, #tpu.memory_space<vmem>> -> memref<72x128xf32, #tpu.memory_space<vmem>>
    %dma_wait3A_135 = arith.constant 0 : i32
    %dma_wait3A_136 = tpu.memref_slice %arg11[%mul3A_132, %dma_wait3A_135] : memref<10240x128xf32, #tpu.memory_space<vmem_shared>> -> memref<72x128xf32, #tpu.memory_space<vmem_shared>>
    %dma_wait3A_137 = arith.constant 0 : i32
    %dma_wait3A_138 = tpu.memref_slice %arg11[%mul3A_132, %dma_wait3A_137] : memref<10240x128xf32, #tpu.memory_space<vmem_shared>> -> memref<72x128xf32, #tpu.memory_space<vmem_shared>>
    %dma_wait3A_139 = arith.constant 0 : i32
    %dma_wait3A_140 = arith.constant 0 : i32
    %dma_wait3A_141 = tpu.memref_slice %arg8[%dma_wait3A_139, %dma_wait3A_140] : memref<72x128xf32, #tpu.memory_space<vmem>> -> memref<72x128xf32, #tpu.memory_space<vmem>>
    tpu.wait_dma2 semaphore(%arg18 : memref<!tpu.dma_semaphore, #tpu.memory_space<semaphore_mem>>) src(%dma_wait3A_141 : memref<72x128xf32, #tpu.memory_space<vmem>>) dst(%dma_wait3A_138 : memref<72x128xf32, #tpu.memory_space<vmem_shared>>)
    %mul3A_142 = arith.constant 640 : i32
    %mul3A_143 = arith.muli %arg1, %mul3A_142 : i32
    %dma_wait3A_144 = arith.constant 0 : i32
    %dma_wait3A_145 = arith.constant 0 : i32
    %dma_wait3A_146 = tpu.memref_slice %arg8[%dma_wait3A_144, %dma_wait3A_145] : memref<72x128xf32, #tpu.memory_space<vmem>> -> memref<72x128xf32, #tpu.memory_space<vmem>>
    %dma_wait3A_147 = arith.constant 0 : i32
    %dma_wait3A_148 = tpu.memref_slice %arg11[%mul3A_143, %dma_wait3A_147] : memref<10240x128xf32, #tpu.memory_space<vmem_shared>> -> memref<72x128xf32, #tpu.memory_space<vmem_shared>>
    %dma_wait3A_149 = arith.constant 0 : i32
    %dma_wait3A_150 = tpu.memref_slice %arg11[%mul3A_143, %dma_wait3A_149] : memref<10240x128xf32, #tpu.memory_space<vmem_shared>> -> memref<72x128xf32, #tpu.memory_space<vmem_shared>>
    %dma_wait3A_151 = arith.constant 0 : i32
    %dma_wait3A_152 = arith.constant 0 : i32
    %dma_wait3A_153 = tpu.memref_slice %arg8[%dma_wait3A_151, %dma_wait3A_152] : memref<72x128xf32, #tpu.memory_space<vmem>> -> memref<72x128xf32, #tpu.memory_space<vmem>>
    tpu.wait_dma2 semaphore(%arg18 : memref<!tpu.dma_semaphore, #tpu.memory_space<semaphore_mem>>) src(%dma_wait3A_153 : memref<72x128xf32, #tpu.memory_space<vmem>>) dst(%dma_wait3A_150 : memref<72x128xf32, #tpu.memory_space<vmem_shared>>)
    %mul3A_154 = arith.constant 640 : i32
    %mul3A_155 = arith.muli %arg1, %mul3A_154 : i32
    %dma_wait3A_156 = arith.constant 0 : i32
    %dma_wait3A_157 = arith.constant 0 : i32
    %dma_wait3A_158 = tpu.memref_slice %arg8[%dma_wait3A_156, %dma_wait3A_157] : memref<72x128xf32, #tpu.memory_space<vmem>> -> memref<72x128xf32, #tpu.memory_space<vmem>>
    %dma_wait3A_159 = arith.constant 0 : i32
    %dma_wait3A_160 = tpu.memref_slice %arg11[%mul3A_155, %dma_wait3A_159] : memref<10240x128xf32, #tpu.memory_space<vmem_shared>> -> memref<72x128xf32, #tpu.memory_space<vmem_shared>>
    %dma_wait3A_161 = arith.constant 0 : i32
    %dma_wait3A_162 = tpu.memref_slice %arg11[%mul3A_155, %dma_wait3A_161] : memref<10240x128xf32, #tpu.memory_space<vmem_shared>> -> memref<72x128xf32, #tpu.memory_space<vmem_shared>>
    %dma_wait3A_163 = arith.constant 0 : i32
    %dma_wait3A_164 = arith.constant 0 : i32
    %dma_wait3A_165 = tpu.memref_slice %arg8[%dma_wait3A_163, %dma_wait3A_164] : memref<72x128xf32, #tpu.memory_space<vmem>> -> memref<72x128xf32, #tpu.memory_space<vmem>>
    tpu.wait_dma2 semaphore(%arg18 : memref<!tpu.dma_semaphore, #tpu.memory_space<semaphore_mem>>) src(%dma_wait3A_165 : memref<72x128xf32, #tpu.memory_space<vmem>>) dst(%dma_wait3A_162 : memref<72x128xf32, #tpu.memory_space<vmem_shared>>)
    %mul3A_166 = arith.constant 640 : i32
    %mul3A_167 = arith.muli %arg1, %mul3A_166 : i32
    %dma_wait3A_168 = arith.constant 0 : i32
    %dma_wait3A_169 = arith.constant 0 : i32
    %dma_wait3A_170 = tpu.memref_slice %arg8[%dma_wait3A_168, %dma_wait3A_169] : memref<72x128xf32, #tpu.memory_space<vmem>> -> memref<72x128xf32, #tpu.memory_space<vmem>>
    %dma_wait3A_171 = arith.constant 0 : i32
    %dma_wait3A_172 = tpu.memref_slice %arg11[%mul3A_167, %dma_wait3A_171] : memref<10240x128xf32, #tpu.memory_space<vmem_shared>> -> memref<72x128xf32, #tpu.memory_space<vmem_shared>>
    %dma_wait3A_173 = arith.constant 0 : i32
    %dma_wait3A_174 = tpu.memref_slice %arg11[%mul3A_167, %dma_wait3A_173] : memref<10240x128xf32, #tpu.memory_space<vmem_shared>> -> memref<72x128xf32, #tpu.memory_space<vmem_shared>>
    %dma_wait3A_175 = arith.constant 0 : i32
    %dma_wait3A_176 = arith.constant 0 : i32
    %dma_wait3A_177 = tpu.memref_slice %arg8[%dma_wait3A_175, %dma_wait3A_176] : memref<72x128xf32, #tpu.memory_space<vmem>> -> memref<72x128xf32, #tpu.memory_space<vmem>>
    tpu.wait_dma2 semaphore(%arg18 : memref<!tpu.dma_semaphore, #tpu.memory_space<semaphore_mem>>) src(%dma_wait3A_177 : memref<72x128xf32, #tpu.memory_space<vmem>>) dst(%dma_wait3A_174 : memref<72x128xf32, #tpu.memory_space<vmem_shared>>)
    %mul3A_178 = arith.constant 640 : i32
    %mul3A_179 = arith.muli %arg1, %mul3A_178 : i32
    %dma_wait3A_180 = arith.constant 0 : i32
    %dma_wait3A_181 = arith.constant 0 : i32
    %dma_wait3A_182 = tpu.memref_slice %arg8[%dma_wait3A_180, %dma_wait3A_181] : memref<72x128xf32, #tpu.memory_space<vmem>> -> memref<72x128xf32, #tpu.memory_space<vmem>>
    %dma_wait3A_183 = arith.constant 0 : i32
    %dma_wait3A_184 = tpu.memref_slice %arg11[%mul3A_179, %dma_wait3A_183] : memref<10240x128xf32, #tpu.memory_space<vmem_shared>> -> memref<72x128xf32, #tpu.memory_space<vmem_shared>>
    %dma_wait3A_185 = arith.constant 0 : i32
    %dma_wait3A_186 = tpu.memref_slice %arg11[%mul3A_179, %dma_wait3A_185] : memref<10240x128xf32, #tpu.memory_space<vmem_shared>> -> memref<72x128xf32, #tpu.memory_space<vmem_shared>>
    %dma_wait3A_187 = arith.constant 0 : i32
    %dma_wait3A_188 = arith.constant 0 : i32
    %dma_wait3A_189 = tpu.memref_slice %arg8[%dma_wait3A_187, %dma_wait3A_188] : memref<72x128xf32, #tpu.memory_space<vmem>> -> memref<72x128xf32, #tpu.memory_space<vmem>>
    tpu.wait_dma2 semaphore(%arg18 : memref<!tpu.dma_semaphore, #tpu.memory_space<semaphore_mem>>) src(%dma_wait3A_189 : memref<72x128xf32, #tpu.memory_space<vmem>>) dst(%dma_wait3A_186 : memref<72x128xf32, #tpu.memory_space<vmem_shared>>)
    %mul3A_190 = arith.constant 640 : i32
    %mul3A_191 = arith.muli %arg1, %mul3A_190 : i32
    %dma_wait3A_192 = arith.constant 0 : i32
    %dma_wait3A_193 = arith.constant 0 : i32
    %dma_wait3A_194 = tpu.memref_slice %arg8[%dma_wait3A_192, %dma_wait3A_193] : memref<72x128xf32, #tpu.memory_space<vmem>> -> memref<72x128xf32, #tpu.memory_space<vmem>>
    %dma_wait3A_195 = arith.constant 0 : i32
    %dma_wait3A_196 = tpu.memref_slice %arg11[%mul3A_191, %dma_wait3A_195] : memref<10240x128xf32, #tpu.memory_space<vmem_shared>> -> memref<72x128xf32, #tpu.memory_space<vmem_shared>>
    %dma_wait3A_197 = arith.constant 0 : i32
    %dma_wait3A_198 = tpu.memref_slice %arg11[%mul3A_191, %dma_wait3A_197] : memref<10240x128xf32, #tpu.memory_space<vmem_shared>> -> memref<72x128xf32, #tpu.memory_space<vmem_shared>>
    %dma_wait3A_199 = arith.constant 0 : i32
    %dma_wait3A_200 = arith.constant 0 : i32
    %dma_wait3A_201 = tpu.memref_slice %arg8[%dma_wait3A_199, %dma_wait3A_200] : memref<72x128xf32, #tpu.memory_space<vmem>> -> memref<72x128xf32, #tpu.memory_space<vmem>>
    tpu.wait_dma2 semaphore(%arg18 : memref<!tpu.dma_semaphore, #tpu.memory_space<semaphore_mem>>) src(%dma_wait3A_201 : memref<72x128xf32, #tpu.memory_space<vmem>>) dst(%dma_wait3A_198 : memref<72x128xf32, #tpu.memory_space<vmem_shared>>)
    %mul3A_202 = arith.constant 640 : i32
    %mul3A_203 = arith.muli %arg1, %mul3A_202 : i32
    %dma_wait3A_204 = arith.constant 0 : i32
    %dma_wait3A_205 = arith.constant 0 : i32
    %dma_wait3A_206 = tpu.memref_slice %arg8[%dma_wait3A_204, %dma_wait3A_205] : memref<72x128xf32, #tpu.memory_space<vmem>> -> memref<72x128xf32, #tpu.memory_space<vmem>>
    %dma_wait3A_207 = arith.constant 0 : i32
    %dma_wait3A_208 = tpu.memref_slice %arg11[%mul3A_203, %dma_wait3A_207] : memref<10240x128xf32, #tpu.memory_space<vmem_shared>> -> memref<72x128xf32, #tpu.memory_space<vmem_shared>>
    %dma_wait3A_209 = arith.constant 0 : i32
    %dma_wait3A_210 = tpu.memref_slice %arg11[%mul3A_203, %dma_wait3A_209] : memref<10240x128xf32, #tpu.memory_space<vmem_shared>> -> memref<72x128xf32, #tpu.memory_space<vmem_shared>>
    %dma_wait3A_211 = arith.constant 0 : i32
    %dma_wait3A_212 = arith.constant 0 : i32
    %dma_wait3A_213 = tpu.memref_slice %arg8[%dma_wait3A_211, %dma_wait3A_212] : memref<72x128xf32, #tpu.memory_space<vmem>> -> memref<72x128xf32, #tpu.memory_space<vmem>>
    tpu.wait_dma2 semaphore(%arg18 : memref<!tpu.dma_semaphore, #tpu.memory_space<semaphore_mem>>) src(%dma_wait3A_213 : memref<72x128xf32, #tpu.memory_space<vmem>>) dst(%dma_wait3A_210 : memref<72x128xf32, #tpu.memory_space<vmem_shared>>)
    %mul3A_214 = arith.constant 640 : i32
    %mul3A_215 = arith.muli %arg1, %mul3A_214 : i32
    %dma_wait3A_216 = arith.constant 0 : i32
    %dma_wait3A_217 = arith.constant 0 : i32
    %dma_wait3A_218 = tpu.memref_slice %arg8[%dma_wait3A_216, %dma_wait3A_217] : memref<72x128xf32, #tpu.memory_space<vmem>> -> memref<72x128xf32, #tpu.memory_space<vmem>>
    %dma_wait3A_219 = arith.constant 0 : i32
    %dma_wait3A_220 = tpu.memref_slice %arg11[%mul3A_215, %dma_wait3A_219] : memref<10240x128xf32, #tpu.memory_space<vmem_shared>> -> memref<72x128xf32, #tpu.memory_space<vmem_shared>>
    %dma_wait3A_221 = arith.constant 0 : i32
    %dma_wait3A_222 = tpu.memref_slice %arg11[%mul3A_215, %dma_wait3A_221] : memref<10240x128xf32, #tpu.memory_space<vmem_shared>> -> memref<72x128xf32, #tpu.memory_space<vmem_shared>>
    %dma_wait3A_223 = arith.constant 0 : i32
    %dma_wait3A_224 = arith.constant 0 : i32
    %dma_wait3A_225 = tpu.memref_slice %arg8[%dma_wait3A_223, %dma_wait3A_224] : memref<72x128xf32, #tpu.memory_space<vmem>> -> memref<72x128xf32, #tpu.memory_space<vmem>>
    tpu.wait_dma2 semaphore(%arg18 : memref<!tpu.dma_semaphore, #tpu.memory_space<semaphore_mem>>) src(%dma_wait3A_225 : memref<72x128xf32, #tpu.memory_space<vmem>>) dst(%dma_wait3A_222 : memref<72x128xf32, #tpu.memory_space<vmem_shared>>)
    %mul3A_226 = arith.constant 640 : i32
    %mul3A_227 = arith.muli %arg1, %mul3A_226 : i32
    %dma_wait3A_228 = arith.constant 0 : i32
    %dma_wait3A_229 = arith.constant 0 : i32
    %dma_wait3A_230 = tpu.memref_slice %arg8[%dma_wait3A_228, %dma_wait3A_229] : memref<72x128xf32, #tpu.memory_space<vmem>> -> memref<64x128xf32, #tpu.memory_space<vmem>>
    %dma_wait3A_231 = arith.constant 0 : i32
    %dma_wait3A_232 = tpu.memref_slice %arg11[%mul3A_227, %dma_wait3A_231] : memref<10240x128xf32, #tpu.memory_space<vmem_shared>> -> memref<64x128xf32, #tpu.memory_space<vmem_shared>>
    %dma_wait3A_233 = arith.constant 0 : i32
    %dma_wait3A_234 = tpu.memref_slice %arg11[%mul3A_227, %dma_wait3A_233] : memref<10240x128xf32, #tpu.memory_space<vmem_shared>> -> memref<64x128xf32, #tpu.memory_space<vmem_shared>>
    %dma_wait3A_235 = arith.constant 0 : i32
    %dma_wait3A_236 = arith.constant 0 : i32
    %dma_wait3A_237 = tpu.memref_slice %arg8[%dma_wait3A_235, %dma_wait3A_236] : memref<72x128xf32, #tpu.memory_space<vmem>> -> memref<64x128xf32, #tpu.memory_space<vmem>>
    tpu.wait_dma2 semaphore(%arg18 : memref<!tpu.dma_semaphore, #tpu.memory_space<semaphore_mem>>) src(%dma_wait3A_237 : memref<64x128xf32, #tpu.memory_space<vmem>>) dst(%dma_wait3A_234 : memref<64x128xf32, #tpu.memory_space<vmem_shared>>)
    %barrier3A = arith.constant 0 : index
    tpu.barrier barrier_id(%barrier3A)
    %dma_start3A_238 = arith.constant 0 : i32
    %dma_start3A_239 = arith.constant 0 : i32
    %dma_start3A_240 = tpu.memref_slice %arg6[%dma_start3A_238, %dma_start3A_239] : memref<139x72xi32, #tpu.memory_space<vmem>> -> memref<1x72xi32, #tpu.memory_space<vmem>>
    %dma_start3A_241 = tpu.memref_squeeze %dma_start3A_240 : memref<1x72xi32, #tpu.memory_space<vmem>> -> memref<72xi32, #tpu.memory_space<vmem>>
    %dma_start3A_242 = arith.constant 0 : i32
    %dma_start3A_243 = arith.constant 0 : i32
    %dma_start3A_244 = tpu.memref_slice %arg2[%dma_start3A_242, %dma_start3A_243] : memref<10000x128xf32, #tpu.memory_space<hbm>> -> memref<10000x128xf32, #tpu.memory_space<hbm>>
    tpu.enqueue_indirect_dma source(%dma_start3A_244 : memref<10000x128xf32, #tpu.memory_space<hbm>>) target(%arg8 : memref<72x128xf32, #tpu.memory_space<vmem>>) offsets(%dma_start3A_241 : memref<72xi32, #tpu.memory_space<vmem>>) semaphore(%arg12 : memref<!tpu.dma_semaphore, #tpu.memory_space<semaphore_mem>>)
    %dma_start3A_245 = arith.constant 1 : i32
    %dma_start3A_246 = arith.constant 0 : i32
    %dma_start3A_247 = tpu.memref_slice %arg6[%dma_start3A_245, %dma_start3A_246] : memref<139x72xi32, #tpu.memory_space<vmem>> -> memref<1x72xi32, #tpu.memory_space<vmem>>
    %dma_start3A_248 = tpu.memref_squeeze %dma_start3A_247 : memref<1x72xi32, #tpu.memory_space<vmem>> -> memref<72xi32, #tpu.memory_space<vmem>>
    %dma_start3A_249 = arith.constant 0 : i32
    %dma_start3A_250 = arith.constant 0 : i32
    %dma_start3A_251 = tpu.memref_slice %arg2[%dma_start3A_249, %dma_start3A_250] : memref<10000x128xf32, #tpu.memory_space<hbm>> -> memref<10000x128xf32, #tpu.memory_space<hbm>>
    tpu.enqueue_indirect_dma source(%dma_start3A_251 : memref<10000x128xf32, #tpu.memory_space<hbm>>) target(%arg9 : memref<72x128xf32, #tpu.memory_space<vmem>>) offsets(%dma_start3A_248 : memref<72xi32, #tpu.memory_space<vmem>>) semaphore(%arg13 : memref<!tpu.dma_semaphore, #tpu.memory_space<semaphore_mem>>)
    %dma_start3A_252 = arith.constant 2 : i32
    %dma_start3A_253 = arith.constant 0 : i32
    %dma_start3A_254 = tpu.memref_slice %arg6[%dma_start3A_252, %dma_start3A_253] : memref<139x72xi32, #tpu.memory_space<vmem>> -> memref<1x72xi32, #tpu.memory_space<vmem>>
    %dma_start3A_255 = tpu.memref_squeeze %dma_start3A_254 : memref<1x72xi32, #tpu.memory_space<vmem>> -> memref<72xi32, #tpu.memory_space<vmem>>
    %dma_start3A_256 = arith.constant 0 : i32
    %dma_start3A_257 = arith.constant 0 : i32
    %dma_start3A_258 = tpu.memref_slice %arg2[%dma_start3A_256, %dma_start3A_257] : memref<10000x128xf32, #tpu.memory_space<hbm>> -> memref<10000x128xf32, #tpu.memory_space<hbm>>
    tpu.enqueue_indirect_dma source(%dma_start3A_258 : memref<10000x128xf32, #tpu.memory_space<hbm>>) target(%arg10 : memref<72x128xf32, #tpu.memory_space<vmem>>) offsets(%dma_start3A_255 : memref<72xi32, #tpu.memory_space<vmem>>) semaphore(%arg14 : memref<!tpu.dma_semaphore, #tpu.memory_space<semaphore_mem>>)
    %scan3A_259 = arith.constant 0 : i32
    %scan3A_260 = arith.constant 46 : i32
    %scan3A_261 = arith.addi %scan3A_259, %scan3A_260 : i32
    %scan3A_262 = arith.constant 1 : i32
    scf.for %scan3A_276 = %scan3A_259 to %scan3A_261 step %scan3A_262  : i32 {
      %mul3A_277 = arith.constant 3 : i32
      %mul3A_278 = arith.muli %scan3A_276, %mul3A_277 : i32
      %add3A_279 = arith.constant 0 : i32
      %add3A_280 = arith.addi %mul3A_278, %add3A_279 : i32
      %dma_wait3A_281 = arith.constant 0 : i32
      %dma_wait3A_282 = tpu.memref_slice %arg6[%add3A_280, %dma_wait3A_281] : memref<139x72xi32, #tpu.memory_space<vmem>> -> memref<1x72xi32, #tpu.memory_space<vmem>>
      %dma_wait3A_283 = tpu.memref_squeeze %dma_wait3A_282 : memref<1x72xi32, #tpu.memory_space<vmem>> -> memref<72xi32, #tpu.memory_space<vmem>>
      %dma_wait3A_284 = arith.constant 0 : i32
      %dma_wait3A_285 = arith.constant 0 : i32
      %dma_wait3A_286 = tpu.memref_slice %arg2[%dma_wait3A_284, %dma_wait3A_285] : memref<10000x128xf32, #tpu.memory_space<hbm>> -> memref<10000x128xf32, #tpu.memory_space<hbm>>
      tpu.wait_indirect_dma semaphore(%arg12 : memref<!tpu.dma_semaphore, #tpu.memory_space<semaphore_mem>>) src(%dma_wait3A_286 : memref<10000x128xf32, #tpu.memory_space<hbm>>) dst(%arg8 : memref<72x128xf32, #tpu.memory_space<vmem>>)
      %add3A_287 = arith.constant 0 : i32
      %add3A_288 = arith.addi %mul3A_278, %add3A_287 : i32
      %dma_start3A_289 = arith.constant 0 : i32
      %dma_start3A_290 = tpu.memref_slice %arg7[%add3A_288, %dma_start3A_289] : memref<139x72xi32, #tpu.memory_space<vmem>> -> memref<1x72xi32, #tpu.memory_space<vmem>>
      %dma_start3A_291 = tpu.memref_squeeze %dma_start3A_290 : memref<1x72xi32, #tpu.memory_space<vmem>> -> memref<72xi32, #tpu.memory_space<vmem>>
      %dma_start3A_292 = arith.constant 0 : i32
      %dma_start3A_293 = arith.constant 0 : i32
      %dma_start3A_294 = tpu.memref_slice %arg11[%dma_start3A_292, %dma_start3A_293] : memref<10240x128xf32, #tpu.memory_space<vmem_shared>> -> memref<10240x128xf32, #tpu.memory_space<vmem_shared>>
      tpu.enqueue_indirect_dma source(%arg8 : memref<72x128xf32, #tpu.memory_space<vmem>>) target(%dma_start3A_294 : memref<10240x128xf32, #tpu.memory_space<vmem_shared>>) offsets(%dma_start3A_291 : memref<72xi32, #tpu.memory_space<vmem>>) semaphore(%arg15 : memref<!tpu.dma_semaphore, #tpu.memory_space<semaphore_mem>>) {add = true}
      %add3A_295 = arith.constant 1 : i32
      %add3A_296 = arith.addi %mul3A_278, %add3A_295 : i32
      %dma_wait3A_297 = arith.constant 0 : i32
      %dma_wait3A_298 = tpu.memref_slice %arg6[%add3A_296, %dma_wait3A_297] : memref<139x72xi32, #tpu.memory_space<vmem>> -> memref<1x72xi32, #tpu.memory_space<vmem>>
      %dma_wait3A_299 = tpu.memref_squeeze %dma_wait3A_298 : memref<1x72xi32, #tpu.memory_space<vmem>> -> memref<72xi32, #tpu.memory_space<vmem>>
      %dma_wait3A_300 = arith.constant 0 : i32
      %dma_wait3A_301 = arith.constant 0 : i32
      %dma_wait3A_302 = tpu.memref_slice %arg2[%dma_wait3A_300, %dma_wait3A_301] : memref<10000x128xf32, #tpu.memory_space<hbm>> -> memref<10000x128xf32, #tpu.memory_space<hbm>>
      tpu.wait_indirect_dma semaphore(%arg13 : memref<!tpu.dma_semaphore, #tpu.memory_space<semaphore_mem>>) src(%dma_wait3A_302 : memref<10000x128xf32, #tpu.memory_space<hbm>>) dst(%arg9 : memref<72x128xf32, #tpu.memory_space<vmem>>)
      %add3A_303 = arith.constant 1 : i32
      %add3A_304 = arith.addi %mul3A_278, %add3A_303 : i32
      %dma_start3A_305 = arith.constant 0 : i32
      %dma_start3A_306 = tpu.memref_slice %arg7[%add3A_304, %dma_start3A_305] : memref<139x72xi32, #tpu.memory_space<vmem>> -> memref<1x72xi32, #tpu.memory_space<vmem>>
      %dma_start3A_307 = tpu.memref_squeeze %dma_start3A_306 : memref<1x72xi32, #tpu.memory_space<vmem>> -> memref<72xi32, #tpu.memory_space<vmem>>
      %dma_start3A_308 = arith.constant 0 : i32
      %dma_start3A_309 = arith.constant 0 : i32
      %dma_start3A_310 = tpu.memref_slice %arg11[%dma_start3A_308, %dma_start3A_309] : memref<10240x128xf32, #tpu.memory_space<vmem_shared>> -> memref<10240x128xf32, #tpu.memory_space<vmem_shared>>
      tpu.enqueue_indirect_dma source(%arg9 : memref<72x128xf32, #tpu.memory_space<vmem>>) target(%dma_start3A_310 : memref<10240x128xf32, #tpu.memory_space<vmem_shared>>) offsets(%dma_start3A_307 : memref<72xi32, #tpu.memory_space<vmem>>) semaphore(%arg16 : memref<!tpu.dma_semaphore, #tpu.memory_space<semaphore_mem>>) {add = true}
      %add3A_311 = arith.constant 2 : i32
      %add3A_312 = arith.addi %mul3A_278, %add3A_311 : i32
      %dma_wait3A_313 = arith.constant 0 : i32
      %dma_wait3A_314 = tpu.memref_slice %arg6[%add3A_312, %dma_wait3A_313] : memref<139x72xi32, #tpu.memory_space<vmem>> -> memref<1x72xi32, #tpu.memory_space<vmem>>
      %dma_wait3A_315 = tpu.memref_squeeze %dma_wait3A_314 : memref<1x72xi32, #tpu.memory_space<vmem>> -> memref<72xi32, #tpu.memory_space<vmem>>
      %dma_wait3A_316 = arith.constant 0 : i32
      %dma_wait3A_317 = arith.constant 0 : i32
      %dma_wait3A_318 = tpu.memref_slice %arg2[%dma_wait3A_316, %dma_wait3A_317] : memref<10000x128xf32, #tpu.memory_space<hbm>> -> memref<10000x128xf32, #tpu.memory_space<hbm>>
      tpu.wait_indirect_dma semaphore(%arg14 : memref<!tpu.dma_semaphore, #tpu.memory_space<semaphore_mem>>) src(%dma_wait3A_318 : memref<10000x128xf32, #tpu.memory_space<hbm>>) dst(%arg10 : memref<72x128xf32, #tpu.memory_space<vmem>>)
      %add3A_319 = arith.constant 2 : i32
      %add3A_320 = arith.addi %mul3A_278, %add3A_319 : i32
      %dma_start3A_321 = arith.constant 0 : i32
      %dma_start3A_322 = tpu.memref_slice %arg7[%add3A_320, %dma_start3A_321] : memref<139x72xi32, #tpu.memory_space<vmem>> -> memref<1x72xi32, #tpu.memory_space<vmem>>
      %dma_start3A_323 = tpu.memref_squeeze %dma_start3A_322 : memref<1x72xi32, #tpu.memory_space<vmem>> -> memref<72xi32, #tpu.memory_space<vmem>>
      %dma_start3A_324 = arith.constant 0 : i32
      %dma_start3A_325 = arith.constant 0 : i32
      %dma_start3A_326 = tpu.memref_slice %arg11[%dma_start3A_324, %dma_start3A_325] : memref<10240x128xf32, #tpu.memory_space<vmem_shared>> -> memref<10240x128xf32, #tpu.memory_space<vmem_shared>>
      tpu.enqueue_indirect_dma source(%arg10 : memref<72x128xf32, #tpu.memory_space<vmem>>) target(%dma_start3A_326 : memref<10240x128xf32, #tpu.memory_space<vmem_shared>>) offsets(%dma_start3A_323 : memref<72xi32, #tpu.memory_space<vmem>>) semaphore(%arg17 : memref<!tpu.dma_semaphore, #tpu.memory_space<semaphore_mem>>) {add = true}
      %add3A_327 = arith.constant 2 : i32
      %add3A_328 = arith.addi %mul3A_278, %add3A_327 : i32
      %sub3A = arith.constant 2 : i32
      %sub3A_329 = arith.subi %add3A_328, %sub3A : i32
      %dma_wait3A_330 = arith.constant 0 : i32
      %dma_wait3A_331 = tpu.memref_slice %arg7[%sub3A_329, %dma_wait3A_330] : memref<139x72xi32, #tpu.memory_space<vmem>> -> memref<1x72xi32, #tpu.memory_space<vmem>>
      %dma_wait3A_332 = tpu.memref_squeeze %dma_wait3A_331 : memref<1x72xi32, #tpu.memory_space<vmem>> -> memref<72xi32, #tpu.memory_space<vmem>>
      %dma_wait3A_333 = arith.constant 0 : i32
      %dma_wait3A_334 = arith.constant 0 : i32
      %dma_wait3A_335 = tpu.memref_slice %arg11[%dma_wait3A_333, %dma_wait3A_334] : memref<10240x128xf32, #tpu.memory_space<vmem_shared>> -> memref<10240x128xf32, #tpu.memory_space<vmem_shared>>
      tpu.wait_indirect_dma semaphore(%arg15 : memref<!tpu.dma_semaphore, #tpu.memory_space<semaphore_mem>>) src(%arg8 : memref<72x128xf32, #tpu.memory_space<vmem>>) dst(%dma_wait3A_335 : memref<10240x128xf32, #tpu.memory_space<vmem_shared>>)
      %add3A_336 = arith.constant 3 : i32
      %add3A_337 = arith.addi %sub3A_329, %add3A_336 : i32
      %lt3A = arith.constant 139 : i32
      %lt3A_338 = arith.cmpi slt, %add3A_337, %lt3A : i32
      %convert_element_type3A = arith.extui %lt3A_338 : i1 to i32
      %cond3A = arith.constant 0 : i32
      %cond3A_339 = arith.cmpi ne, %convert_element_type3A, %cond3A : i32
      scf.if %cond3A_339 {
        %dma_start3A_370 = arith.constant 0 : i32
        %dma_start3A_371 = tpu.memref_slice %arg6[%add3A_337, %dma_start3A_370] : memref<139x72xi32, #tpu.memory_space<vmem>> -> memref<1x72xi32, #tpu.memory_space<vmem>>
        %dma_start3A_372 = tpu.memref_squeeze %dma_start3A_371 : memref<1x72xi32, #tpu.memory_space<vmem>> -> memref<72xi32, #tpu.memory_space<vmem>>
        %dma_start3A_373 = arith.constant 0 : i32
        %dma_start3A_374 = arith.constant 0 : i32
        %dma_start3A_375 = tpu.memref_slice %arg2[%dma_start3A_373, %dma_start3A_374] : memref<10000x128xf32, #tpu.memory_space<hbm>> -> memref<10000x128xf32, #tpu.memory_space<hbm>>
        tpu.enqueue_indirect_dma source(%dma_start3A_375 : memref<10000x128xf32, #tpu.memory_space<hbm>>) target(%arg8 : memref<72x128xf32, #tpu.memory_space<vmem>>) offsets(%dma_start3A_372 : memref<72xi32, #tpu.memory_space<vmem>>) semaphore(%arg12 : memref<!tpu.dma_semaphore, #tpu.memory_space<semaphore_mem>>)
      } else {
      }
      %add3A_340 = arith.constant 1 : i32
      %add3A_341 = arith.addi %mul3A_278, %add3A_340 : i32
      %dma_wait3A_342 = arith.constant 0 : i32
      %dma_wait3A_343 = tpu.memref_slice %arg7[%add3A_341, %dma_wait3A_342] : memref<139x72xi32, #tpu.memory_space<vmem>> -> memref<1x72xi32, #tpu.memory_space<vmem>>
      %dma_wait3A_344 = tpu.memref_squeeze %dma_wait3A_343 : memref<1x72xi32, #tpu.memory_space<vmem>> -> memref<72xi32, #tpu.memory_space<vmem>>
      %dma_wait3A_345 = arith.constant 0 : i32
      %dma_wait3A_346 = arith.constant 0 : i32
      %dma_wait3A_347 = tpu.memref_slice %arg11[%dma_wait3A_345, %dma_wait3A_346] : memref<10240x128xf32, #tpu.memory_space<vmem_shared>> -> memref<10240x128xf32, #tpu.memory_space<vmem_shared>>
      tpu.wait_indirect_dma semaphore(%arg16 : memref<!tpu.dma_semaphore, #tpu.memory_space<semaphore_mem>>) src(%arg9 : memref<72x128xf32, #tpu.memory_space<vmem>>) dst(%dma_wait3A_347 : memref<10240x128xf32, #tpu.memory_space<vmem_shared>>)
      %add3A_348 = arith.constant 3 : i32
      %add3A_349 = arith.addi %add3A_341, %add3A_348 : i32
      %lt3A_350 = arith.constant 139 : i32
      %lt3A_351 = arith.cmpi slt, %add3A_349, %lt3A_350 : i32
      %convert_element_type3A_352 = arith.extui %lt3A_351 : i1 to i32
      %cond3A_353 = arith.constant 0 : i32
      %cond3A_354 = arith.cmpi ne, %convert_element_type3A_352, %cond3A_353 : i32
      scf.if %cond3A_354 {
        %dma_start3A_370 = arith.constant 0 : i32
        %dma_start3A_371 = tpu.memref_slice %arg6[%add3A_349, %dma_start3A_370] : memref<139x72xi32, #tpu.memory_space<vmem>> -> memref<1x72xi32, #tpu.memory_space<vmem>>
        %dma_start3A_372 = tpu.memref_squeeze %dma_start3A_371 : memref<1x72xi32, #tpu.memory_space<vmem>> -> memref<72xi32, #tpu.memory_space<vmem>>
        %dma_start3A_373 = arith.constant 0 : i32
        %dma_start3A_374 = arith.constant 0 : i32
        %dma_start3A_375 = tpu.memref_slice %arg2[%dma_start3A_373, %dma_start3A_374] : memref<10000x128xf32, #tpu.memory_space<hbm>> -> memref<10000x128xf32, #tpu.memory_space<hbm>>
        tpu.enqueue_indirect_dma source(%dma_start3A_375 : memref<10000x128xf32, #tpu.memory_space<hbm>>) target(%arg9 : memref<72x128xf32, #tpu.memory_space<vmem>>) offsets(%dma_start3A_372 : memref<72xi32, #tpu.memory_space<vmem>>) semaphore(%arg13 : memref<!tpu.dma_semaphore, #tpu.memory_space<semaphore_mem>>)
      } else {
      }
      %add3A_355 = arith.constant 2 : i32
      %add3A_356 = arith.addi %mul3A_278, %add3A_355 : i32
      %dma_wait3A_357 = arith.constant 0 : i32
      %dma_wait3A_358 = tpu.memref_slice %arg7[%add3A_356, %dma_wait3A_357] : memref<139x72xi32, #tpu.memory_space<vmem>> -> memref<1x72xi32, #tpu.memory_space<vmem>>
      %dma_wait3A_359 = tpu.memref_squeeze %dma_wait3A_358 : memref<1x72xi32, #tpu.memory_space<vmem>> -> memref<72xi32, #tpu.memory_space<vmem>>
      %dma_wait3A_360 = arith.constant 0 : i32
      %dma_wait3A_361 = arith.constant 0 : i32
      %dma_wait3A_362 = tpu.memref_slice %arg11[%dma_wait3A_360, %dma_wait3A_361] : memref<10240x128xf32, #tpu.memory_space<vmem_shared>> -> memref<10240x128xf32, #tpu.memory_space<vmem_shared>>
      tpu.wait_indirect_dma semaphore(%arg17 : memref<!tpu.dma_semaphore, #tpu.memory_space<semaphore_mem>>) src(%arg10 : memref<72x128xf32, #tpu.memory_space<vmem>>) dst(%dma_wait3A_362 : memref<10240x128xf32, #tpu.memory_space<vmem_shared>>)
      %add3A_363 = arith.constant 3 : i32
      %add3A_364 = arith.addi %add3A_356, %add3A_363 : i32
      %lt3A_365 = arith.constant 139 : i32
      %lt3A_366 = arith.cmpi slt, %add3A_364, %lt3A_365 : i32
      %convert_element_type3A_367 = arith.extui %lt3A_366 : i1 to i32
      %cond3A_368 = arith.constant 0 : i32
      %cond3A_369 = arith.cmpi ne, %convert_element_type3A_367, %cond3A_368 : i32
      scf.if %cond3A_369 {
        %dma_start3A_370 = arith.constant 0 : i32
        %dma_start3A_371 = tpu.memref_slice %arg6[%add3A_364, %dma_start3A_370] : memref<139x72xi32, #tpu.memory_space<vmem>> -> memref<1x72xi32, #tpu.memory_space<vmem>>
        %dma_start3A_372 = tpu.memref_squeeze %dma_start3A_371 : memref<1x72xi32, #tpu.memory_space<vmem>> -> memref<72xi32, #tpu.memory_space<vmem>>
        %dma_start3A_373 = arith.constant 0 : i32
        %dma_start3A_374 = arith.constant 0 : i32
        %dma_start3A_375 = tpu.memref_slice %arg2[%dma_start3A_373, %dma_start3A_374] : memref<10000x128xf32, #tpu.memory_space<hbm>> -> memref<10000x128xf32, #tpu.memory_space<hbm>>
        tpu.enqueue_indirect_dma source(%dma_start3A_375 : memref<10000x128xf32, #tpu.memory_space<hbm>>) target(%arg10 : memref<72x128xf32, #tpu.memory_space<vmem>>) offsets(%dma_start3A_372 : memref<72xi32, #tpu.memory_space<vmem>>) semaphore(%arg14 : memref<!tpu.dma_semaphore, #tpu.memory_space<semaphore_mem>>)
      } else {
      }
    }
    %scan3A_263 = arith.constant 46 : i32
    %dma_wait3A_264 = arith.constant 138 : i32
    %dma_wait3A_265 = arith.constant 0 : i32
    %dma_wait3A_266 = tpu.memref_slice %arg6[%dma_wait3A_264, %dma_wait3A_265] : memref<139x72xi32, #tpu.memory_space<vmem>> -> memref<1x72xi32, #tpu.memory_space<vmem>>
    %dma_wait3A_267 = tpu.memref_squeeze %dma_wait3A_266 : memref<1x72xi32, #tpu.memory_space<vmem>> -> memref<72xi32, #tpu.memory_space<vmem>>
    %dma_wait3A_268 = arith.constant 0 : i32
    %dma_wait3A_269 = arith.constant 0 : i32
    %dma_wait3A_270 = tpu.memref_slice %arg2[%dma_wait3A_268, %dma_wait3A_269] : memref<10000x128xf32, #tpu.memory_space<hbm>> -> memref<10000x128xf32, #tpu.memory_space<hbm>>
    tpu.wait_indirect_dma semaphore(%arg12 : memref<!tpu.dma_semaphore, #tpu.memory_space<semaphore_mem>>) src(%dma_wait3A_270 : memref<10000x128xf32, #tpu.memory_space<hbm>>) dst(%arg8 : memref<72x128xf32, #tpu.memory_space<vmem>>)
    %run_scoped3A = arith.constant 138 : i32
    "tpu.region"() ({
      %run_scoped3A_276 = tpu.sem_alloc : memref<!tpu.dma_semaphore, #tpu.memory_space<semaphore_mem>>
      %dma_start3A_277 = arith.constant 0 : i32
      %dma_start3A_278 = tpu.memref_slice %arg7[%run_scoped3A, %dma_start3A_277] : memref<139x72xi32, #tpu.memory_space<vmem>> -> memref<1x72xi32, #tpu.memory_space<vmem>>
      %dma_start3A_279 = tpu.memref_squeeze %dma_start3A_278 : memref<1x72xi32, #tpu.memory_space<vmem>> -> memref<72xi32, #tpu.memory_space<vmem>>
      %dma_start3A_280 = arith.constant 0 : i32
      %dma_start3A_281 = arith.constant 0 : i32
      %dma_start3A_282 = tpu.memref_slice %arg11[%dma_start3A_280, %dma_start3A_281] : memref<10240x128xf32, #tpu.memory_space<vmem_shared>> -> memref<10240x128xf32, #tpu.memory_space<vmem_shared>>
      tpu.enqueue_indirect_dma source(%arg8 : memref<72x128xf32, #tpu.memory_space<vmem>>) target(%dma_start3A_282 : memref<10240x128xf32, #tpu.memory_space<vmem_shared>>) offsets(%dma_start3A_279 : memref<72xi32, #tpu.memory_space<vmem>>) semaphore(%run_scoped3A_276 : memref<!tpu.dma_semaphore, #tpu.memory_space<semaphore_mem>>) {add = true}
      %dma_wait3A_283 = arith.constant 0 : i32
      %dma_wait3A_284 = tpu.memref_slice %arg7[%run_scoped3A, %dma_wait3A_283] : memref<139x72xi32, #tpu.memory_space<vmem>> -> memref<1x72xi32, #tpu.memory_space<vmem>>
      %dma_wait3A_285 = tpu.memref_squeeze %dma_wait3A_284 : memref<1x72xi32, #tpu.memory_space<vmem>> -> memref<72xi32, #tpu.memory_space<vmem>>
      %dma_wait3A_286 = arith.constant 0 : i32
      %dma_wait3A_287 = arith.constant 0 : i32
      %dma_wait3A_288 = tpu.memref_slice %arg11[%dma_wait3A_286, %dma_wait3A_287] : memref<10240x128xf32, #tpu.memory_space<vmem_shared>> -> memref<10240x128xf32, #tpu.memory_space<vmem_shared>>
      tpu.wait_indirect_dma semaphore(%run_scoped3A_276 : memref<!tpu.dma_semaphore, #tpu.memory_space<semaphore_mem>>) src(%arg8 : memref<72x128xf32, #tpu.memory_space<vmem>>) dst(%dma_wait3A_288 : memref<10240x128xf32, #tpu.memory_space<vmem_shared>>)
      tpu.yield
    }) : () -> ()
    %barrier3A_271 = arith.constant 0 : index
    tpu.barrier barrier_id(%barrier3A_271)
    %mul3A_272 = arith.constant 640 : i32
    %mul3A_273 = arith.muli %arg1, %mul3A_272 : i32
    %mul3A_274 = arith.constant 640 : i32
    %mul3A_275 = arith.muli %arg1, %mul3A_274 : i32
    "tpu.region"() ({
      %run_scoped3A_276 = tpu.sem_alloc : memref<!tpu.dma_semaphore, #tpu.memory_space<semaphore_mem>>
      %dma_start3A_277 = arith.constant 0 : i32
      %dma_start3A_278 = tpu.memref_slice %arg5[%arg0, %mul3A_275, %dma_start3A_277] : memref<2x10240x128xf32, #tpu.memory_space<hbm>> -> memref<1x640x128xf32, #tpu.memory_space<hbm>>
      %dma_start3A_279 = tpu.memref_squeeze %dma_start3A_278 : memref<1x640x128xf32, #tpu.memory_space<hbm>> -> memref<640x128xf32, #tpu.memory_space<hbm>>
      %dma_start3A_280 = arith.constant 0 : i32
      %dma_start3A_281 = tpu.memref_slice %arg11[%mul3A_273, %dma_start3A_280] : memref<10240x128xf32, #tpu.memory_space<vmem_shared>> -> memref<640x128xf32, #tpu.memory_space<vmem_shared>>
      tpu.enqueue_dma source(%dma_start3A_281 : memref<640x128xf32, #tpu.memory_space<vmem_shared>>) target(%dma_start3A_279 : memref<640x128xf32, #tpu.memory_space<hbm>>) target_semaphore(%run_scoped3A_276 : memref<!tpu.dma_semaphore, #tpu.memory_space<semaphore_mem>>)
      %dma_wait3A_282 = arith.constant 0 : i32
      %dma_wait3A_283 = tpu.memref_slice %arg5[%arg0, %mul3A_275, %dma_wait3A_282] : memref<2x10240x128xf32, #tpu.memory_space<hbm>> -> memref<1x640x128xf32, #tpu.memory_space<hbm>>
      %dma_wait3A_284 = tpu.memref_squeeze %dma_wait3A_283 : memref<1x640x128xf32, #tpu.memory_space<hbm>> -> memref<640x128xf32, #tpu.memory_space<hbm>>
      %dma_wait3A_285 = arith.constant 0 : i32
      %dma_wait3A_286 = tpu.memref_slice %arg11[%mul3A_273, %dma_wait3A_285] : memref<10240x128xf32, #tpu.memory_space<vmem_shared>> -> memref<640x128xf32, #tpu.memory_space<vmem_shared>>
      tpu.wait_dma2 semaphore(%run_scoped3A_276 : memref<!tpu.dma_semaphore, #tpu.memory_space<semaphore_mem>>) src(%dma_wait3A_286 : memref<640x128xf32, #tpu.memory_space<vmem_shared>>) dst(%dma_wait3A_284 : memref<640x128xf32, #tpu.memory_space<hbm>>)
      tpu.yield
    }) : () -> ()
    return
  }
}

#map = affine_map<(d0, d1) -> (0, 0)>
#map1 = affine_map<(d0, d1) -> (0, 0, 0)>
module attributes {stable_mosaic.version = 14 : i64} {
  func.func @_edge_kernel(%arg0: i32, %arg1: i32, %arg2: memref<10000x128xf32, #tpu.memory_space<hbm>>, %arg3: memref<32x139x72xi32, #tpu.memory_space<hbm>>, %arg4: memref<32x139x72xi32, #tpu.memory_space<hbm>>, %arg5: memref<2x10240x128xf32, #tpu.memory_space<hbm>>, %arg6: memref<139x72xi32, #tpu.memory_space<vmem>>, %arg7: memref<139x72xi32, #tpu.memory_space<vmem>>, %arg8: memref<72x128xf32, #tpu.memory_space<vmem>>, %arg9: memref<72x128xf32, #tpu.memory_space<vmem>>, %arg10: memref<72x128xf32, #tpu.memory_space<vmem>>, %arg11: memref<10240x128xf32, #tpu.memory_space<vmem_shared>>, %arg12: memref<!tpu.dma_semaphore, #tpu.memory_space<semaphore_mem>>, %arg13: memref<!tpu.dma_semaphore, #tpu.memory_space<semaphore_mem>>, %arg14: memref<!tpu.dma_semaphore, #tpu.memory_space<semaphore_mem>>, %arg15: memref<!tpu.dma_semaphore, #tpu.memory_space<semaphore_mem>>, %arg16: memref<!tpu.dma_semaphore, #tpu.memory_space<semaphore_mem>>, %arg17: memref<!tpu.dma_semaphore, #tpu.memory_space<semaphore_mem>>, %arg18: memref<!tpu.dma_semaphore, #tpu.memory_space<semaphore_mem>>) attributes {dimension_semantics = [#tpu.dimension_semantics<core_parallel>, #tpu.dimension_semantics<subcore_parallel>], iteration_bounds = array<i64: 2, 16>, scalar_prefetch = 0 : i64, scratch_operands = 13 : i64, tpu.core_type = #tpu.core_type<sc_vector_subcore>, window_params = [{transform_indices = #map}, {transform_indices = #map1}, {transform_indices = #map1}, {transform_indices = #map1}]} {
    %mul3A = arith.constant 2 : i32
    %mul3A_0 = arith.muli %arg1, %mul3A : i32
    %add3A = arith.addi %mul3A_0, %arg0 : i32
    %broadcast_in_dim3A = arith.constant 0.000000e+00 : f32
    %broadcast_in_dim3A_1 = vector.broadcast %broadcast_in_dim3A : f32 to vector<16xf32>
    %scan3A = arith.constant 0 : i32
    %scan3A_2 = arith.constant 72 : i32
    %scan3A_3 = arith.addi %scan3A, %scan3A_2 : i32
    %scan3A_4 = arith.constant 1 : i32
    scf.for %scan3A_276 = %scan3A to %scan3A_3 step %scan3A_4  : i32 {
      %swap3A = arith.index_cast %scan3A_276 : i32 to index
      %swap3A_277 = arith.constant 0 : index
      %swap3A_278 = tpu.vector_load %arg8[%swap3A, %swap3A_277] {strides = array<i32>} : memref<72x128xf32, #tpu.memory_space<vmem>>, vector<16xf32>,
      tpu.vector_store %arg8[%swap3A, %swap3A_277], %broadcast_in_dim3A_1 {strides = array<i32>} : memref<72x128xf32, #tpu.memory_space<vmem>>, vector<16xf32>,
      %swap3A_279 = arith.index_cast %scan3A_276 : i32 to index
      %swap3A_280 = arith.constant 16 : index
      %swap3A_281 = tpu.vector_load %arg8[%swap3A_279, %swap3A_280] {strides = array<i32>} : memref<72x128xf32, #tpu.memory_space<vmem>>, vector<16xf32>,
      tpu.vector_store %arg8[%swap3A_279, %swap3A_280], %broadcast_in_dim3A_1 {strides = array<i32>} : memref<72x128xf32, #tpu.memory_space<vmem>>, vector<16xf32>,
      %swap3A_282 = arith.index_cast %scan3A_276 : i32 to index
      %swap3A_283 = arith.constant 32 : index
      %swap3A_284 = tpu.vector_load %arg8[%swap3A_282, %swap3A_283] {strides = array<i32>} : memref<72x128xf32, #tpu.memory_space<vmem>>, vector<16xf32>,
      tpu.vector_store %arg8[%swap3A_282, %swap3A_283], %broadcast_in_dim3A_1 {strides = array<i32>} : memref<72x128xf32, #tpu.memory_space<vmem>>, vector<16xf32>,
      %swap3A_285 = arith.index_cast %scan3A_276 : i32 to index
      %swap3A_286 = arith.constant 48 : index
      %swap3A_287 = tpu.vector_load %arg8[%swap3A_285, %swap3A_286] {strides = array<i32>} : memref<72x128xf32, #tpu.memory_space<vmem>>, vector<16xf32>,
      tpu.vector_store %arg8[%swap3A_285, %swap3A_286], %broadcast_in_dim3A_1 {strides = array<i32>} : memref<72x128xf32, #tpu.memory_space<vmem>>, vector<16xf32>,
      %swap3A_288 = arith.index_cast %scan3A_276 : i32 to index
      %swap3A_289 = arith.constant 64 : index
      %swap3A_290 = tpu.vector_load %arg8[%swap3A_288, %swap3A_289] {strides = array<i32>} : memref<72x128xf32, #tpu.memory_space<vmem>>, vector<16xf32>,
      tpu.vector_store %arg8[%swap3A_288, %swap3A_289], %broadcast_in_dim3A_1 {strides = array<i32>} : memref<72x128xf32, #tpu.memory_space<vmem>>, vector<16xf32>,
      %swap3A_291 = arith.index_cast %scan3A_276 : i32 to index
      %swap3A_292 = arith.constant 80 : index
      %swap3A_293 = tpu.vector_load %arg8[%swap3A_291, %swap3A_292] {strides = array<i32>} : memref<72x128xf32, #tpu.memory_space<vmem>>, vector<16xf32>,
      tpu.vector_store %arg8[%swap3A_291, %swap3A_292], %broadcast_in_dim3A_1 {strides = array<i32>} : memref<72x128xf32, #tpu.memory_space<vmem>>, vector<16xf32>,
      %swap3A_294 = arith.index_cast %scan3A_276 : i32 to index
      %swap3A_295 = arith.constant 96 : index
      %swap3A_296 = tpu.vector_load %arg8[%swap3A_294, %swap3A_295] {strides = array<i32>} : memref<72x128xf32, #tpu.memory_space<vmem>>, vector<16xf32>,
      tpu.vector_store %arg8[%swap3A_294, %swap3A_295], %broadcast_in_dim3A_1 {strides = array<i32>} : memref<72x128xf32, #tpu.memory_space<vmem>>, vector<16xf32>,
      %swap3A_297 = arith.index_cast %scan3A_276 : i32 to index
      %swap3A_298 = arith.constant 112 : index
      %swap3A_299 = tpu.vector_load %arg8[%swap3A_297, %swap3A_298] {strides = array<i32>} : memref<72x128xf32, #tpu.memory_space<vmem>>, vector<16xf32>,
      tpu.vector_store %arg8[%swap3A_297, %swap3A_298], %broadcast_in_dim3A_1 {strides = array<i32>} : memref<72x128xf32, #tpu.memory_space<vmem>>, vector<16xf32>,
    }
    %scan3A_5 = arith.constant 72 : i32
    %mul3A_6 = arith.constant 640 : i32
    %mul3A_7 = arith.muli %arg1, %mul3A_6 : i32
    %add3A_8 = arith.constant 0 : i32
    %add3A_9 = arith.addi %mul3A_7, %add3A_8 : i32
    %dma_start3A = arith.constant 0 : i32
    %dma_start3A_10 = arith.constant 0 : i32
    %dma_start3A_11 = tpu.memref_slice %arg8[%dma_start3A, %dma_start3A_10] : memref<72x128xf32, #tpu.memory_space<vmem>> -> memref<72x128xf32, #tpu.memory_space<vmem>>
    %dma_start3A_12 = arith.constant 0 : i32
    %dma_start3A_13 = tpu.memref_slice %arg11[%add3A_9, %dma_start3A_12] : memref<10240x128xf32, #tpu.memory_space<vmem_shared>> -> memref<72x128xf32, #tpu.memory_space<vmem_shared>>
    %dma_start3A_14 = arith.constant 0 : i32
    %dma_start3A_15 = tpu.memref_slice %arg11[%add3A_9, %dma_start3A_14] : memref<10240x128xf32, #tpu.memory_space<vmem_shared>> -> memref<72x128xf32, #tpu.memory_space<vmem_shared>>
    %dma_start3A_16 = arith.constant 0 : i32
    %dma_start3A_17 = arith.constant 0 : i32
    %dma_start3A_18 = tpu.memref_slice %arg8[%dma_start3A_16, %dma_start3A_17] : memref<72x128xf32, #tpu.memory_space<vmem>> -> memref<72x128xf32, #tpu.memory_space<vmem>>
    tpu.enqueue_dma source(%dma_start3A_18 : memref<72x128xf32, #tpu.memory_space<vmem>>) target(%dma_start3A_15 : memref<72x128xf32, #tpu.memory_space<vmem_shared>>) target_semaphore(%arg18 : memref<!tpu.dma_semaphore, #tpu.memory_space<semaphore_mem>>)
    %mul3A_19 = arith.constant 640 : i32
    %mul3A_20 = arith.muli %arg1, %mul3A_19 : i32
    %add3A_21 = arith.constant 72 : i32
    %add3A_22 = arith.addi %mul3A_20, %add3A_21 : i32
    %dma_start3A_23 = arith.constant 0 : i32
    %dma_start3A_24 = arith.constant 0 : i32
    %dma_start3A_25 = tpu.memref_slice %arg8[%dma_start3A_23, %dma_start3A_24] : memref<72x128xf32, #tpu.memory_space<vmem>> -> memref<72x128xf32, #tpu.memory_space<vmem>>
    %dma_start3A_26 = arith.constant 0 : i32
    %dma_start3A_27 = tpu.memref_slice %arg11[%add3A_22, %dma_start3A_26] : memref<10240x128xf32, #tpu.memory_space<vmem_shared>> -> memref<72x128xf32, #tpu.memory_space<vmem_shared>>
    %dma_start3A_28 = arith.constant 0 : i32
    %dma_start3A_29 = tpu.memref_slice %arg11[%add3A_22, %dma_start3A_28] : memref<10240x128xf32, #tpu.memory_space<vmem_shared>> -> memref<72x128xf32, #tpu.memory_space<vmem_shared>>
    %dma_start3A_30 = arith.constant 0 : i32
    %dma_start3A_31 = arith.constant 0 : i32
    %dma_start3A_32 = tpu.memref_slice %arg8[%dma_start3A_30, %dma_start3A_31] : memref<72x128xf32, #tpu.memory_space<vmem>> -> memref<72x128xf32, #tpu.memory_space<vmem>>
    tpu.enqueue_dma source(%dma_start3A_32 : memref<72x128xf32, #tpu.memory_space<vmem>>) target(%dma_start3A_29 : memref<72x128xf32, #tpu.memory_space<vmem_shared>>) target_semaphore(%arg18 : memref<!tpu.dma_semaphore, #tpu.memory_space<semaphore_mem>>)
    %mul3A_33 = arith.constant 640 : i32
    %mul3A_34 = arith.muli %arg1, %mul3A_33 : i32
    %add3A_35 = arith.constant 144 : i32
    %add3A_36 = arith.addi %mul3A_34, %add3A_35 : i32
    %dma_start3A_37 = arith.constant 0 : i32
    %dma_start3A_38 = arith.constant 0 : i32
    %dma_start3A_39 = tpu.memref_slice %arg8[%dma_start3A_37, %dma_start3A_38] : memref<72x128xf32, #tpu.memory_space<vmem>> -> memref<72x128xf32, #tpu.memory_space<vmem>>
    %dma_start3A_40 = arith.constant 0 : i32
    %dma_start3A_41 = tpu.memref_slice %arg11[%add3A_36, %dma_start3A_40] : memref<10240x128xf32, #tpu.memory_space<vmem_shared>> -> memref<72x128xf32, #tpu.memory_space<vmem_shared>>
    %dma_start3A_42 = arith.constant 0 : i32
    %dma_start3A_43 = tpu.memref_slice %arg11[%add3A_36, %dma_start3A_42] : memref<10240x128xf32, #tpu.memory_space<vmem_shared>> -> memref<72x128xf32, #tpu.memory_space<vmem_shared>>
    %dma_start3A_44 = arith.constant 0 : i32
    %dma_start3A_45 = arith.constant 0 : i32
    %dma_start3A_46 = tpu.memref_slice %arg8[%dma_start3A_44, %dma_start3A_45] : memref<72x128xf32, #tpu.memory_space<vmem>> -> memref<72x128xf32, #tpu.memory_space<vmem>>
    tpu.enqueue_dma source(%dma_start3A_46 : memref<72x128xf32, #tpu.memory_space<vmem>>) target(%dma_start3A_43 : memref<72x128xf32, #tpu.memory_space<vmem_shared>>) target_semaphore(%arg18 : memref<!tpu.dma_semaphore, #tpu.memory_space<semaphore_mem>>)
    %mul3A_47 = arith.constant 640 : i32
    %mul3A_48 = arith.muli %arg1, %mul3A_47 : i32
    %add3A_49 = arith.constant 216 : i32
    %add3A_50 = arith.addi %mul3A_48, %add3A_49 : i32
    %dma_start3A_51 = arith.constant 0 : i32
    %dma_start3A_52 = arith.constant 0 : i32
    %dma_start3A_53 = tpu.memref_slice %arg8[%dma_start3A_51, %dma_start3A_52] : memref<72x128xf32, #tpu.memory_space<vmem>> -> memref<72x128xf32, #tpu.memory_space<vmem>>
    %dma_start3A_54 = arith.constant 0 : i32
    %dma_start3A_55 = tpu.memref_slice %arg11[%add3A_50, %dma_start3A_54] : memref<10240x128xf32, #tpu.memory_space<vmem_shared>> -> memref<72x128xf32, #tpu.memory_space<vmem_shared>>
    %dma_start3A_56 = arith.constant 0 : i32
    %dma_start3A_57 = tpu.memref_slice %arg11[%add3A_50, %dma_start3A_56] : memref<10240x128xf32, #tpu.memory_space<vmem_shared>> -> memref<72x128xf32, #tpu.memory_space<vmem_shared>>
    %dma_start3A_58 = arith.constant 0 : i32
    %dma_start3A_59 = arith.constant 0 : i32
    %dma_start3A_60 = tpu.memref_slice %arg8[%dma_start3A_58, %dma_start3A_59] : memref<72x128xf32, #tpu.memory_space<vmem>> -> memref<72x128xf32, #tpu.memory_space<vmem>>
    tpu.enqueue_dma source(%dma_start3A_60 : memref<72x128xf32, #tpu.memory_space<vmem>>) target(%dma_start3A_57 : memref<72x128xf32, #tpu.memory_space<vmem_shared>>) target_semaphore(%arg18 : memref<!tpu.dma_semaphore, #tpu.memory_space<semaphore_mem>>)
    %mul3A_61 = arith.constant 640 : i32
    %mul3A_62 = arith.muli %arg1, %mul3A_61 : i32
    %add3A_63 = arith.constant 288 : i32
    %add3A_64 = arith.addi %mul3A_62, %add3A_63 : i32
    %dma_start3A_65 = arith.constant 0 : i32
    %dma_start3A_66 = arith.constant 0 : i32
    %dma_start3A_67 = tpu.memref_slice %arg8[%dma_start3A_65, %dma_start3A_66] : memref<72x128xf32, #tpu.memory_space<vmem>> -> memref<72x128xf32, #tpu.memory_space<vmem>>
    %dma_start3A_68 = arith.constant 0 : i32
    %dma_start3A_69 = tpu.memref_slice %arg11[%add3A_64, %dma_start3A_68] : memref<10240x128xf32, #tpu.memory_space<vmem_shared>> -> memref<72x128xf32, #tpu.memory_space<vmem_shared>>
    %dma_start3A_70 = arith.constant 0 : i32
    %dma_start3A_71 = tpu.memref_slice %arg11[%add3A_64, %dma_start3A_70] : memref<10240x128xf32, #tpu.memory_space<vmem_shared>> -> memref<72x128xf32, #tpu.memory_space<vmem_shared>>
    %dma_start3A_72 = arith.constant 0 : i32
    %dma_start3A_73 = arith.constant 0 : i32
    %dma_start3A_74 = tpu.memref_slice %arg8[%dma_start3A_72, %dma_start3A_73] : memref<72x128xf32, #tpu.memory_space<vmem>> -> memref<72x128xf32, #tpu.memory_space<vmem>>
    tpu.enqueue_dma source(%dma_start3A_74 : memref<72x128xf32, #tpu.memory_space<vmem>>) target(%dma_start3A_71 : memref<72x128xf32, #tpu.memory_space<vmem_shared>>) target_semaphore(%arg18 : memref<!tpu.dma_semaphore, #tpu.memory_space<semaphore_mem>>)
    %mul3A_75 = arith.constant 640 : i32
    %mul3A_76 = arith.muli %arg1, %mul3A_75 : i32
    %add3A_77 = arith.constant 360 : i32
    %add3A_78 = arith.addi %mul3A_76, %add3A_77 : i32
    %dma_start3A_79 = arith.constant 0 : i32
    %dma_start3A_80 = arith.constant 0 : i32
    %dma_start3A_81 = tpu.memref_slice %arg8[%dma_start3A_79, %dma_start3A_80] : memref<72x128xf32, #tpu.memory_space<vmem>> -> memref<72x128xf32, #tpu.memory_space<vmem>>
    %dma_start3A_82 = arith.constant 0 : i32
    %dma_start3A_83 = tpu.memref_slice %arg11[%add3A_78, %dma_start3A_82] : memref<10240x128xf32, #tpu.memory_space<vmem_shared>> -> memref<72x128xf32, #tpu.memory_space<vmem_shared>>
    %dma_start3A_84 = arith.constant 0 : i32
    %dma_start3A_85 = tpu.memref_slice %arg11[%add3A_78, %dma_start3A_84] : memref<10240x128xf32, #tpu.memory_space<vmem_shared>> -> memref<72x128xf32, #tpu.memory_space<vmem_shared>>
    %dma_start3A_86 = arith.constant 0 : i32
    %dma_start3A_87 = arith.constant 0 : i32
    %dma_start3A_88 = tpu.memref_slice %arg8[%dma_start3A_86, %dma_start3A_87] : memref<72x128xf32, #tpu.memory_space<vmem>> -> memref<72x128xf32, #tpu.memory_space<vmem>>
    tpu.enqueue_dma source(%dma_start3A_88 : memref<72x128xf32, #tpu.memory_space<vmem>>) target(%dma_start3A_85 : memref<72x128xf32, #tpu.memory_space<vmem_shared>>) target_semaphore(%arg18 : memref<!tpu.dma_semaphore, #tpu.memory_space<semaphore_mem>>)
    %mul3A_89 = arith.constant 640 : i32
    %mul3A_90 = arith.muli %arg1, %mul3A_89 : i32
    %add3A_91 = arith.constant 432 : i32
    %add3A_92 = arith.addi %mul3A_90, %add3A_91 : i32
    %dma_start3A_93 = arith.constant 0 : i32
    %dma_start3A_94 = arith.constant 0 : i32
    %dma_start3A_95 = tpu.memref_slice %arg8[%dma_start3A_93, %dma_start3A_94] : memref<72x128xf32, #tpu.memory_space<vmem>> -> memref<72x128xf32, #tpu.memory_space<vmem>>
    %dma_start3A_96 = arith.constant 0 : i32
    %dma_start3A_97 = tpu.memref_slice %arg11[%add3A_92, %dma_start3A_96] : memref<10240x128xf32, #tpu.memory_space<vmem_shared>> -> memref<72x128xf32, #tpu.memory_space<vmem_shared>>
    %dma_start3A_98 = arith.constant 0 : i32
    %dma_start3A_99 = tpu.memref_slice %arg11[%add3A_92, %dma_start3A_98] : memref<10240x128xf32, #tpu.memory_space<vmem_shared>> -> memref<72x128xf32, #tpu.memory_space<vmem_shared>>
    %dma_start3A_100 = arith.constant 0 : i32
    %dma_start3A_101 = arith.constant 0 : i32
    %dma_start3A_102 = tpu.memref_slice %arg8[%dma_start3A_100, %dma_start3A_101] : memref<72x128xf32, #tpu.memory_space<vmem>> -> memref<72x128xf32, #tpu.memory_space<vmem>>
    tpu.enqueue_dma source(%dma_start3A_102 : memref<72x128xf32, #tpu.memory_space<vmem>>) target(%dma_start3A_99 : memref<72x128xf32, #tpu.memory_space<vmem_shared>>) target_semaphore(%arg18 : memref<!tpu.dma_semaphore, #tpu.memory_space<semaphore_mem>>)
    %mul3A_103 = arith.constant 640 : i32
    %mul3A_104 = arith.muli %arg1, %mul3A_103 : i32
    %add3A_105 = arith.constant 504 : i32
    %add3A_106 = arith.addi %mul3A_104, %add3A_105 : i32
    %dma_start3A_107 = arith.constant 0 : i32
    %dma_start3A_108 = arith.constant 0 : i32
    %dma_start3A_109 = tpu.memref_slice %arg8[%dma_start3A_107, %dma_start3A_108] : memref<72x128xf32, #tpu.memory_space<vmem>> -> memref<72x128xf32, #tpu.memory_space<vmem>>
    %dma_start3A_110 = arith.constant 0 : i32
    %dma_start3A_111 = tpu.memref_slice %arg11[%add3A_106, %dma_start3A_110] : memref<10240x128xf32, #tpu.memory_space<vmem_shared>> -> memref<72x128xf32, #tpu.memory_space<vmem_shared>>
    %dma_start3A_112 = arith.constant 0 : i32
    %dma_start3A_113 = tpu.memref_slice %arg11[%add3A_106, %dma_start3A_112] : memref<10240x128xf32, #tpu.memory_space<vmem_shared>> -> memref<72x128xf32, #tpu.memory_space<vmem_shared>>
    %dma_start3A_114 = arith.constant 0 : i32
    %dma_start3A_115 = arith.constant 0 : i32
    %dma_start3A_116 = tpu.memref_slice %arg8[%dma_start3A_114, %dma_start3A_115] : memref<72x128xf32, #tpu.memory_space<vmem>> -> memref<72x128xf32, #tpu.memory_space<vmem>>
    tpu.enqueue_dma source(%dma_start3A_116 : memref<72x128xf32, #tpu.memory_space<vmem>>) target(%dma_start3A_113 : memref<72x128xf32, #tpu.memory_space<vmem_shared>>) target_semaphore(%arg18 : memref<!tpu.dma_semaphore, #tpu.memory_space<semaphore_mem>>)
    %mul3A_117 = arith.constant 640 : i32
    %mul3A_118 = arith.muli %arg1, %mul3A_117 : i32
    %add3A_119 = arith.constant 576 : i32
    %add3A_120 = arith.addi %mul3A_118, %add3A_119 : i32
    %dma_start3A_121 = arith.constant 0 : i32
    %dma_start3A_122 = arith.constant 0 : i32
    %dma_start3A_123 = tpu.memref_slice %arg8[%dma_start3A_121, %dma_start3A_122] : memref<72x128xf32, #tpu.memory_space<vmem>> -> memref<64x128xf32, #tpu.memory_space<vmem>>
    %dma_start3A_124 = arith.constant 0 : i32
    %dma_start3A_125 = tpu.memref_slice %arg11[%add3A_120, %dma_start3A_124] : memref<10240x128xf32, #tpu.memory_space<vmem_shared>> -> memref<64x128xf32, #tpu.memory_space<vmem_shared>>
    %dma_start3A_126 = arith.constant 0 : i32
    %dma_start3A_127 = tpu.memref_slice %arg11[%add3A_120, %dma_start3A_126] : memref<10240x128xf32, #tpu.memory_space<vmem_shared>> -> memref<64x128xf32, #tpu.memory_space<vmem_shared>>
    %dma_start3A_128 = arith.constant 0 : i32
    %dma_start3A_129 = arith.constant 0 : i32
    %dma_start3A_130 = tpu.memref_slice %arg8[%dma_start3A_128, %dma_start3A_129] : memref<72x128xf32, #tpu.memory_space<vmem>> -> memref<64x128xf32, #tpu.memory_space<vmem>>
    tpu.enqueue_dma source(%dma_start3A_130 : memref<64x128xf32, #tpu.memory_space<vmem>>) target(%dma_start3A_127 : memref<64x128xf32, #tpu.memory_space<vmem_shared>>) target_semaphore(%arg18 : memref<!tpu.dma_semaphore, #tpu.memory_space<semaphore_mem>>)
    "tpu.region"() ({
      %run_scoped3A_276 = tpu.sem_alloc : memref<!tpu.dma_semaphore, #tpu.memory_space<semaphore_mem>>
      %dma_start3A_277 = arith.constant 0 : i32
      %dma_start3A_278 = arith.constant 0 : i32
      %dma_start3A_279 = tpu.memref_slice %arg3[%add3A, %dma_start3A_277, %dma_start3A_278] : memref<32x139x72xi32, #tpu.memory_space<hbm>> -> memref<1x139x72xi32, #tpu.memory_space<hbm>>
      %dma_start3A_280 = tpu.memref_squeeze %dma_start3A_279 : memref<1x139x72xi32, #tpu.memory_space<hbm>> -> memref<139x72xi32, #tpu.memory_space<hbm>>
      %dma_start3A_281 = arith.constant 0 : i32
      %dma_start3A_282 = arith.constant 0 : i32
      %dma_start3A_283 = tpu.memref_slice %arg3[%add3A, %dma_start3A_281, %dma_start3A_282] : memref<32x139x72xi32, #tpu.memory_space<hbm>> -> memref<1x139x72xi32, #tpu.memory_space<hbm>>
      %dma_start3A_284 = tpu.memref_squeeze %dma_start3A_283 : memref<1x139x72xi32, #tpu.memory_space<hbm>> -> memref<139x72xi32, #tpu.memory_space<hbm>>
      tpu.enqueue_dma source(%dma_start3A_284 : memref<139x72xi32, #tpu.memory_space<hbm>>) target(%arg6 : memref<139x72xi32, #tpu.memory_space<vmem>>) target_semaphore(%run_scoped3A_276 : memref<!tpu.dma_semaphore, #tpu.memory_space<semaphore_mem>>)
      %dma_wait3A_285 = arith.constant 0 : i32
      %dma_wait3A_286 = arith.constant 0 : i32
      %dma_wait3A_287 = tpu.memref_slice %arg3[%add3A, %dma_wait3A_285, %dma_wait3A_286] : memref<32x139x72xi32, #tpu.memory_space<hbm>> -> memref<1x139x72xi32, #tpu.memory_space<hbm>>
      %dma_wait3A_288 = tpu.memref_squeeze %dma_wait3A_287 : memref<1x139x72xi32, #tpu.memory_space<hbm>> -> memref<139x72xi32, #tpu.memory_space<hbm>>
      %dma_wait3A_289 = arith.constant 0 : i32
      %dma_wait3A_290 = arith.constant 0 : i32
      %dma_wait3A_291 = tpu.memref_slice %arg3[%add3A, %dma_wait3A_289, %dma_wait3A_290] : memref<32x139x72xi32, #tpu.memory_space<hbm>> -> memref<1x139x72xi32, #tpu.memory_space<hbm>>
      %dma_wait3A_292 = tpu.memref_squeeze %dma_wait3A_291 : memref<1x139x72xi32, #tpu.memory_space<hbm>> -> memref<139x72xi32, #tpu.memory_space<hbm>>
      tpu.wait_dma2 semaphore(%run_scoped3A_276 : memref<!tpu.dma_semaphore, #tpu.memory_space<semaphore_mem>>) src(%dma_wait3A_292 : memref<139x72xi32, #tpu.memory_space<hbm>>) dst(%arg6 : memref<139x72xi32, #tpu.memory_space<vmem>>)
      tpu.yield
    }) : () -> ()
    "tpu.region"() ({
      %run_scoped3A_276 = tpu.sem_alloc : memref<!tpu.dma_semaphore, #tpu.memory_space<semaphore_mem>>
      %dma_start3A_277 = arith.constant 0 : i32
      %dma_start3A_278 = arith.constant 0 : i32
      %dma_start3A_279 = tpu.memref_slice %arg4[%add3A, %dma_start3A_277, %dma_start3A_278] : memref<32x139x72xi32, #tpu.memory_space<hbm>> -> memref<1x139x72xi32, #tpu.memory_space<hbm>>
      %dma_start3A_280 = tpu.memref_squeeze %dma_start3A_279 : memref<1x139x72xi32, #tpu.memory_space<hbm>> -> memref<139x72xi32, #tpu.memory_space<hbm>>
      %dma_start3A_281 = arith.constant 0 : i32
      %dma_start3A_282 = arith.constant 0 : i32
      %dma_start3A_283 = tpu.memref_slice %arg4[%add3A, %dma_start3A_281, %dma_start3A_282] : memref<32x139x72xi32, #tpu.memory_space<hbm>> -> memref<1x139x72xi32, #tpu.memory_space<hbm>>
      %dma_start3A_284 = tpu.memref_squeeze %dma_start3A_283 : memref<1x139x72xi32, #tpu.memory_space<hbm>> -> memref<139x72xi32, #tpu.memory_space<hbm>>
      tpu.enqueue_dma source(%dma_start3A_284 : memref<139x72xi32, #tpu.memory_space<hbm>>) target(%arg7 : memref<139x72xi32, #tpu.memory_space<vmem>>) target_semaphore(%run_scoped3A_276 : memref<!tpu.dma_semaphore, #tpu.memory_space<semaphore_mem>>)
      %dma_wait3A_285 = arith.constant 0 : i32
      %dma_wait3A_286 = arith.constant 0 : i32
      %dma_wait3A_287 = tpu.memref_slice %arg4[%add3A, %dma_wait3A_285, %dma_wait3A_286] : memref<32x139x72xi32, #tpu.memory_space<hbm>> -> memref<1x139x72xi32, #tpu.memory_space<hbm>>
      %dma_wait3A_288 = tpu.memref_squeeze %dma_wait3A_287 : memref<1x139x72xi32, #tpu.memory_space<hbm>> -> memref<139x72xi32, #tpu.memory_space<hbm>>
      %dma_wait3A_289 = arith.constant 0 : i32
      %dma_wait3A_290 = arith.constant 0 : i32
      %dma_wait3A_291 = tpu.memref_slice %arg4[%add3A, %dma_wait3A_289, %dma_wait3A_290] : memref<32x139x72xi32, #tpu.memory_space<hbm>> -> memref<1x139x72xi32, #tpu.memory_space<hbm>>
      %dma_wait3A_292 = tpu.memref_squeeze %dma_wait3A_291 : memref<1x139x72xi32, #tpu.memory_space<hbm>> -> memref<139x72xi32, #tpu.memory_space<hbm>>
      tpu.wait_dma2 semaphore(%run_scoped3A_276 : memref<!tpu.dma_semaphore, #tpu.memory_space<semaphore_mem>>) src(%dma_wait3A_292 : memref<139x72xi32, #tpu.memory_space<hbm>>) dst(%arg7 : memref<139x72xi32, #tpu.memory_space<vmem>>)
      tpu.yield
    }) : () -> ()
    %mul3A_131 = arith.constant 640 : i32
    %mul3A_132 = arith.muli %arg1, %mul3A_131 : i32
    %dma_wait3A = arith.constant 0 : i32
    %dma_wait3A_133 = arith.constant 0 : i32
    %dma_wait3A_134 = tpu.memref_slice %arg8[%dma_wait3A, %dma_wait3A_133] : memref<72x128xf32, #tpu.memory_space<vmem>> -> memref<72x128xf32, #tpu.memory_space<vmem>>
    %dma_wait3A_135 = arith.constant 0 : i32
    %dma_wait3A_136 = tpu.memref_slice %arg11[%mul3A_132, %dma_wait3A_135] : memref<10240x128xf32, #tpu.memory_space<vmem_shared>> -> memref<72x128xf32, #tpu.memory_space<vmem_shared>>
    %dma_wait3A_137 = arith.constant 0 : i32
    %dma_wait3A_138 = tpu.memref_slice %arg11[%mul3A_132, %dma_wait3A_137] : memref<10240x128xf32, #tpu.memory_space<vmem_shared>> -> memref<72x128xf32, #tpu.memory_space<vmem_shared>>
    %dma_wait3A_139 = arith.constant 0 : i32
    %dma_wait3A_140 = arith.constant 0 : i32
    %dma_wait3A_141 = tpu.memref_slice %arg8[%dma_wait3A_139, %dma_wait3A_140] : memref<72x128xf32, #tpu.memory_space<vmem>> -> memref<72x128xf32, #tpu.memory_space<vmem>>
    tpu.wait_dma2 semaphore(%arg18 : memref<!tpu.dma_semaphore, #tpu.memory_space<semaphore_mem>>) src(%dma_wait3A_141 : memref<72x128xf32, #tpu.memory_space<vmem>>) dst(%dma_wait3A_138 : memref<72x128xf32, #tpu.memory_space<vmem_shared>>)
    %mul3A_142 = arith.constant 640 : i32
    %mul3A_143 = arith.muli %arg1, %mul3A_142 : i32
    %dma_wait3A_144 = arith.constant 0 : i32
    %dma_wait3A_145 = arith.constant 0 : i32
    %dma_wait3A_146 = tpu.memref_slice %arg8[%dma_wait3A_144, %dma_wait3A_145] : memref<72x128xf32, #tpu.memory_space<vmem>> -> memref<72x128xf32, #tpu.memory_space<vmem>>
    %dma_wait3A_147 = arith.constant 0 : i32
    %dma_wait3A_148 = tpu.memref_slice %arg11[%mul3A_143, %dma_wait3A_147] : memref<10240x128xf32, #tpu.memory_space<vmem_shared>> -> memref<72x128xf32, #tpu.memory_space<vmem_shared>>
    %dma_wait3A_149 = arith.constant 0 : i32
    %dma_wait3A_150 = tpu.memref_slice %arg11[%mul3A_143, %dma_wait3A_149] : memref<10240x128xf32, #tpu.memory_space<vmem_shared>> -> memref<72x128xf32, #tpu.memory_space<vmem_shared>>
    %dma_wait3A_151 = arith.constant 0 : i32
    %dma_wait3A_152 = arith.constant 0 : i32
    %dma_wait3A_153 = tpu.memref_slice %arg8[%dma_wait3A_151, %dma_wait3A_152] : memref<72x128xf32, #tpu.memory_space<vmem>> -> memref<72x128xf32, #tpu.memory_space<vmem>>
    tpu.wait_dma2 semaphore(%arg18 : memref<!tpu.dma_semaphore, #tpu.memory_space<semaphore_mem>>) src(%dma_wait3A_153 : memref<72x128xf32, #tpu.memory_space<vmem>>) dst(%dma_wait3A_150 : memref<72x128xf32, #tpu.memory_space<vmem_shared>>)
    %mul3A_154 = arith.constant 640 : i32
    %mul3A_155 = arith.muli %arg1, %mul3A_154 : i32
    %dma_wait3A_156 = arith.constant 0 : i32
    %dma_wait3A_157 = arith.constant 0 : i32
    %dma_wait3A_158 = tpu.memref_slice %arg8[%dma_wait3A_156, %dma_wait3A_157] : memref<72x128xf32, #tpu.memory_space<vmem>> -> memref<72x128xf32, #tpu.memory_space<vmem>>
    %dma_wait3A_159 = arith.constant 0 : i32
    %dma_wait3A_160 = tpu.memref_slice %arg11[%mul3A_155, %dma_wait3A_159] : memref<10240x128xf32, #tpu.memory_space<vmem_shared>> -> memref<72x128xf32, #tpu.memory_space<vmem_shared>>
    %dma_wait3A_161 = arith.constant 0 : i32
    %dma_wait3A_162 = tpu.memref_slice %arg11[%mul3A_155, %dma_wait3A_161] : memref<10240x128xf32, #tpu.memory_space<vmem_shared>> -> memref<72x128xf32, #tpu.memory_space<vmem_shared>>
    %dma_wait3A_163 = arith.constant 0 : i32
    %dma_wait3A_164 = arith.constant 0 : i32
    %dma_wait3A_165 = tpu.memref_slice %arg8[%dma_wait3A_163, %dma_wait3A_164] : memref<72x128xf32, #tpu.memory_space<vmem>> -> memref<72x128xf32, #tpu.memory_space<vmem>>
    tpu.wait_dma2 semaphore(%arg18 : memref<!tpu.dma_semaphore, #tpu.memory_space<semaphore_mem>>) src(%dma_wait3A_165 : memref<72x128xf32, #tpu.memory_space<vmem>>) dst(%dma_wait3A_162 : memref<72x128xf32, #tpu.memory_space<vmem_shared>>)
    %mul3A_166 = arith.constant 640 : i32
    %mul3A_167 = arith.muli %arg1, %mul3A_166 : i32
    %dma_wait3A_168 = arith.constant 0 : i32
    %dma_wait3A_169 = arith.constant 0 : i32
    %dma_wait3A_170 = tpu.memref_slice %arg8[%dma_wait3A_168, %dma_wait3A_169] : memref<72x128xf32, #tpu.memory_space<vmem>> -> memref<72x128xf32, #tpu.memory_space<vmem>>
    %dma_wait3A_171 = arith.constant 0 : i32
    %dma_wait3A_172 = tpu.memref_slice %arg11[%mul3A_167, %dma_wait3A_171] : memref<10240x128xf32, #tpu.memory_space<vmem_shared>> -> memref<72x128xf32, #tpu.memory_space<vmem_shared>>
    %dma_wait3A_173 = arith.constant 0 : i32
    %dma_wait3A_174 = tpu.memref_slice %arg11[%mul3A_167, %dma_wait3A_173] : memref<10240x128xf32, #tpu.memory_space<vmem_shared>> -> memref<72x128xf32, #tpu.memory_space<vmem_shared>>
    %dma_wait3A_175 = arith.constant 0 : i32
    %dma_wait3A_176 = arith.constant 0 : i32
    %dma_wait3A_177 = tpu.memref_slice %arg8[%dma_wait3A_175, %dma_wait3A_176] : memref<72x128xf32, #tpu.memory_space<vmem>> -> memref<72x128xf32, #tpu.memory_space<vmem>>
    tpu.wait_dma2 semaphore(%arg18 : memref<!tpu.dma_semaphore, #tpu.memory_space<semaphore_mem>>) src(%dma_wait3A_177 : memref<72x128xf32, #tpu.memory_space<vmem>>) dst(%dma_wait3A_174 : memref<72x128xf32, #tpu.memory_space<vmem_shared>>)
    %mul3A_178 = arith.constant 640 : i32
    %mul3A_179 = arith.muli %arg1, %mul3A_178 : i32
    %dma_wait3A_180 = arith.constant 0 : i32
    %dma_wait3A_181 = arith.constant 0 : i32
    %dma_wait3A_182 = tpu.memref_slice %arg8[%dma_wait3A_180, %dma_wait3A_181] : memref<72x128xf32, #tpu.memory_space<vmem>> -> memref<72x128xf32, #tpu.memory_space<vmem>>
    %dma_wait3A_183 = arith.constant 0 : i32
    %dma_wait3A_184 = tpu.memref_slice %arg11[%mul3A_179, %dma_wait3A_183] : memref<10240x128xf32, #tpu.memory_space<vmem_shared>> -> memref<72x128xf32, #tpu.memory_space<vmem_shared>>
    %dma_wait3A_185 = arith.constant 0 : i32
    %dma_wait3A_186 = tpu.memref_slice %arg11[%mul3A_179, %dma_wait3A_185] : memref<10240x128xf32, #tpu.memory_space<vmem_shared>> -> memref<72x128xf32, #tpu.memory_space<vmem_shared>>
    %dma_wait3A_187 = arith.constant 0 : i32
    %dma_wait3A_188 = arith.constant 0 : i32
    %dma_wait3A_189 = tpu.memref_slice %arg8[%dma_wait3A_187, %dma_wait3A_188] : memref<72x128xf32, #tpu.memory_space<vmem>> -> memref<72x128xf32, #tpu.memory_space<vmem>>
    tpu.wait_dma2 semaphore(%arg18 : memref<!tpu.dma_semaphore, #tpu.memory_space<semaphore_mem>>) src(%dma_wait3A_189 : memref<72x128xf32, #tpu.memory_space<vmem>>) dst(%dma_wait3A_186 : memref<72x128xf32, #tpu.memory_space<vmem_shared>>)
    %mul3A_190 = arith.constant 640 : i32
    %mul3A_191 = arith.muli %arg1, %mul3A_190 : i32
    %dma_wait3A_192 = arith.constant 0 : i32
    %dma_wait3A_193 = arith.constant 0 : i32
    %dma_wait3A_194 = tpu.memref_slice %arg8[%dma_wait3A_192, %dma_wait3A_193] : memref<72x128xf32, #tpu.memory_space<vmem>> -> memref<72x128xf32, #tpu.memory_space<vmem>>
    %dma_wait3A_195 = arith.constant 0 : i32
    %dma_wait3A_196 = tpu.memref_slice %arg11[%mul3A_191, %dma_wait3A_195] : memref<10240x128xf32, #tpu.memory_space<vmem_shared>> -> memref<72x128xf32, #tpu.memory_space<vmem_shared>>
    %dma_wait3A_197 = arith.constant 0 : i32
    %dma_wait3A_198 = tpu.memref_slice %arg11[%mul3A_191, %dma_wait3A_197] : memref<10240x128xf32, #tpu.memory_space<vmem_shared>> -> memref<72x128xf32, #tpu.memory_space<vmem_shared>>
    %dma_wait3A_199 = arith.constant 0 : i32
    %dma_wait3A_200 = arith.constant 0 : i32
    %dma_wait3A_201 = tpu.memref_slice %arg8[%dma_wait3A_199, %dma_wait3A_200] : memref<72x128xf32, #tpu.memory_space<vmem>> -> memref<72x128xf32, #tpu.memory_space<vmem>>
    tpu.wait_dma2 semaphore(%arg18 : memref<!tpu.dma_semaphore, #tpu.memory_space<semaphore_mem>>) src(%dma_wait3A_201 : memref<72x128xf32, #tpu.memory_space<vmem>>) dst(%dma_wait3A_198 : memref<72x128xf32, #tpu.memory_space<vmem_shared>>)
    %mul3A_202 = arith.constant 640 : i32
    %mul3A_203 = arith.muli %arg1, %mul3A_202 : i32
    %dma_wait3A_204 = arith.constant 0 : i32
    %dma_wait3A_205 = arith.constant 0 : i32
    %dma_wait3A_206 = tpu.memref_slice %arg8[%dma_wait3A_204, %dma_wait3A_205] : memref<72x128xf32, #tpu.memory_space<vmem>> -> memref<72x128xf32, #tpu.memory_space<vmem>>
    %dma_wait3A_207 = arith.constant 0 : i32
    %dma_wait3A_208 = tpu.memref_slice %arg11[%mul3A_203, %dma_wait3A_207] : memref<10240x128xf32, #tpu.memory_space<vmem_shared>> -> memref<72x128xf32, #tpu.memory_space<vmem_shared>>
    %dma_wait3A_209 = arith.constant 0 : i32
    %dma_wait3A_210 = tpu.memref_slice %arg11[%mul3A_203, %dma_wait3A_209] : memref<10240x128xf32, #tpu.memory_space<vmem_shared>> -> memref<72x128xf32, #tpu.memory_space<vmem_shared>>
    %dma_wait3A_211 = arith.constant 0 : i32
    %dma_wait3A_212 = arith.constant 0 : i32
    %dma_wait3A_213 = tpu.memref_slice %arg8[%dma_wait3A_211, %dma_wait3A_212] : memref<72x128xf32, #tpu.memory_space<vmem>> -> memref<72x128xf32, #tpu.memory_space<vmem>>
    tpu.wait_dma2 semaphore(%arg18 : memref<!tpu.dma_semaphore, #tpu.memory_space<semaphore_mem>>) src(%dma_wait3A_213 : memref<72x128xf32, #tpu.memory_space<vmem>>) dst(%dma_wait3A_210 : memref<72x128xf32, #tpu.memory_space<vmem_shared>>)
    %mul3A_214 = arith.constant 640 : i32
    %mul3A_215 = arith.muli %arg1, %mul3A_214 : i32
    %dma_wait3A_216 = arith.constant 0 : i32
    %dma_wait3A_217 = arith.constant 0 : i32
    %dma_wait3A_218 = tpu.memref_slice %arg8[%dma_wait3A_216, %dma_wait3A_217] : memref<72x128xf32, #tpu.memory_space<vmem>> -> memref<72x128xf32, #tpu.memory_space<vmem>>
    %dma_wait3A_219 = arith.constant 0 : i32
    %dma_wait3A_220 = tpu.memref_slice %arg11[%mul3A_215, %dma_wait3A_219] : memref<10240x128xf32, #tpu.memory_space<vmem_shared>> -> memref<72x128xf32, #tpu.memory_space<vmem_shared>>
    %dma_wait3A_221 = arith.constant 0 : i32
    %dma_wait3A_222 = tpu.memref_slice %arg11[%mul3A_215, %dma_wait3A_221] : memref<10240x128xf32, #tpu.memory_space<vmem_shared>> -> memref<72x128xf32, #tpu.memory_space<vmem_shared>>
    %dma_wait3A_223 = arith.constant 0 : i32
    %dma_wait3A_224 = arith.constant 0 : i32
    %dma_wait3A_225 = tpu.memref_slice %arg8[%dma_wait3A_223, %dma_wait3A_224] : memref<72x128xf32, #tpu.memory_space<vmem>> -> memref<72x128xf32, #tpu.memory_space<vmem>>
    tpu.wait_dma2 semaphore(%arg18 : memref<!tpu.dma_semaphore, #tpu.memory_space<semaphore_mem>>) src(%dma_wait3A_225 : memref<72x128xf32, #tpu.memory_space<vmem>>) dst(%dma_wait3A_222 : memref<72x128xf32, #tpu.memory_space<vmem_shared>>)
    %mul3A_226 = arith.constant 640 : i32
    %mul3A_227 = arith.muli %arg1, %mul3A_226 : i32
    %dma_wait3A_228 = arith.constant 0 : i32
    %dma_wait3A_229 = arith.constant 0 : i32
    %dma_wait3A_230 = tpu.memref_slice %arg8[%dma_wait3A_228, %dma_wait3A_229] : memref<72x128xf32, #tpu.memory_space<vmem>> -> memref<64x128xf32, #tpu.memory_space<vmem>>
    %dma_wait3A_231 = arith.constant 0 : i32
    %dma_wait3A_232 = tpu.memref_slice %arg11[%mul3A_227, %dma_wait3A_231] : memref<10240x128xf32, #tpu.memory_space<vmem_shared>> -> memref<64x128xf32, #tpu.memory_space<vmem_shared>>
    %dma_wait3A_233 = arith.constant 0 : i32
    %dma_wait3A_234 = tpu.memref_slice %arg11[%mul3A_227, %dma_wait3A_233] : memref<10240x128xf32, #tpu.memory_space<vmem_shared>> -> memref<64x128xf32, #tpu.memory_space<vmem_shared>>
    %dma_wait3A_235 = arith.constant 0 : i32
    %dma_wait3A_236 = arith.constant 0 : i32
    %dma_wait3A_237 = tpu.memref_slice %arg8[%dma_wait3A_235, %dma_wait3A_236] : memref<72x128xf32, #tpu.memory_space<vmem>> -> memref<64x128xf32, #tpu.memory_space<vmem>>
    tpu.wait_dma2 semaphore(%arg18 : memref<!tpu.dma_semaphore, #tpu.memory_space<semaphore_mem>>) src(%dma_wait3A_237 : memref<64x128xf32, #tpu.memory_space<vmem>>) dst(%dma_wait3A_234 : memref<64x128xf32, #tpu.memory_space<vmem_shared>>)
    %barrier3A = arith.constant 0 : index
    tpu.barrier barrier_id(%barrier3A)
    %dma_start3A_238 = arith.constant 0 : i32
    %dma_start3A_239 = arith.constant 0 : i32
    %dma_start3A_240 = tpu.memref_slice %arg6[%dma_start3A_238, %dma_start3A_239] : memref<139x72xi32, #tpu.memory_space<vmem>> -> memref<1x72xi32, #tpu.memory_space<vmem>>
    %dma_start3A_241 = tpu.memref_squeeze %dma_start3A_240 : memref<1x72xi32, #tpu.memory_space<vmem>> -> memref<72xi32, #tpu.memory_space<vmem>>
    %dma_start3A_242 = arith.constant 0 : i32
    %dma_start3A_243 = arith.constant 0 : i32
    %dma_start3A_244 = tpu.memref_slice %arg2[%dma_start3A_242, %dma_start3A_243] : memref<10000x128xf32, #tpu.memory_space<hbm>> -> memref<10000x128xf32, #tpu.memory_space<hbm>>
    tpu.enqueue_indirect_dma source(%dma_start3A_244 : memref<10000x128xf32, #tpu.memory_space<hbm>>) target(%arg8 : memref<72x128xf32, #tpu.memory_space<vmem>>) offsets(%dma_start3A_241 : memref<72xi32, #tpu.memory_space<vmem>>) semaphore(%arg12 : memref<!tpu.dma_semaphore, #tpu.memory_space<semaphore_mem>>)
    %dma_start3A_245 = arith.constant 1 : i32
    %dma_start3A_246 = arith.constant 0 : i32
    %dma_start3A_247 = tpu.memref_slice %arg6[%dma_start3A_245, %dma_start3A_246] : memref<139x72xi32, #tpu.memory_space<vmem>> -> memref<1x72xi32, #tpu.memory_space<vmem>>
    %dma_start3A_248 = tpu.memref_squeeze %dma_start3A_247 : memref<1x72xi32, #tpu.memory_space<vmem>> -> memref<72xi32, #tpu.memory_space<vmem>>
    %dma_start3A_249 = arith.constant 0 : i32
    %dma_start3A_250 = arith.constant 0 : i32
    %dma_start3A_251 = tpu.memref_slice %arg2[%dma_start3A_249, %dma_start3A_250] : memref<10000x128xf32, #tpu.memory_space<hbm>> -> memref<10000x128xf32, #tpu.memory_space<hbm>>
    tpu.enqueue_indirect_dma source(%dma_start3A_251 : memref<10000x128xf32, #tpu.memory_space<hbm>>) target(%arg9 : memref<72x128xf32, #tpu.memory_space<vmem>>) offsets(%dma_start3A_248 : memref<72xi32, #tpu.memory_space<vmem>>) semaphore(%arg13 : memref<!tpu.dma_semaphore, #tpu.memory_space<semaphore_mem>>)
    %dma_start3A_252 = arith.constant 2 : i32
    %dma_start3A_253 = arith.constant 0 : i32
    %dma_start3A_254 = tpu.memref_slice %arg6[%dma_start3A_252, %dma_start3A_253] : memref<139x72xi32, #tpu.memory_space<vmem>> -> memref<1x72xi32, #tpu.memory_space<vmem>>
    %dma_start3A_255 = tpu.memref_squeeze %dma_start3A_254 : memref<1x72xi32, #tpu.memory_space<vmem>> -> memref<72xi32, #tpu.memory_space<vmem>>
    %dma_start3A_256 = arith.constant 0 : i32
    %dma_start3A_257 = arith.constant 0 : i32
    %dma_start3A_258 = tpu.memref_slice %arg2[%dma_start3A_256, %dma_start3A_257] : memref<10000x128xf32, #tpu.memory_space<hbm>> -> memref<10000x128xf32, #tpu.memory_space<hbm>>
    tpu.enqueue_indirect_dma source(%dma_start3A_258 : memref<10000x128xf32, #tpu.memory_space<hbm>>) target(%arg10 : memref<72x128xf32, #tpu.memory_space<vmem>>) offsets(%dma_start3A_255 : memref<72xi32, #tpu.memory_space<vmem>>) semaphore(%arg14 : memref<!tpu.dma_semaphore, #tpu.memory_space<semaphore_mem>>)
    %scan3A_259 = arith.constant 0 : i32
    %scan3A_260 = arith.constant 46 : i32
    %scan3A_261 = arith.addi %scan3A_259, %scan3A_260 : i32
    %scan3A_262 = arith.constant 1 : i32
    scf.for %scan3A_276 = %scan3A_259 to %scan3A_261 step %scan3A_262  : i32 {
      %mul3A_277 = arith.constant 3 : i32
      %mul3A_278 = arith.muli %scan3A_276, %mul3A_277 : i32
      %add3A_279 = arith.constant 0 : i32
      %add3A_280 = arith.addi %mul3A_278, %add3A_279 : i32
      %dma_wait3A_281 = arith.constant 0 : i32
      %dma_wait3A_282 = tpu.memref_slice %arg6[%add3A_280, %dma_wait3A_281] : memref<139x72xi32, #tpu.memory_space<vmem>> -> memref<1x72xi32, #tpu.memory_space<vmem>>
      %dma_wait3A_283 = tpu.memref_squeeze %dma_wait3A_282 : memref<1x72xi32, #tpu.memory_space<vmem>> -> memref<72xi32, #tpu.memory_space<vmem>>
      %dma_wait3A_284 = arith.constant 0 : i32
      %dma_wait3A_285 = arith.constant 0 : i32
      %dma_wait3A_286 = tpu.memref_slice %arg2[%dma_wait3A_284, %dma_wait3A_285] : memref<10000x128xf32, #tpu.memory_space<hbm>> -> memref<10000x128xf32, #tpu.memory_space<hbm>>
      tpu.wait_indirect_dma semaphore(%arg12 : memref<!tpu.dma_semaphore, #tpu.memory_space<semaphore_mem>>) src(%dma_wait3A_286 : memref<10000x128xf32, #tpu.memory_space<hbm>>) dst(%arg8 : memref<72x128xf32, #tpu.memory_space<vmem>>)
      %add3A_287 = arith.constant 0 : i32
      %add3A_288 = arith.addi %mul3A_278, %add3A_287 : i32
      %dma_start3A_289 = arith.constant 0 : i32
      %dma_start3A_290 = tpu.memref_slice %arg7[%add3A_288, %dma_start3A_289] : memref<139x72xi32, #tpu.memory_space<vmem>> -> memref<1x72xi32, #tpu.memory_space<vmem>>
      %dma_start3A_291 = tpu.memref_squeeze %dma_start3A_290 : memref<1x72xi32, #tpu.memory_space<vmem>> -> memref<72xi32, #tpu.memory_space<vmem>>
      %dma_start3A_292 = arith.constant 0 : i32
      %dma_start3A_293 = arith.constant 0 : i32
      %dma_start3A_294 = tpu.memref_slice %arg11[%dma_start3A_292, %dma_start3A_293] : memref<10240x128xf32, #tpu.memory_space<vmem_shared>> -> memref<10240x128xf32, #tpu.memory_space<vmem_shared>>
      tpu.enqueue_indirect_dma source(%arg8 : memref<72x128xf32, #tpu.memory_space<vmem>>) target(%dma_start3A_294 : memref<10240x128xf32, #tpu.memory_space<vmem_shared>>) offsets(%dma_start3A_291 : memref<72xi32, #tpu.memory_space<vmem>>) semaphore(%arg15 : memref<!tpu.dma_semaphore, #tpu.memory_space<semaphore_mem>>) {add = true}
      %add3A_295 = arith.constant 1 : i32
      %add3A_296 = arith.addi %mul3A_278, %add3A_295 : i32
      %dma_wait3A_297 = arith.constant 0 : i32
      %dma_wait3A_298 = tpu.memref_slice %arg6[%add3A_296, %dma_wait3A_297] : memref<139x72xi32, #tpu.memory_space<vmem>> -> memref<1x72xi32, #tpu.memory_space<vmem>>
      %dma_wait3A_299 = tpu.memref_squeeze %dma_wait3A_298 : memref<1x72xi32, #tpu.memory_space<vmem>> -> memref<72xi32, #tpu.memory_space<vmem>>
      %dma_wait3A_300 = arith.constant 0 : i32
      %dma_wait3A_301 = arith.constant 0 : i32
      %dma_wait3A_302 = tpu.memref_slice %arg2[%dma_wait3A_300, %dma_wait3A_301] : memref<10000x128xf32, #tpu.memory_space<hbm>> -> memref<10000x128xf32, #tpu.memory_space<hbm>>
      tpu.wait_indirect_dma semaphore(%arg13 : memref<!tpu.dma_semaphore, #tpu.memory_space<semaphore_mem>>) src(%dma_wait3A_302 : memref<10000x128xf32, #tpu.memory_space<hbm>>) dst(%arg9 : memref<72x128xf32, #tpu.memory_space<vmem>>)
      %add3A_303 = arith.constant 1 : i32
      %add3A_304 = arith.addi %mul3A_278, %add3A_303 : i32
      %dma_start3A_305 = arith.constant 0 : i32
      %dma_start3A_306 = tpu.memref_slice %arg7[%add3A_304, %dma_start3A_305] : memref<139x72xi32, #tpu.memory_space<vmem>> -> memref<1x72xi32, #tpu.memory_space<vmem>>
      %dma_start3A_307 = tpu.memref_squeeze %dma_start3A_306 : memref<1x72xi32, #tpu.memory_space<vmem>> -> memref<72xi32, #tpu.memory_space<vmem>>
      %dma_start3A_308 = arith.constant 0 : i32
      %dma_start3A_309 = arith.constant 0 : i32
      %dma_start3A_310 = tpu.memref_slice %arg11[%dma_start3A_308, %dma_start3A_309] : memref<10240x128xf32, #tpu.memory_space<vmem_shared>> -> memref<10240x128xf32, #tpu.memory_space<vmem_shared>>
      tpu.enqueue_indirect_dma source(%arg9 : memref<72x128xf32, #tpu.memory_space<vmem>>) target(%dma_start3A_310 : memref<10240x128xf32, #tpu.memory_space<vmem_shared>>) offsets(%dma_start3A_307 : memref<72xi32, #tpu.memory_space<vmem>>) semaphore(%arg16 : memref<!tpu.dma_semaphore, #tpu.memory_space<semaphore_mem>>) {add = true}
      %add3A_311 = arith.constant 2 : i32
      %add3A_312 = arith.addi %mul3A_278, %add3A_311 : i32
      %dma_wait3A_313 = arith.constant 0 : i32
      %dma_wait3A_314 = tpu.memref_slice %arg6[%add3A_312, %dma_wait3A_313] : memref<139x72xi32, #tpu.memory_space<vmem>> -> memref<1x72xi32, #tpu.memory_space<vmem>>
      %dma_wait3A_315 = tpu.memref_squeeze %dma_wait3A_314 : memref<1x72xi32, #tpu.memory_space<vmem>> -> memref<72xi32, #tpu.memory_space<vmem>>
      %dma_wait3A_316 = arith.constant 0 : i32
      %dma_wait3A_317 = arith.constant 0 : i32
      %dma_wait3A_318 = tpu.memref_slice %arg2[%dma_wait3A_316, %dma_wait3A_317] : memref<10000x128xf32, #tpu.memory_space<hbm>> -> memref<10000x128xf32, #tpu.memory_space<hbm>>
      tpu.wait_indirect_dma semaphore(%arg14 : memref<!tpu.dma_semaphore, #tpu.memory_space<semaphore_mem>>) src(%dma_wait3A_318 : memref<10000x128xf32, #tpu.memory_space<hbm>>) dst(%arg10 : memref<72x128xf32, #tpu.memory_space<vmem>>)
      %add3A_319 = arith.constant 2 : i32
      %add3A_320 = arith.addi %mul3A_278, %add3A_319 : i32
      %dma_start3A_321 = arith.constant 0 : i32
      %dma_start3A_322 = tpu.memref_slice %arg7[%add3A_320, %dma_start3A_321] : memref<139x72xi32, #tpu.memory_space<vmem>> -> memref<1x72xi32, #tpu.memory_space<vmem>>
      %dma_start3A_323 = tpu.memref_squeeze %dma_start3A_322 : memref<1x72xi32, #tpu.memory_space<vmem>> -> memref<72xi32, #tpu.memory_space<vmem>>
      %dma_start3A_324 = arith.constant 0 : i32
      %dma_start3A_325 = arith.constant 0 : i32
      %dma_start3A_326 = tpu.memref_slice %arg11[%dma_start3A_324, %dma_start3A_325] : memref<10240x128xf32, #tpu.memory_space<vmem_shared>> -> memref<10240x128xf32, #tpu.memory_space<vmem_shared>>
      tpu.enqueue_indirect_dma source(%arg10 : memref<72x128xf32, #tpu.memory_space<vmem>>) target(%dma_start3A_326 : memref<10240x128xf32, #tpu.memory_space<vmem_shared>>) offsets(%dma_start3A_323 : memref<72xi32, #tpu.memory_space<vmem>>) semaphore(%arg17 : memref<!tpu.dma_semaphore, #tpu.memory_space<semaphore_mem>>) {add = true}
      %add3A_327 = arith.constant 2 : i32
      %add3A_328 = arith.addi %mul3A_278, %add3A_327 : i32
      %sub3A = arith.constant 2 : i32
      %sub3A_329 = arith.subi %add3A_328, %sub3A : i32
      %dma_wait3A_330 = arith.constant 0 : i32
      %dma_wait3A_331 = tpu.memref_slice %arg7[%sub3A_329, %dma_wait3A_330] : memref<139x72xi32, #tpu.memory_space<vmem>> -> memref<1x72xi32, #tpu.memory_space<vmem>>
      %dma_wait3A_332 = tpu.memref_squeeze %dma_wait3A_331 : memref<1x72xi32, #tpu.memory_space<vmem>> -> memref<72xi32, #tpu.memory_space<vmem>>
      %dma_wait3A_333 = arith.constant 0 : i32
      %dma_wait3A_334 = arith.constant 0 : i32
      %dma_wait3A_335 = tpu.memref_slice %arg11[%dma_wait3A_333, %dma_wait3A_334] : memref<10240x128xf32, #tpu.memory_space<vmem_shared>> -> memref<10240x128xf32, #tpu.memory_space<vmem_shared>>
      tpu.wait_indirect_dma semaphore(%arg15 : memref<!tpu.dma_semaphore, #tpu.memory_space<semaphore_mem>>) src(%arg8 : memref<72x128xf32, #tpu.memory_space<vmem>>) dst(%dma_wait3A_335 : memref<10240x128xf32, #tpu.memory_space<vmem_shared>>)
      %add3A_336 = arith.constant 3 : i32
      %add3A_337 = arith.addi %sub3A_329, %add3A_336 : i32
      %lt3A = arith.constant 139 : i32
      %lt3A_338 = arith.cmpi slt, %add3A_337, %lt3A : i32
      %convert_element_type3A = arith.extui %lt3A_338 : i1 to i32
      %cond3A = arith.constant 0 : i32
      %cond3A_339 = arith.cmpi ne, %convert_element_type3A, %cond3A : i32
      scf.if %cond3A_339 {
        %dma_start3A_370 = arith.constant 0 : i32
        %dma_start3A_371 = tpu.memref_slice %arg6[%add3A_337, %dma_start3A_370] : memref<139x72xi32, #tpu.memory_space<vmem>> -> memref<1x72xi32, #tpu.memory_space<vmem>>
        %dma_start3A_372 = tpu.memref_squeeze %dma_start3A_371 : memref<1x72xi32, #tpu.memory_space<vmem>> -> memref<72xi32, #tpu.memory_space<vmem>>
        %dma_start3A_373 = arith.constant 0 : i32
        %dma_start3A_374 = arith.constant 0 : i32
        %dma_start3A_375 = tpu.memref_slice %arg2[%dma_start3A_373, %dma_start3A_374] : memref<10000x128xf32, #tpu.memory_space<hbm>> -> memref<10000x128xf32, #tpu.memory_space<hbm>>
        tpu.enqueue_indirect_dma source(%dma_start3A_375 : memref<10000x128xf32, #tpu.memory_space<hbm>>) target(%arg8 : memref<72x128xf32, #tpu.memory_space<vmem>>) offsets(%dma_start3A_372 : memref<72xi32, #tpu.memory_space<vmem>>) semaphore(%arg12 : memref<!tpu.dma_semaphore, #tpu.memory_space<semaphore_mem>>)
      } else {
      }
      %add3A_340 = arith.constant 1 : i32
      %add3A_341 = arith.addi %mul3A_278, %add3A_340 : i32
      %dma_wait3A_342 = arith.constant 0 : i32
      %dma_wait3A_343 = tpu.memref_slice %arg7[%add3A_341, %dma_wait3A_342] : memref<139x72xi32, #tpu.memory_space<vmem>> -> memref<1x72xi32, #tpu.memory_space<vmem>>
      %dma_wait3A_344 = tpu.memref_squeeze %dma_wait3A_343 : memref<1x72xi32, #tpu.memory_space<vmem>> -> memref<72xi32, #tpu.memory_space<vmem>>
      %dma_wait3A_345 = arith.constant 0 : i32
      %dma_wait3A_346 = arith.constant 0 : i32
      %dma_wait3A_347 = tpu.memref_slice %arg11[%dma_wait3A_345, %dma_wait3A_346] : memref<10240x128xf32, #tpu.memory_space<vmem_shared>> -> memref<10240x128xf32, #tpu.memory_space<vmem_shared>>
      tpu.wait_indirect_dma semaphore(%arg16 : memref<!tpu.dma_semaphore, #tpu.memory_space<semaphore_mem>>) src(%arg9 : memref<72x128xf32, #tpu.memory_space<vmem>>) dst(%dma_wait3A_347 : memref<10240x128xf32, #tpu.memory_space<vmem_shared>>)
      %add3A_348 = arith.constant 3 : i32
      %add3A_349 = arith.addi %add3A_341, %add3A_348 : i32
      %lt3A_350 = arith.constant 139 : i32
      %lt3A_351 = arith.cmpi slt, %add3A_349, %lt3A_350 : i32
      %convert_element_type3A_352 = arith.extui %lt3A_351 : i1 to i32
      %cond3A_353 = arith.constant 0 : i32
      %cond3A_354 = arith.cmpi ne, %convert_element_type3A_352, %cond3A_353 : i32
      scf.if %cond3A_354 {
        %dma_start3A_370 = arith.constant 0 : i32
        %dma_start3A_371 = tpu.memref_slice %arg6[%add3A_349, %dma_start3A_370] : memref<139x72xi32, #tpu.memory_space<vmem>> -> memref<1x72xi32, #tpu.memory_space<vmem>>
        %dma_start3A_372 = tpu.memref_squeeze %dma_start3A_371 : memref<1x72xi32, #tpu.memory_space<vmem>> -> memref<72xi32, #tpu.memory_space<vmem>>
        %dma_start3A_373 = arith.constant 0 : i32
        %dma_start3A_374 = arith.constant 0 : i32
        %dma_start3A_375 = tpu.memref_slice %arg2[%dma_start3A_373, %dma_start3A_374] : memref<10000x128xf32, #tpu.memory_space<hbm>> -> memref<10000x128xf32, #tpu.memory_space<hbm>>
        tpu.enqueue_indirect_dma source(%dma_start3A_375 : memref<10000x128xf32, #tpu.memory_space<hbm>>) target(%arg9 : memref<72x128xf32, #tpu.memory_space<vmem>>) offsets(%dma_start3A_372 : memref<72xi32, #tpu.memory_space<vmem>>) semaphore(%arg13 : memref<!tpu.dma_semaphore, #tpu.memory_space<semaphore_mem>>)
      } else {
      }
      %add3A_355 = arith.constant 2 : i32
      %add3A_356 = arith.addi %mul3A_278, %add3A_355 : i32
      %dma_wait3A_357 = arith.constant 0 : i32
      %dma_wait3A_358 = tpu.memref_slice %arg7[%add3A_356, %dma_wait3A_357] : memref<139x72xi32, #tpu.memory_space<vmem>> -> memref<1x72xi32, #tpu.memory_space<vmem>>
      %dma_wait3A_359 = tpu.memref_squeeze %dma_wait3A_358 : memref<1x72xi32, #tpu.memory_space<vmem>> -> memref<72xi32, #tpu.memory_space<vmem>>
      %dma_wait3A_360 = arith.constant 0 : i32
      %dma_wait3A_361 = arith.constant 0 : i32
      %dma_wait3A_362 = tpu.memref_slice %arg11[%dma_wait3A_360, %dma_wait3A_361] : memref<10240x128xf32, #tpu.memory_space<vmem_shared>> -> memref<10240x128xf32, #tpu.memory_space<vmem_shared>>
      tpu.wait_indirect_dma semaphore(%arg17 : memref<!tpu.dma_semaphore, #tpu.memory_space<semaphore_mem>>) src(%arg10 : memref<72x128xf32, #tpu.memory_space<vmem>>) dst(%dma_wait3A_362 : memref<10240x128xf32, #tpu.memory_space<vmem_shared>>)
      %add3A_363 = arith.constant 3 : i32
      %add3A_364 = arith.addi %add3A_356, %add3A_363 : i32
      %lt3A_365 = arith.constant 139 : i32
      %lt3A_366 = arith.cmpi slt, %add3A_364, %lt3A_365 : i32
      %convert_element_type3A_367 = arith.extui %lt3A_366 : i1 to i32
      %cond3A_368 = arith.constant 0 : i32
      %cond3A_369 = arith.cmpi ne, %convert_element_type3A_367, %cond3A_368 : i32
      scf.if %cond3A_369 {
        %dma_start3A_370 = arith.constant 0 : i32
        %dma_start3A_371 = tpu.memref_slice %arg6[%add3A_364, %dma_start3A_370] : memref<139x72xi32, #tpu.memory_space<vmem>> -> memref<1x72xi32, #tpu.memory_space<vmem>>
        %dma_start3A_372 = tpu.memref_squeeze %dma_start3A_371 : memref<1x72xi32, #tpu.memory_space<vmem>> -> memref<72xi32, #tpu.memory_space<vmem>>
        %dma_start3A_373 = arith.constant 0 : i32
        %dma_start3A_374 = arith.constant 0 : i32
        %dma_start3A_375 = tpu.memref_slice %arg2[%dma_start3A_373, %dma_start3A_374] : memref<10000x128xf32, #tpu.memory_space<hbm>> -> memref<10000x128xf32, #tpu.memory_space<hbm>>
        tpu.enqueue_indirect_dma source(%dma_start3A_375 : memref<10000x128xf32, #tpu.memory_space<hbm>>) target(%arg10 : memref<72x128xf32, #tpu.memory_space<vmem>>) offsets(%dma_start3A_372 : memref<72xi32, #tpu.memory_space<vmem>>) semaphore(%arg14 : memref<!tpu.dma_semaphore, #tpu.memory_space<semaphore_mem>>)
      } else {
      }
    }
    %scan3A_263 = arith.constant 46 : i32
    %dma_wait3A_264 = arith.constant 138 : i32
    %dma_wait3A_265 = arith.constant 0 : i32
    %dma_wait3A_266 = tpu.memref_slice %arg6[%dma_wait3A_264, %dma_wait3A_265] : memref<139x72xi32, #tpu.memory_space<vmem>> -> memref<1x72xi32, #tpu.memory_space<vmem>>
    %dma_wait3A_267 = tpu.memref_squeeze %dma_wait3A_266 : memref<1x72xi32, #tpu.memory_space<vmem>> -> memref<72xi32, #tpu.memory_space<vmem>>
    %dma_wait3A_268 = arith.constant 0 : i32
    %dma_wait3A_269 = arith.constant 0 : i32
    %dma_wait3A_270 = tpu.memref_slice %arg2[%dma_wait3A_268, %dma_wait3A_269] : memref<10000x128xf32, #tpu.memory_space<hbm>> -> memref<10000x128xf32, #tpu.memory_space<hbm>>
    tpu.wait_indirect_dma semaphore(%arg12 : memref<!tpu.dma_semaphore, #tpu.memory_space<semaphore_mem>>) src(%dma_wait3A_270 : memref<10000x128xf32, #tpu.memory_space<hbm>>) dst(%arg8 : memref<72x128xf32, #tpu.memory_space<vmem>>)
    %run_scoped3A = arith.constant 138 : i32
    "tpu.region"() ({
      %run_scoped3A_276 = tpu.sem_alloc : memref<!tpu.dma_semaphore, #tpu.memory_space<semaphore_mem>>
      %dma_start3A_277 = arith.constant 0 : i32
      %dma_start3A_278 = tpu.memref_slice %arg7[%run_scoped3A, %dma_start3A_277] : memref<139x72xi32, #tpu.memory_space<vmem>> -> memref<1x72xi32, #tpu.memory_space<vmem>>
      %dma_start3A_279 = tpu.memref_squeeze %dma_start3A_278 : memref<1x72xi32, #tpu.memory_space<vmem>> -> memref<72xi32, #tpu.memory_space<vmem>>
      %dma_start3A_280 = arith.constant 0 : i32
      %dma_start3A_281 = arith.constant 0 : i32
      %dma_start3A_282 = tpu.memref_slice %arg11[%dma_start3A_280, %dma_start3A_281] : memref<10240x128xf32, #tpu.memory_space<vmem_shared>> -> memref<10240x128xf32, #tpu.memory_space<vmem_shared>>
      tpu.enqueue_indirect_dma source(%arg8 : memref<72x128xf32, #tpu.memory_space<vmem>>) target(%dma_start3A_282 : memref<10240x128xf32, #tpu.memory_space<vmem_shared>>) offsets(%dma_start3A_279 : memref<72xi32, #tpu.memory_space<vmem>>) semaphore(%run_scoped3A_276 : memref<!tpu.dma_semaphore, #tpu.memory_space<semaphore_mem>>) {add = true}
      %dma_wait3A_283 = arith.constant 0 : i32
      %dma_wait3A_284 = tpu.memref_slice %arg7[%run_scoped3A, %dma_wait3A_283] : memref<139x72xi32, #tpu.memory_space<vmem>> -> memref<1x72xi32, #tpu.memory_space<vmem>>
      %dma_wait3A_285 = tpu.memref_squeeze %dma_wait3A_284 : memref<1x72xi32, #tpu.memory_space<vmem>> -> memref<72xi32, #tpu.memory_space<vmem>>
      %dma_wait3A_286 = arith.constant 0 : i32
      %dma_wait3A_287 = arith.constant 0 : i32
      %dma_wait3A_288 = tpu.memref_slice %arg11[%dma_wait3A_286, %dma_wait3A_287] : memref<10240x128xf32, #tpu.memory_space<vmem_shared>> -> memref<10240x128xf32, #tpu.memory_space<vmem_shared>>
      tpu.wait_indirect_dma semaphore(%run_scoped3A_276 : memref<!tpu.dma_semaphore, #tpu.memory_space<semaphore_mem>>) src(%arg8 : memref<72x128xf32, #tpu.memory_space<vmem>>) dst(%dma_wait3A_288 : memref<10240x128xf32, #tpu.memory_space<vmem_shared>>)
      tpu.yield
    }) : () -> ()
    %barrier3A_271 = arith.constant 0 : index
    tpu.barrier barrier_id(%barrier3A_271)
    %mul3A_272 = arith.constant 640 : i32
    %mul3A_273 = arith.muli %arg1, %mul3A_272 : i32
    %mul3A_274 = arith.constant 640 : i32
    %mul3A_275 = arith.muli %arg1, %mul3A_274 : i32
    "tpu.region"() ({
      %run_scoped3A_276 = tpu.sem_alloc : memref<!tpu.dma_semaphore, #tpu.memory_space<semaphore_mem>>
      %dma_start3A_277 = arith.constant 0 : i32
      %dma_start3A_278 = tpu.memref_slice %arg5[%arg0, %mul3A_275, %dma_start3A_277] : memref<2x10240x128xf32, #tpu.memory_space<hbm>> -> memref<1x640x128xf32, #tpu.memory_space<hbm>>
      %dma_start3A_279 = tpu.memref_squeeze %dma_start3A_278 : memref<1x640x128xf32, #tpu.memory_space<hbm>> -> memref<640x128xf32, #tpu.memory_space<hbm>>
      %dma_start3A_280 = arith.constant 0 : i32
      %dma_start3A_281 = tpu.memref_slice %arg11[%mul3A_273, %dma_start3A_280] : memref<10240x128xf32, #tpu.memory_space<vmem_shared>> -> memref<640x128xf32, #tpu.memory_space<vmem_shared>>
      tpu.enqueue_dma source(%dma_start3A_281 : memref<640x128xf32, #tpu.memory_space<vmem_shared>>) target(%dma_start3A_279 : memref<640x128xf32, #tpu.memory_space<hbm>>) target_semaphore(%run_scoped3A_276 : memref<!tpu.dma_semaphore, #tpu.memory_space<semaphore_mem>>)
      %dma_wait3A_282 = arith.constant 0 : i32
      %dma_wait3A_283 = tpu.memref_slice %arg5[%arg0, %mul3A_275, %dma_wait3A_282] : memref<2x10240x128xf32, #tpu.memory_space<hbm>> -> memref<1x640x128xf32, #tpu.memory_space<hbm>>
      %dma_wait3A_284 = tpu.memref_squeeze %dma_wait3A_283 : memref<1x640x128xf32, #tpu.memory_space<hbm>> -> memref<640x128xf32, #tpu.memory_space<hbm>>
      %dma_wait3A_285 = arith.constant 0 : i32
      %dma_wait3A_286 = tpu.memref_slice %arg11[%mul3A_273, %dma_wait3A_285] : memref<10240x128xf32, #tpu.memory_space<vmem_shared>> -> memref<640x128xf32, #tpu.memory_space<vmem_shared>>
      tpu.wait_dma2 semaphore(%run_scoped3A_276 : memref<!tpu.dma_semaphore, #tpu.memory_space<semaphore_mem>>) src(%dma_wait3A_286 : memref<640x128xf32, #tpu.memory_space<vmem_shared>>) dst(%dma_wait3A_284 : memref<640x128xf32, #tpu.memory_space<hbm>>)
      tpu.yield
    }) : () -> ()
    return
  }
}

module attributes {stable_mosaic.version = 14 : i64} {
  func.func @_mid_body(%arg0: i32, %arg1: memref<2x400x128xf32, #tpu.memory_space<vmem>>, %arg2: memref<400x1xf32, #tpu.memory_space<vmem>>, %arg3: memref<1x128xf32, #tpu.memory_space<vmem>>, %arg4: memref<128x128xf32, #tpu.memory_space<vmem>>, %arg5: memref<400x1xf32, #tpu.memory_space<vmem>>, %arg6: memref<400x128xf32, #tpu.memory_space<vmem>>) attributes {dimension_semantics = [#tpu.dimension_semantics<arbitrary>], iteration_bounds = array<i64: 25>, scalar_prefetch = 0 : i64, scratch_operands = 0 : i64, tpu.core_type = #tpu.core_type<tc>, window_params = [{transform_indices = @transform_0, window_bounds = array<i64: 2, 400, 128>}, {transform_indices = @transform_1, window_bounds = array<i64: 400, 1>}, {pipeline_mode = #tpu.pipeline_mode<synchronous>, transform_indices = @transform_2, window_bounds = array<i64: 1, 128>}, {pipeline_mode = #tpu.pipeline_mode<synchronous>, transform_indices = @transform_3, window_bounds = array<i64: 128, 128>}, {transform_indices = @transform_4, window_bounds = array<i64: 400, 1>}, {transform_indices = @transform_5, window_bounds = array<i64: 400, 128>}]} {
    %get3A = arith.constant 0 : index
    %get3A_0 = arith.constant 0 : index
    %get3A_1 = arith.constant 0 : index
    %get3A_2 = vector.load %arg1[%get3A, %get3A_0, %get3A_1] : memref<2x400x128xf32, #tpu.memory_space<vmem>>, vector<1x400x128xf32>
    %get3A_3 = vector.shape_cast %get3A_2 : vector<1x400x128xf32> to vector<400x128xf32>
    %get3A_4 = arith.constant 1 : index
    %get3A_5 = arith.constant 0 : index
    %get3A_6 = arith.constant 0 : index
    %get3A_7 = vector.load %arg1[%get3A_4, %get3A_5, %get3A_6] : memref<2x400x128xf32, #tpu.memory_space<vmem>>, vector<1x400x128xf32>
    %get3A_8 = vector.shape_cast %get3A_7 : vector<1x400x128xf32> to vector<400x128xf32>
    %add3A = arith.addf %get3A_3, %get3A_8 : vector<400x128xf32>
    %get3A_9 = arith.constant 0 : index
    %get3A_10 = arith.constant 0 : index
    %get3A_11 = vector.load %arg2[%get3A_9, %get3A_10] : memref<400x1xf32, #tpu.memory_space<vmem>>, vector<400x1xf32>
    %mul3A = vector.broadcast %get3A_11 : vector<400x1xf32> to vector<400x128xf32>
    %mul3A_12 = arith.mulf %add3A, %mul3A : vector<400x128xf32>
    %get3A_13 = arith.constant 0 : index
    %get3A_14 = arith.constant 0 : index
    %get3A_15 = vector.load %arg3[%get3A_13, %get3A_14] : memref<1x128xf32, #tpu.memory_space<vmem>>, vector<1x128xf32>
    %add3A_16 = vector.broadcast %get3A_15 : vector<1x128xf32> to vector<400x128xf32>
    %add3A_17 = arith.addf %mul3A_12, %add3A_16 : vector<400x128xf32>
    %max3A = arith.constant 0.000000e+00 : f32
    %max3A_18 = vector.broadcast %max3A : f32 to vector<400x128xf32>
    %max3A_19 = arith.maximumf %add3A_17, %max3A_18 : vector<400x128xf32>
    %get3A_20 = arith.constant 0 : index
    %get3A_21 = arith.constant 0 : index
    %get3A_22 = vector.load %arg4[%get3A_20, %get3A_21] : memref<128x128xf32, #tpu.memory_space<vmem>>, vector<128x128xf32>
    %dot_general3A = arith.constant dense<0.000000e+00> : vector<400x128xf32>
    %dot_general3A_23 = tpu.matmul %max3A_19, %get3A_22, %dot_general3A {dimension_numbers = #tpu.dot_dimension_numbers<[1], [0], [0], [1], [0, 0, 1, 1], [], []>, transpose_lhs_hint = false} : vector<400x128xf32>, vector<128x128xf32>, vector<400x128xf32> -> vector<400x128xf32>
    %get3A_24 = arith.constant 0 : index
    %get3A_25 = arith.constant 0 : index
    %get3A_26 = vector.load %arg5[%get3A_24, %get3A_25] : memref<400x1xf32, #tpu.memory_space<vmem>>, vector<400x1xf32>
    %mul3A_27 = vector.broadcast %get3A_26 : vector<400x1xf32> to vector<400x128xf32>
    %mul3A_28 = arith.mulf %dot_general3A_23, %mul3A_27 : vector<400x128xf32>
    %swap3A = arith.constant 0 : index
    %swap3A_29 = arith.constant 0 : index
    %swap3A_30 = vector.load %arg6[%swap3A, %swap3A_29] : memref<400x128xf32, #tpu.memory_space<vmem>>, vector<400x128xf32>
    tpu.vector_store %arg6[%swap3A, %swap3A_29], %mul3A_28 {strides = array<i32>} : memref<400x128xf32, #tpu.memory_space<vmem>>, vector<400x128xf32>,
    return
  }
  func.func @transform_0(%arg0: i32) -> (i32, i32, i32) {
    %c0_i32 = arith.constant 0 : i32
    %c0_i32_0 = arith.constant 0 : i32
    %c0_i32_1 = arith.constant 0 : i32
    return %c0_i32, %arg0, %c0_i32_0 : i32, i32, i32
  }
  func.func @transform_1(%arg0: i32) -> (i32, i32) {
    %c0_i32 = arith.constant 0 : i32
    %c0_i32_0 = arith.constant 0 : i32
    return %arg0, %c0_i32 : i32, i32
  }
  func.func @transform_2(%arg0: i32) -> (i32, i32) {
    %c0_i32 = arith.constant 0 : i32
    %c0_i32_0 = arith.constant 0 : i32
    %c0_i32_1 = arith.constant 0 : i32
    return %c0_i32, %c0_i32_0 : i32, i32
  }
  func.func @transform_3(%arg0: i32) -> (i32, i32) {
    %c0_i32 = arith.constant 0 : i32
    %c0_i32_0 = arith.constant 0 : i32
    %c0_i32_1 = arith.constant 0 : i32
    return %c0_i32, %c0_i32_0 : i32, i32
  }
  func.func @transform_4(%arg0: i32) -> (i32, i32) {
    %c0_i32 = arith.constant 0 : i32
    %c0_i32_0 = arith.constant 0 : i32
    return %arg0, %c0_i32 : i32, i32
  }
  func.func @transform_5(%arg0: i32) -> (i32, i32) {
    %c0_i32 = arith.constant 0 : i32
    %c0_i32_0 = arith.constant 0 : i32
    return %arg0, %c0_i32 : i32, i32
  }
}

module attributes {stable_mosaic.version = 14 : i64} {
  func.func @_mm_scale_body(%arg0: i32, %arg1: memref<400x128xf32, #tpu.memory_space<vmem>>, %arg2: memref<128x128xf32, #tpu.memory_space<vmem>>, %arg3: memref<400x64xf32, #tpu.memory_space<vmem>>, %arg4: memref<400x128xf32, #tpu.memory_space<vmem>>, %arg5: memref<400x1xf32, #tpu.memory_space<vmem>>, %arg6: memref<400x1xf32, #tpu.memory_space<vmem>>) attributes {dimension_semantics = [#tpu.dimension_semantics<arbitrary>], iteration_bounds = array<i64: 25>, scalar_prefetch = 0 : i64, scratch_operands = 0 : i64, tpu.core_type = #tpu.core_type<tc>, window_params = [{transform_indices = @transform_0, window_bounds = array<i64: 400, 128>}, {pipeline_mode = #tpu.pipeline_mode<synchronous>, transform_indices = @transform_1, window_bounds = array<i64: 128, 128>}, {transform_indices = @transform_2, window_bounds = array<i64: 400, 64>}, {transform_indices = @transform_3, window_bounds = array<i64: 400, 128>}, {transform_indices = @transform_4, window_bounds = array<i64: 400, 1>}, {transform_indices = @transform_5, window_bounds = array<i64: 400, 1>}]} {
    %get3A = arith.constant 0 : index
    %get3A_0 = arith.constant 0 : index
    %get3A_1 = vector.load %arg3[%get3A, %get3A_0] : memref<400x64xf32, #tpu.memory_space<vmem>>, vector<400x64xf32>
    %slice3A = vector.extract_strided_slice %get3A_1 {offsets = [0, 0], sizes = [400, 32], strides = [1, 1]} : vector<400x64xf32> to vector<400x32xf32>
    %reduce_sum3A = arith.constant dense<0.000000e+00> : vector<400xf32>
    %reduce_sum3A_2 = vector.multi_reduction <add>, %slice3A, %reduce_sum3A [1] : vector<400x32xf32> to vector<400xf32>
    %broadcast_in_dim3A = vector.shape_cast %reduce_sum3A_2 : vector<400xf32> to vector<400x1xf32>
    %max3A = arith.constant 1.000000e+00 : f32
    %max3A_3 = vector.broadcast %max3A : f32 to vector<400x1xf32>
    %max3A_4 = arith.maximumf %broadcast_in_dim3A, %max3A_3 : vector<400x1xf32>
    %slice3A_5 = vector.extract_strided_slice %get3A_1 {offsets = [0, 32], sizes = [400, 32], strides = [1, 1]} : vector<400x64xf32> to vector<400x32xf32>
    %reduce_sum3A_6 = arith.constant dense<0.000000e+00> : vector<400xf32>
    %reduce_sum3A_7 = vector.multi_reduction <add>, %slice3A_5, %reduce_sum3A_6 [1] : vector<400x32xf32> to vector<400xf32>
    %broadcast_in_dim3A_8 = vector.shape_cast %reduce_sum3A_7 : vector<400xf32> to vector<400x1xf32>
    %max3A_9 = arith.constant 1.000000e+00 : f32
    %max3A_10 = vector.broadcast %max3A_9 : f32 to vector<400x1xf32>
    %max3A_11 = arith.maximumf %broadcast_in_dim3A_8, %max3A_10 : vector<400x1xf32>
    %rsqrt3A = math.rsqrt %max3A_4 : vector<400x1xf32>
    %mul3A = arith.constant 5.000000e-01 : f32
    %mul3A_12 = vector.broadcast %mul3A : f32 to vector<400x1xf32>
    %mul3A_13 = arith.mulf %mul3A_12, %max3A_4 : vector<400x1xf32>
    %mul3A_14 = arith.mulf %mul3A_13, %rsqrt3A : vector<400x1xf32>
    %mul3A_15 = arith.mulf %mul3A_14, %rsqrt3A : vector<400x1xf32>
    %sub3A = arith.constant 1.500000e+00 : f32
    %sub3A_16 = vector.broadcast %sub3A : f32 to vector<400x1xf32>
    %sub3A_17 = arith.subf %sub3A_16, %mul3A_15 : vector<400x1xf32>
    %mul3A_18 = arith.mulf %rsqrt3A, %sub3A_17 : vector<400x1xf32>
    %rsqrt3A_19 = math.rsqrt %max3A_11 : vector<400x1xf32>
    %mul3A_20 = arith.constant 5.000000e-01 : f32
    %mul3A_21 = vector.broadcast %mul3A_20 : f32 to vector<400x1xf32>
    %mul3A_22 = arith.mulf %mul3A_21, %max3A_11 : vector<400x1xf32>
    %mul3A_23 = arith.mulf %mul3A_22, %rsqrt3A_19 : vector<400x1xf32>
    %mul3A_24 = arith.mulf %mul3A_23, %rsqrt3A_19 : vector<400x1xf32>
    %sub3A_25 = arith.constant 1.500000e+00 : f32
    %sub3A_26 = vector.broadcast %sub3A_25 : f32 to vector<400x1xf32>
    %sub3A_27 = arith.subf %sub3A_26, %mul3A_24 : vector<400x1xf32>
    %mul3A_28 = arith.mulf %rsqrt3A_19, %sub3A_27 : vector<400x1xf32>
    %swap3A = arith.constant 0 : index
    %swap3A_29 = arith.constant 0 : index
    %swap3A_30 = vector.load %arg5[%swap3A, %swap3A_29] : memref<400x1xf32, #tpu.memory_space<vmem>>, vector<400x1xf32>
    tpu.vector_store %arg5[%swap3A, %swap3A_29], %mul3A_18 {strides = array<i32>} : memref<400x1xf32, #tpu.memory_space<vmem>>, vector<400x1xf32>,
    %swap3A_31 = arith.constant 0 : index
    %swap3A_32 = arith.constant 0 : index
    %swap3A_33 = vector.load %arg6[%swap3A_31, %swap3A_32] : memref<400x1xf32, #tpu.memory_space<vmem>>, vector<400x1xf32>
    tpu.vector_store %arg6[%swap3A_31, %swap3A_32], %mul3A_28 {strides = array<i32>} : memref<400x1xf32, #tpu.memory_space<vmem>>, vector<400x1xf32>,
    %get3A_34 = arith.constant 0 : index
    %get3A_35 = arith.constant 0 : index
    %get3A_36 = vector.load %arg1[%get3A_34, %get3A_35] : memref<400x128xf32, #tpu.memory_space<vmem>>, vector<400x128xf32>
    %get3A_37 = arith.constant 0 : index
    %get3A_38 = arith.constant 0 : index
    %get3A_39 = vector.load %arg2[%get3A_37, %get3A_38] : memref<128x128xf32, #tpu.memory_space<vmem>>, vector<128x128xf32>
    %dot_general3A = arith.constant dense<0.000000e+00> : vector<400x128xf32>
    %dot_general3A_40 = tpu.matmul %get3A_36, %get3A_39, %dot_general3A {dimension_numbers = #tpu.dot_dimension_numbers<[1], [0], [0], [1], [0, 0, 1, 1], [], []>, transpose_lhs_hint = false} : vector<400x128xf32>, vector<128x128xf32>, vector<400x128xf32> -> vector<400x128xf32>
    %mul3A_41 = vector.broadcast %mul3A_18 : vector<400x1xf32> to vector<400x128xf32>
    %mul3A_42 = arith.mulf %dot_general3A_40, %mul3A_41 : vector<400x128xf32>
    %swap3A_43 = arith.constant 0 : index
    %swap3A_44 = arith.constant 0 : index
    %swap3A_45 = vector.load %arg4[%swap3A_43, %swap3A_44] : memref<400x128xf32, #tpu.memory_space<vmem>>, vector<400x128xf32>
    tpu.vector_store %arg4[%swap3A_43, %swap3A_44], %mul3A_42 {strides = array<i32>} : memref<400x128xf32, #tpu.memory_space<vmem>>, vector<400x128xf32>,
    return
  }
  func.func @transform_0(%arg0: i32) -> (i32, i32) {
    %c0_i32 = arith.constant 0 : i32
    %c0_i32_0 = arith.constant 0 : i32
    return %arg0, %c0_i32 : i32, i32
  }
  func.func @transform_1(%arg0: i32) -> (i32, i32) {
    %c0_i32 = arith.constant 0 : i32
    %c0_i32_0 = arith.constant 0 : i32
    %c0_i32_1 = arith.constant 0 : i32
    return %c0_i32, %c0_i32_0 : i32, i32
  }
  func.func @transform_2(%arg0: i32) -> (i32, i32) {
    %c0_i32 = arith.constant 0 : i32
    %c0_i32_0 = arith.constant 0 : i32
    return %arg0, %c0_i32 : i32, i32
  }
  func.func @transform_3(%arg0: i32) -> (i32, i32) {
    %c0_i32 = arith.constant 0 : i32
    %c0_i32_0 = arith.constant 0 : i32
    return %arg0, %c0_i32 : i32, i32
  }
  func.func @transform_4(%arg0: i32) -> (i32, i32) {
    %c0_i32 = arith.constant 0 : i32
    %c0_i32_0 = arith.constant 0 : i32
    return %arg0, %c0_i32 : i32, i32
  }
  func.func @transform_5(%arg0: i32) -> (i32, i32) {
    %c0_i32 = arith.constant 0 : i32
    %c0_i32_0 = arith.constant 0 : i32
    return %arg0, %c0_i32 : i32, i32
  }
}

module attributes {stable_mosaic.version = 14 : i64} {
  func.func @_final_body(%arg0: i32, %arg1: memref<2x400x128xf32, #tpu.memory_space<vmem>>, %arg2: memref<400x1xf32, #tpu.memory_space<vmem>>, %arg3: memref<1x128xf32, #tpu.memory_space<vmem>>, %arg4: memref<128x128xf32, #tpu.memory_space<vmem>>, %arg5: memref<1x128xf32, #tpu.memory_space<vmem>>, %arg6: memref<1x128xf32, #tpu.memory_space<vmem>>, %arg7: memref<1x1xf32, #tpu.memory_space<vmem>>, %arg8: memref<400x128xf32, #tpu.memory_space<vmem>>, %arg9: memref<1x128xf32, #tpu.memory_space<vmem>>, %arg10: memref<1x1xf32, #tpu.memory_space<vmem>>, %arg11: memref<1x128xf32, #tpu.memory_space<vmem>>) attributes {dimension_semantics = [#tpu.dimension_semantics<arbitrary>], iteration_bounds = array<i64: 25>, scalar_prefetch = 0 : i64, scratch_operands = 1 : i64, tpu.core_type = #tpu.core_type<tc>, window_params = [{transform_indices = @transform_0, window_bounds = array<i64: 2, 400, 128>}, {transform_indices = @transform_1, window_bounds = array<i64: 400, 1>}, {pipeline_mode = #tpu.pipeline_mode<synchronous>, transform_indices = @transform_2, window_bounds = array<i64: 1, 128>}, {pipeline_mode = #tpu.pipeline_mode<synchronous>, transform_indices = @transform_3, window_bounds = array<i64: 128, 128>}, {pipeline_mode = #tpu.pipeline_mode<synchronous>, transform_indices = @transform_4, window_bounds = array<i64: 1, 128>}, {pipeline_mode = #tpu.pipeline_mode<synchronous>, transform_indices = @transform_5, window_bounds = array<i64: 1, 128>}, {pipeline_mode = #tpu.pipeline_mode<synchronous>, transform_indices = @transform_6, window_bounds = array<i64: 1, 1>}, {transform_indices = @transform_7, window_bounds = array<i64: 400, 128>}, {pipeline_mode = #tpu.pipeline_mode<synchronous>, transform_indices = @transform_8, window_bounds = array<i64: 1, 128>}, {pipeline_mode = #tpu.pipeline_mode<synchronous>, transform_indices = @transform_9, window_bounds = array<i64: 1, 1>}]} {
    %get3A = arith.constant 0 : index
    %get3A_0 = arith.constant 0 : index
    %get3A_1 = arith.constant 0 : index
    %get3A_2 = vector.load %arg1[%get3A, %get3A_0, %get3A_1] : memref<2x400x128xf32, #tpu.memory_space<vmem>>, vector<1x400x128xf32>
    %get3A_3 = vector.shape_cast %get3A_2 : vector<1x400x128xf32> to vector<400x128xf32>
    %get3A_4 = arith.constant 1 : index
    %get3A_5 = arith.constant 0 : index
    %get3A_6 = arith.constant 0 : index
    %get3A_7 = vector.load %arg1[%get3A_4, %get3A_5, %get3A_6] : memref<2x400x128xf32, #tpu.memory_space<vmem>>, vector<1x400x128xf32>
    %get3A_8 = vector.shape_cast %get3A_7 : vector<1x400x128xf32> to vector<400x128xf32>
    %add3A = arith.addf %get3A_3, %get3A_8 : vector<400x128xf32>
    %get3A_9 = arith.constant 0 : index
    %get3A_10 = arith.constant 0 : index
    %get3A_11 = vector.load %arg2[%get3A_9, %get3A_10] : memref<400x1xf32, #tpu.memory_space<vmem>>, vector<400x1xf32>
    %mul3A = vector.broadcast %get3A_11 : vector<400x1xf32> to vector<400x128xf32>
    %mul3A_12 = arith.mulf %add3A, %mul3A : vector<400x128xf32>
    %get3A_13 = arith.constant 0 : index
    %get3A_14 = arith.constant 0 : index
    %get3A_15 = vector.load %arg3[%get3A_13, %get3A_14] : memref<1x128xf32, #tpu.memory_space<vmem>>, vector<1x128xf32>
    %add3A_16 = vector.broadcast %get3A_15 : vector<1x128xf32> to vector<400x128xf32>
    %add3A_17 = arith.addf %mul3A_12, %add3A_16 : vector<400x128xf32>
    %max3A = arith.constant 0.000000e+00 : f32
    %max3A_18 = vector.broadcast %max3A : f32 to vector<400x128xf32>
    %max3A_19 = arith.maximumf %add3A_17, %max3A_18 : vector<400x128xf32>
    %swap3A = arith.constant 0 : index
    %swap3A_20 = arith.constant 0 : index
    %swap3A_21 = vector.load %arg8[%swap3A, %swap3A_20] : memref<400x128xf32, #tpu.memory_space<vmem>>, vector<400x128xf32>
    tpu.vector_store %arg8[%swap3A, %swap3A_20], %max3A_19 {strides = array<i32>} : memref<400x128xf32, #tpu.memory_space<vmem>>, vector<400x128xf32>,
    %eq3A = arith.constant 0 : i32
    %eq3A_22 = arith.cmpi eq, %arg0, %eq3A : i32
    %convert_element_type3A = arith.extui %eq3A_22 : i1 to i32
    %cond3A = arith.constant 0 : i32
    %cond3A_23 = arith.cmpi ne, %convert_element_type3A, %cond3A : i32
    scf.if %cond3A_23 {
      %broadcast_in_dim3A_37 = arith.constant 0.000000e+00 : f32
      %broadcast_in_dim3A_38 = vector.broadcast %broadcast_in_dim3A_37 : f32 to vector<1x128xf32>
      %swap3A_39 = arith.constant 0 : index
      %swap3A_40 = arith.constant 0 : index
      %swap3A_41 = vector.load %arg11[%swap3A_39, %swap3A_40] : memref<1x128xf32, #tpu.memory_space<vmem>>, vector<1x128xf32>
      tpu.vector_store %arg11[%swap3A_39, %swap3A_40], %broadcast_in_dim3A_38 {strides = array<i32>} : memref<1x128xf32, #tpu.memory_space<vmem>>, vector<1x128xf32>,
    } else {
    }
    %get3A_24 = arith.constant 0 : index
    %get3A_25 = arith.constant 0 : index
    %get3A_26 = vector.load %arg11[%get3A_24, %get3A_25] : memref<1x128xf32, #tpu.memory_space<vmem>>, vector<1x128xf32>
    %reduce_sum3A = arith.constant dense<0.000000e+00> : vector<128xf32>
    %reduce_sum3A_27 = vector.multi_reduction <add>, %max3A_19, %reduce_sum3A [0] : vector<400x128xf32> to vector<128xf32>
    %broadcast_in_dim3A = vector.shape_cast %reduce_sum3A_27 : vector<128xf32> to vector<1x128xf32>
    %add3A_28 = arith.addf %get3A_26, %broadcast_in_dim3A : vector<1x128xf32>
    %swap3A_29 = arith.constant 0 : index
    %swap3A_30 = arith.constant 0 : index
    %swap3A_31 = vector.load %arg11[%swap3A_29, %swap3A_30] : memref<1x128xf32, #tpu.memory_space<vmem>>, vector<1x128xf32>
    tpu.vector_store %arg11[%swap3A_29, %swap3A_30], %add3A_28 {strides = array<i32>} : memref<1x128xf32, #tpu.memory_space<vmem>>, vector<1x128xf32>,
    %eq3A_32 = arith.constant 24 : i32
    %eq3A_33 = arith.cmpi eq, %arg0, %eq3A_32 : i32
    %convert_element_type3A_34 = arith.extui %eq3A_33 : i1 to i32
    %cond3A_35 = arith.constant 0 : i32
    %cond3A_36 = arith.cmpi ne, %convert_element_type3A_34, %cond3A_35 : i32
    scf.if %cond3A_36 {
      %get3A_37 = arith.constant 0 : index
      %get3A_38 = arith.constant 0 : index
      %get3A_39 = vector.load %arg11[%get3A_37, %get3A_38] : memref<1x128xf32, #tpu.memory_space<vmem>>, vector<1x128xf32>
      %mul3A_40 = arith.constant 9.99999974E-5 : f32
      %mul3A_41 = vector.broadcast %mul3A_40 : f32 to vector<1x128xf32>
      %mul3A_42 = arith.mulf %get3A_39, %mul3A_41 : vector<1x128xf32>
      %swap3A_43 = arith.constant 0 : index
      %swap3A_44 = arith.constant 0 : index
      %swap3A_45 = vector.load %arg9[%swap3A_43, %swap3A_44] : memref<1x128xf32, #tpu.memory_space<vmem>>, vector<1x128xf32>
      tpu.vector_store %arg9[%swap3A_43, %swap3A_44], %mul3A_42 {strides = array<i32>} : memref<1x128xf32, #tpu.memory_space<vmem>>, vector<1x128xf32>,
      %get3A_46 = arith.constant 0 : index
      %get3A_47 = arith.constant 0 : index
      %get3A_48 = vector.load %arg4[%get3A_46, %get3A_47] : memref<128x128xf32, #tpu.memory_space<vmem>>, vector<128x128xf32>
      %dot_general3A = arith.constant dense<0.000000e+00> : vector<1x128xf32>
      %dot_general3A_49 = tpu.matmul %mul3A_42, %get3A_48, %dot_general3A {dimension_numbers = #tpu.dot_dimension_numbers<[1], [0], [0], [1], [0, 0, 1, 1], [], []>, transpose_lhs_hint = false} : vector<1x128xf32>, vector<128x128xf32>, vector<1x128xf32> -> vector<1x128xf32>
      %get3A_50 = arith.constant 0 : index
      %get3A_51 = arith.constant 0 : index
      %get3A_52 = vector.load %arg5[%get3A_50, %get3A_51] : memref<1x128xf32, #tpu.memory_space<vmem>>, vector<1x128xf32>
      %add3A_53 = arith.addf %dot_general3A_49, %get3A_52 : vector<1x128xf32>
      %max3A_54 = arith.constant 0.000000e+00 : f32
      %max3A_55 = vector.broadcast %max3A_54 : f32 to vector<1x128xf32>
      %max3A_56 = arith.maximumf %add3A_53, %max3A_55 : vector<1x128xf32>
      %get3A_57 = arith.constant 0 : index
      %get3A_58 = arith.constant 0 : index
      %get3A_59 = vector.load %arg6[%get3A_57, %get3A_58] : memref<1x128xf32, #tpu.memory_space<vmem>>, vector<1x128xf32>
      %mul3A_60 = arith.mulf %max3A_56, %get3A_59 : vector<1x128xf32>
      %reduce_sum3A_61 = arith.constant dense<0.000000e+00> : vector<1xf32>
      %reduce_sum3A_62 = vector.multi_reduction <add>, %mul3A_60, %reduce_sum3A_61 [1] : vector<1x128xf32> to vector<1xf32>
      %broadcast_in_dim3A_63 = vector.shape_cast %reduce_sum3A_62 : vector<1xf32> to vector<1x1xf32>
      %get3A_64 = arith.constant 0 : index
      %get3A_65 = arith.constant 0 : index
      %get3A_66 = vector.load %arg7[%get3A_64, %get3A_65] : memref<1x1xf32, #tpu.memory_space<vmem>>, vector<1x1xf32>
      %add3A_67 = arith.addf %broadcast_in_dim3A_63, %get3A_66 : vector<1x1xf32>
      %swap3A_68 = arith.constant 0 : index
      %swap3A_69 = arith.constant 0 : index
      %swap3A_70 = vector.load %arg10[%swap3A_68, %swap3A_69] : memref<1x1xf32, #tpu.memory_space<vmem>>, vector<1x1xf32>
      tpu.vector_store %arg10[%swap3A_68, %swap3A_69], %add3A_67 {strides = array<i32>} : memref<1x1xf32, #tpu.memory_space<vmem>>, vector<1x1xf32>,
    } else {
    }
    return
  }
  func.func @transform_0(%arg0: i32) -> (i32, i32, i32) {
    %c0_i32 = arith.constant 0 : i32
    %c0_i32_0 = arith.constant 0 : i32
    %c0_i32_1 = arith.constant 0 : i32
    return %c0_i32, %arg0, %c0_i32_0 : i32, i32, i32
  }
  func.func @transform_1(%arg0: i32) -> (i32, i32) {
    %c0_i32 = arith.constant 0 : i32
    %c0_i32_0 = arith.constant 0 : i32
    return %arg0, %c0_i32 : i32, i32
  }
  func.func @transform_2(%arg0: i32) -> (i32, i32) {
    %c0_i32 = arith.constant 0 : i32
    %c0_i32_0 = arith.constant 0 : i32
    %c0_i32_1 = arith.constant 0 : i32
    return %c0_i32, %c0_i32_0 : i32, i32
  }
  func.func @transform_3(%arg0: i32) -> (i32, i32) {
    %c0_i32 = arith.constant 0 : i32
    %c0_i32_0 = arith.constant 0 : i32
    %c0_i32_1 = arith.constant 0 : i32
    return %c0_i32, %c0_i32_0 : i32, i32
  }
  func.func @transform_4(%arg0: i32) -> (i32, i32) {
    %c0_i32 = arith.constant 0 : i32
    %c0_i32_0 = arith.constant 0 : i32
    %c0_i32_1 = arith.constant 0 : i32
    return %c0_i32, %c0_i32_0 : i32, i32
  }
  func.func @transform_5(%arg0: i32) -> (i32, i32) {
    %c0_i32 = arith.constant 0 : i32
    %c0_i32_0 = arith.constant 0 : i32
    %c0_i32_1 = arith.constant 0 : i32
    return %c0_i32, %c0_i32_0 : i32, i32
  }
  func.func @transform_6(%arg0: i32) -> (i32, i32) {
    %c0_i32 = arith.constant 0 : i32
    %c0_i32_0 = arith.constant 0 : i32
    %c0_i32_1 = arith.constant 0 : i32
    return %c0_i32, %c0_i32_0 : i32, i32
  }
  func.func @transform_7(%arg0: i32) -> (i32, i32) {
    %c0_i32 = arith.constant 0 : i32
    %c0_i32_0 = arith.constant 0 : i32
    return %arg0, %c0_i32 : i32, i32
  }
  func.func @transform_8(%arg0: i32) -> (i32, i32) {
    %c0_i32 = arith.constant 0 : i32
    %c0_i32_0 = arith.constant 0 : i32
    %c0_i32_1 = arith.constant 0 : i32
    return %c0_i32, %c0_i32_0 : i32, i32
  }
  func.func @transform_9(%arg0: i32) -> (i32, i32) {
    %c0_i32 = arith.constant 0 : i32
    %c0_i32_0 = arith.constant 0 : i32
    %c0_i32_1 = arith.constant 0 : i32
    return %c0_i32, %c0_i32_0 : i32, i32
  }
}

</mosaic_0001>

<sc_bundles>
// kernel: kernel.11.cloned.1.call-start
scs
__scs_entry_jumppad:
0x0: {  	(pc) =	sbr.rel $0x88, $3  }
0x1: {  	(tag) =	ssettag $0x0;
	lr =	simm.s32 $0x1  }
0x2: {  	[smem:$0x3F97] =	sst lr;
	_ =	strace $0xD0000000  }
0x3: {  	_ = 	snop  }
0x4: {  	_ = 	snop  }
0x5: {  	_ = 	snop  }
0x6: {  	_ = 	snop  }
0x7: {  	_ = 	snop  }
__scs_overlays_trampoline_lowered:
0x8: {  	[smem:$0x3FA6] =	sst s0  }
0x9: {  	[smem:$0x3FA7] =	sst s1  }
0xa: {  	[smem:$0x3FA8] =	sst s2  }
0xb: {  	[smem:$0x3FA9] =	sst s3  }
0xc: {  	[smem:$0x3FAA] =	sst s4  }
0xd: {  	[smem:$0x3FAB] =	sst s5  }
0xe: {  	[smem:$0x3FAC] =	sst s6  }
0xf: {  	[smem:$0x3FAD] =	sst s7  }
0x10: {  	[smem:$0x3FAE] =	sst s8  }
0x11: {  	[smem:$0x3FAF] =	sst s9;
	s0 =	simm.s32 @!p0 $0x0  }
0x12: {  	s1 =	sld [smem:$0x3F95];
	s0 =	simm.s32 @p0 $0x1  }
0x13: {  	[smem:$0x3FB0] =	sst s0;
	s0 =	simm.s32 @!p1 $0x0  }
0x14: {  	s2 =	sld [smem:$0x3F94];
	s0 =	simm.s32 @p1 $0x1  }
0x15: {  	[smem:$0x3FB1] =	sst s0;
	s0 =	simm.s32 @!p2 $0x0  }
0x16: {  	s3 =	sld [smem:$0x3FDB];
	s0 =	simm.s32 @p2 $0x1  }
0x17: {  	s4 =	simm.s32 $0x1BF5;
	[smem:$0x3FB3] =	sst s0  }
0x18: {  	s0 =	sld [smem:$0x3F96];
	_ =	swait.ge [sflag:s4], $0x0  }
0x19: {  	s7 =	sld [smem:$0x3F97]  }
0x1a: {  	s8 =	sadd.s32 $0xFFFFE003, lr  }
0x1b: {  	s9 =	sadd.s32 $0xFFFFFEF7, lr;
	s5 =	simm.s32 $0xFFFFFFFF;
	p2 =	slt.u32 s8, $0xFFFFF086  }
0x1c: {  	p1 =	slt.u32 s9, $0xF7A;
	s5 =	simm.s32 @!p2 $0x0  }
0x1d: {  	s5 =	simm.s32 @p1 $0x1;
	p0 =	seq.s32 s7, s2  }
0x1e: {  	s7 =	smul.u32 @!p0 $0xF7A, s2;
	p2 =	seq.s32 @!p0 s5, $0x0  }
0x1f: {  	s9 =	smul.u32 $0xF7A, s1;
	s8 =	simm.s32 @!p0 $0x1BF5;
	p2 =	por !p2, p0  }
0x20: {  	[sflag:s8] =	ssyncset.s32 @!p0 $0xFFFFF086;
	s6 =	sadd.s32 @!p0 s3, s7;
	s7 =	simm.s32 @!p0 $0x108  }
0x21: {  	s3 =	sadd.s32 s3, s9;
	s6 =	sadd.s32 @!p0 $0x88, s6;
	s7 =	simm.s32 @p2 $0x1082  }
0x22: {  	[simem:s7], [sflag:s8] =	dma.local @!p0 [hbm:s6], $0xF7A  }
0x23: {  	s9 =	sor.u32 $0xD0000000, s2;
	s6 =	simm.s32 $0x108;
	_ =	swait.ge @!p0 [sflag:s8], $0x0  }
0x24: {  	s3 =	sadd.s32 $0x88, s3;
	s6 =	simm.s32 @!p1 $0x1082;
	[sflag:s4] =	ssyncset.s32 $0xFFFFF086  }
0x25: {  	[simem:s6], [sflag:s4] =	dma.local [hbm:s3], $0xF7A  }
0x26: {  	[smem:$0x3F97] =	sst s1;
	(tag) =	ssettag s2;
	_ =	strace s9  }
0x27: {  	s1 =	sld [smem:$0x3FA7]  }
0x28: {  	s2 =	sld [smem:$0x3FA8]  }
0x29: {  	s4 =	sld [smem:$0x3FAA]  }
0x2a: {  	p0 =	seq.s32 s5, $0x0;
	s5 =	sld [smem:$0x3FAB]  }
0x2b: {  	s6 =	sld [smem:$0x3FAC]  }
0x2c: {  	s7 =	sld [smem:$0x3FAD]  }
0x2d: {  	s3 =	simm.s32 $0x108;
	s8 =	sld [smem:$0x3FAE]  }
0x2e: {  	s3 =	simm.s32 @!p0 $0x1082;
	s9 =	sld [smem:$0x3FAF]  }
0x2f: {  	lr =	sadd.s32 s0, s3;
	s0 =	sld [smem:$0x3FA6]  }
0x30: {  	s3 =	sld [smem:$0x3FA9]  }
0x31: {  	[smem:$0x3FB2] =	sst s10  }
0x32: {  	s10 =	sld [smem:$0x3FB0];
	_ =	sdelay $0x3  }
0x33: {  	p0 =	seq.s32 s10, $0x1;
	s10 =	sld [smem:$0x3FB2];
	_ =	sdelay $0x3  }
0x34: {  	[smem:$0x3FB2] =	sst s10  }
0x35: {  	s10 =	sld [smem:$0x3FB1];
	_ =	sdelay $0x3  }
0x36: {  	p1 =	seq.s32 s10, $0x1;
	s10 =	sld [smem:$0x3FB2];
	_ =	sdelay $0x3  }
0x37: {  	[smem:$0x3FB2] =	sst s10  }
0x38: {  	s10 =	sld [smem:$0x3FB3]  }
0x39: {  	_ = 	snop;
	(pc) =	sbr.ind lr, $3  }
0x3a: {  	_ = 	snop  }
0x3b: {  	_ = 	snop  }
0x3c: {  	p2 =	seq.s32 s10, $0x1;
	s10 =	sld [smem:$0x3FB2]  }
0x3d: {  	_ =	shalt  }
0x3e: {  	_ =	shalt  }
0x3f: {  	_ =	shalt  }
0x40: {  	_ =	shalt  }
0x41: {  	_ =	shalt  }
0x42: {  	_ =	shalt  }
0x43: {  	_ =	shalt  }
0x44: {  	_ =	shalt  }
0x45: {  	_ =	shalt  }
0x46: {  	_ =	shalt  }
0x47: {  	_ =	shalt  }
0x48: {  	_ =	shalt  }
0x49: {  	_ =	shalt  }
0x4a: {  	_ =	shalt  }
0x4b: {  	_ =	shalt  }
0x4c: {  	_ =	shalt  }
0x4d: {  	_ =	shalt  }
0x4e: {  	_ =	shalt  }
0x4f: {  	_ =	shalt  }
0x50: {  	_ =	shalt  }
0x51: {  	_ =	shalt  }
0x52: {  	_ =	shalt  }
0x53: {  	_ =	shalt  }
0x54: {  	_ =	shalt  }
0x55: {  	_ =	shalt  }
0x56: {  	_ =	shalt  }
0x57: {  	_ =	shalt  }
0x58: {  	_ =	shalt  }
0x59: {  	_ =	shalt  }
0x5a: {  	_ =	shalt  }
0x5b: {  	_ =	shalt  }
0x5c: {  	_ =	shalt  }
0x5d: {  	_ =	shalt  }
0x5e: {  	_ =	shalt  }
0x5f: {  	_ =	shalt  }
0x60: {  	_ =	shalt  }
0x61: {  	_ =	shalt  }
0x62: {  	_ =	shalt  }
0x63: {  	_ =	shalt  }
0x64: {  	_ =	shalt  }
0x65: {  	_ =	shalt  }
0x66: {  	_ =	shalt  }
0x67: {  	_ =	shalt  }
0x68: {  	_ =	shalt  }
0x69: {  	_ =	shalt  }
0x6a: {  	_ =	shalt  }
0x6b: {  	_ =	shalt  }
0x6c: {  	_ =	shalt  }
0x6d: {  	_ =	shalt  }
0x6e: {  	_ =	shalt  }
0x6f: {  	_ =	shalt  }
0x70: {  	_ =	shalt  }
0x71: {  	_ =	shalt  }
0x72: {  	_ =	shalt  }
0x73: {  	_ =	shalt  }
0x74: {  	_ =	shalt  }
0x75: {  	_ =	shalt  }
0x76: {  	_ =	shalt  }
0x77: {  	_ =	shalt  }
0x78: {  	_ =	shalt  }
0x79: {  	_ =	shalt  }
0x7a: {  	_ =	shalt  }
0x7b: {  	_ =	shalt  }
0x7c: {  	_ =	shalt  }
0x7d: {  	_ =	shalt  }
0x7e: {  	_ =	shalt  }
0x7f: {  	_ =	shalt  }
0x80: {  	_ =	shalt  }
0x81: {  	_ =	shalt  }
0x82: {  	_ =	shalt  }
0x83: {  	_ =	shalt  }
0x84: {  	_ =	shalt  }
0x85: {  	_ =	shalt  }
0x86: {  	_ =	shalt  }
0x87: {  	_ =	shalt  }
.Lfunc_end0:
.L_simem_size_0:
called_computation.1_lowered:
.L_overlay_start_0:
0x88: {  	s2 =	sld [smem:$0x3FD9]  }
0x89: {  	s3 =	sld [smem:$0x3FFE];
	_ =	sdelay $0x1  }
0x8a: {  	s1 =	srdreg.scid  }
0x8b: {  	s0 =	sand.u32 $0x1, s1  }
0x8c: {  	s14 =	sshll.u32 s0, $0xA;
	s2 =	sadd.s32 s3, s2  }
0x8d: {  	s2 =	sadd.s32 s2, s14  }
0x8e: {  	[smem:$0x3FBE] =	sst s2  }
0x8f: {  	_ = 	snop  }
0x90: {  	s2 =	sld [smem:$0x3FD0];
	_ =	sdelay $0x2  }
0x91: {  	s15 =	simm.s32 $0xA;
	s4 =	simm.s32 $0x10  }
0x92: {  	[smem:s4], [sflag:s15] =	dma.local [hbm:s2], $0x1  }
0x93: {  	_ =	swait.eq [sflag:s15], $0x1  }
0x94: {  	[sflag:s15] =	ssyncset.done $0x0  }
0x95: {  	[sflag:s15] =	ssyncadd.s32 $0xFFFFFFFF  }
0x96: {  	s16 =	sld [smem:$0x10];
	(tm) =	ssettm $0x1  }
0x97: {  	s17 =	sld [smem:$0x3FFB];
	_ =	sdelay $0x3  }
0x98: {  	_ =	strace s17  }
0x99: {  	s3 =	sld [smem:$0x3FFC];
	_ =	sdelay $0x3  }
0x9a: {  	_ =	strace s3  }
0x9b: {  	s3 =	sld [smem:$0x3FFD];
	_ =	sdelay $0x3  }
0x9c: {  	_ =	strace s3  }
0x9d: {  	_ =	strace $0x8FFFFFFF  }
0x9e: {  	s18 =	sld [smem:$0x3FDB];
	_ =	sdelay $0x1  }
0x9f: {  	s19 =	simm.s32 $_scs_section_size  }
0xa0: {  	s5 =	simm.s32 $_size__tile_overlayer_lowered;
	s6 =	simm.s32 $_tile_overlayer_lowered  }
0xa1: {  	s22 =	simm.s32 $0x1BFF;
	s21 =	sshll.u32 s6, $0x1;
	s3 =	sadd.s32 s19, s18  }
0xa2: {  	s7 =	simm.s32 $0x0;
	s20 =	sshll.u32 s5, $0x1;
	s5 =	sadd.s32 s21, s3  }
0xa3: {  	[timem:s7], [sflag:s22] =	dma.local [hbm:s5], s20  }
0xa4: {  	_ =	swait.ge [sflag:s22], s20  }
0xa5: {  	s4 =	ssub.s32 $0x0, s20;
	[sflag:s22] =	ssyncset.done $0x0  }
0xa6: {  	[sflag:s22] =	ssyncadd.s32 s4;
	_ =	sdelay $0x1  }
0xa7: {  	s23 =	simm.s32 $0x1B8B  }
0xa8: {  	_ =	swait.ge [sflag:s23], $0x1  }
0xa9: {  	[sflag:s23] =	ssyncset.done $0x0  }
0xaa: {  	s25 =	simm.s32 $0x1B8E;
	s24 =	sld [smem:$0x3FFE];
	[sflag:s23] =	ssyncadd.s32 $0xFFFFFFFF  }
0xab: {  	s26 =	simm.s32 $execute0_lowered;
	[smem:$0x3FD2] =	sst s25  }
0xac: {  	s5 =	sshll.u32 s26, $0x1;
	_ =	strace $0x80000049;
	[dreg:$0x1] =	wrdreg $0xFFFFFFFF  }
0xad: {  	s28 =	simm.s32 $_size_execute0_lowered;
	s3 =	sadd.s32 s3, s5;
	[dreg:$0x0] =	wrdreg $0x0  }
0xae: {  	s5 =	sshll.u32 s28, $0x1;
	[dreg:$0x2] =	wrdreg s3  }
0xaf: {  	[dreg:$0x3] =	wrdreg s5  }
0xb0: {  	[dreg:$0x4] =	wrdreg $0xC0  }
0xb1: {  	_ =	task [dreg:s7], $0x5FFFF  }
0xb2: {  	[dreg:$0x1] =	wrdreg $0xFFFFFFFF  }
0xb3: {  	[dreg:$0x0] =	wrdreg $0x60  }
0xb4: {  	[dreg:$0x2] =	wrdreg s16  }
0xb5: {  	[dreg:$0x3] =	wrdreg s24  }
0xb6: {  	[dreg:$0x4] =	wrdreg $0xBA300  }
0xb7: {  	[dreg:$0x5] =	wrdreg $0x9  }
0xb8: {  	_ =	task.clear_ibuf [dreg:s7], $0x6FFFF;
	_ =	strace $0x90000049  }
0xb9: {  	s29 =	simm.s32 $0x9;
	_ =	strace $0x8000004B  }
0xba: {  	_ =	swait.ge [sflag:s29], $0x1  }
0xbb: {  	[sflag:s29] =	ssyncadd.s32 $0xFFFFFFFF  }
0xbc: {  	_ =	strace $0x9000004B  }
0xbd: {  	_ =	sfence  }
0xbe: {  	s30 =	sld [smem:$0x0];
	_ =	sdelay $0x2  }
0xbf: {  	s31 =	sshll.u32 s1, $0xD;
	s1 =	sshrl.u32 s1, $0x2  }
0xc0: {  	s3 =	sand.u32 $0x4000, s31;
	s1 =	sadd.s32 s1, s30  }
0xc1: {  	s0 =	sor.u32 s3, s0;
	s1 =	sshll.u32 s1, $0x11  }
0xc2: {  	s0 =	sor.u32 s1, s0  }
0xc3: {  	s0 =	sadd.s32 $0x8F2B, s0  }
0xc4: {  	[sflag:s0] =	ssyncadd.remote.s32 $0x1  }
0xc5: {  	_ =	sfence.sel $0xFFFF  }
0xc6: {  	[dreg:$0x0] =	wrdreg $0xFFFFFFFF;
	(pc) =	sbr.abs _section_cstart, $3  }
0xc7: {  	[dreg:$0x1] =	wrdreg $0xFFFFFFFF  }
0xc8: {  	_ =	task.clear_ibuf [dreg:s7], $0x2FFFF;
	_ =	strace $0x9FFFFFFF  }
0xc9: {  	(tm) =	ssettm $0x7FFFFFFF  }
tec
execute0_lowered:
.L_overlay_start_1:
0x0: {  	(tag) =	ssettag $0x1  }
0x1: {  	s0 =	srdreg.scid;
	s2 =	rddreg [dreg:$0x0]  }
0x2: {  	s8 =	stileid.u32;
	s5 =	rddreg [dreg:$0x1]  }
0x3: {  	s3 =	rddreg [dreg:$0x2];
	s4 =	simm.s32 $0x0;
	s18 =	simm.s32 $0x4E30  }
0x4: {  	s19 =	simm.s32 $0x8;
	s21 =	simm.s32 $0x7;
	s22 =	simm.s32 $0x48  }
0x5: {  	s23 =	simm.s32 $0x7230;
	s25 =	simm.s32 $0x9630;
	s28 =	simm.s32 $0x2  }
0x6: {  	s29 =	simm.s32 $0x3;
	s30 =	simm.s32 $0x4;
	s31 =	simm.s32 $0x5  }
0x7: {  	s0 =	sand.u32 $0x1, s0;
	s1 =	sshll.u32 s8, $0x1;
	s6 =	smul.u32 $0x14000, s8  }
0x8: {  	[smem:$0x7FF] =	sst s4;
	s8 =	smul.u32 $0x50000, s8;
	s1 =	sor.u32 s0, s1  }
0x9: {  	s7 =	smul.u32 $0x140000, s0;
	_ =	strace $0x8000004A;
	s0 =	ssub.s32 $0x2, s0  }
0xa: {  	s1 =	smul.u32 $0x4E3, s1;
	s8 =	sshrl.u32 s8, $0x2;
	s26 =	sshrl.u32 s0, $0x1  }
0xb: {  	s7 =	sadd.s32 s6, s7;
	s13 =	sadd.s32 s8, s3;
	s0 =	ssub.s32 s0, s26  }
0xc: {  	s26 =	simm.s32 $0x1;
	s1 =	sadd.s32 s1, s5;
	s7 =	sshrl.u32 s7, $0x3  }
0xd: {  	s8 =	sadd.s32 $0x6C00, s13;
	s9 =	sadd.s32 $0x9000, s13;
	s10 =	sadd.s32 $0xB400, s13  }
0xe: {  	s11 =	sadd.s32 $0xD800, s13;
	s12 =	sadd.s32 $0xFC00, s13;
	s17 =	smax.u32 s0, $0x1  }
0xf: {  	s16 =	sadd.s32 s7, s5;
	s5 =	sadd.s32 s6, s3;
	s6 =	sadd.s32 $0x2400, s13  }
0x10: {  	s7 =	sadd.s32 $0x4800, s13;
	s13 =	sadd.s32 $0x12000, s13;
	s14 =	sadd.s32 $0x16400, s1  }
0x11: {  	v0 =	vimm.f32 $0.0e+00;
	s15 =	sadd.s32 $0x20200, s1;
	s1 =	simm.s32 $0x6;
	s16 =	sadd.s32 $0x2A000, s16  }
.LBB2_1:
0x12: {  	s24 =	simm.s32 $0x0;
	s0 =	simm.s32 $0x200  }
.LBB2_2:
0x13: {  	p0 =	sne.s32 s0, $0x8E00;
	[tilespmem:s24+$0x4EA0] =	vst v0  }
0x14: {  	[tilespmem:s24+$0x4E30] =	vst v0  }
0x15: {  	[tilespmem:s24+$0x4E40] =	vst v0  }
.Ltmp0:
0x16: {  	[tilespmem:s24+$0x4E50] =	vst v0;
	(pc) =	sbr.rel @p0 .LBB2_2-.Ltmp0, $4  }
0x17: {  	[tilespmem:s24+$0x4E60] =	vst v0  }
0x18: {  	[tilespmem:s24+$0x4E70] =	vst v0  }
0x19: {  	[tilespmem:s24+$0x4E80] =	vst v0  }
0x1a: {  	[tilespmem:s24+$0x4E90] =	vst v0;
	s24 =	sshra.s32 s0, $0x2;
	s0 =	sadd.s32 $0x200, s0  }
0x1b: {  	[tilespmem:s24+$0x4EA0] =	vst v0  }
0x1c: {  	[tilespmem:s24+$0x4E30] =	vst v0  }
0x1d: {  	[tilespmem:s24+$0x4E40] =	vst v0  }
0x1e: {  	[tilespmem:s24+$0x4E50] =	vst v0  }
0x1f: {  	[tilespmem:s24+$0x4E60] =	vst v0  }
0x20: {  	[tilespmem:s24+$0x4E70] =	vst v0  }
0x21: {  	[tilespmem:s24+$0x4E80] =	vst v0  }
0x22: {  	[tilespmem:s24+$0x4E90] =	vst v0  }
0x23: {  	[spmem:s5] =	stream.linear.scatter [tilespmem:s18], [sflag:$0x7], $0x2400, $0x38;
	[tilespmem:$0x1FA30] =	vst v63  }
0x24: {  	_ = 	snop  }
0x25: {  	[spmem:s6] =	stream.linear.scatter [tilespmem:s18], [sflag:$0x7], $0x2400, $0x38;
	[tilespmem:$0x1FA30] =	vst v63  }
0x26: {  	_ = 	snop  }
0x27: {  	[spmem:s7] =	stream.linear.scatter [tilespmem:s18], [sflag:$0x7], $0x2400, $0x38;
	[tilespmem:$0x1FA30] =	vst v63  }
0x28: {  	_ = 	snop  }
0x29: {  	[spmem:s8] =	stream.linear.scatter [tilespmem:s18], [sflag:$0x7], $0x2400, $0x38;
	[tilespmem:$0x1FA30] =	vst v63  }
0x2a: {  	_ = 	snop  }
0x2b: {  	[spmem:s9] =	stream.linear.scatter [tilespmem:s18], [sflag:$0x7], $0x2400, $0x38;
	[tilespmem:$0x1FA30] =	vst v63  }
0x2c: {  	_ = 	snop  }
0x2d: {  	[spmem:s10] =	stream.linear.scatter [tilespmem:s18], [sflag:$0x7], $0x2400, $0x38;
	[tilespmem:$0x1FA30] =	vst v63  }
0x2e: {  	_ = 	snop  }
0x2f: {  	[spmem:s11] =	stream.linear.scatter [tilespmem:s18], [sflag:$0x7], $0x2400, $0x38;
	[tilespmem:$0x1FA30] =	vst v63  }
0x30: {  	_ = 	snop  }
0x31: {  	[spmem:s12] =	stream.linear.scatter [tilespmem:s18], [sflag:$0x7], $0x2400, $0x38;
	[tilespmem:$0x1FA30] =	vst v63  }
0x32: {  	_ = 	snop  }
0x33: {  	[spmem:s13] =	stream.linear.scatter [tilespmem:s18], [sflag:$0x7], $0x2000, $0x38;
	[tilespmem:$0x1FA30] =	vst v63  }
0x34: {  	s0 =	simm.s32 $0x0  }
0x35: {  	[tilespmem:s0], [sflag:$0x8] =	stream.linear.gather [hbm4b:s14+s0], $0x2718, $0x38;
	[tilespmem:$0x1FA30] =	vst v63  }
0x36: {  	_ =	swait.ge [sflag:s19], $0x2718  }
0x37: {  	[sflag:s19] =	ssyncset.done $0x0  }
0x38: {  	s20 =	simm.s32 $0x2718;
	[sflag:s19] =	ssyncadd.s32 $0xFFFFD8E8  }
0x39: {  	[tilespmem:s20], [sflag:$0x8] =	stream.linear.gather [hbm4b:s15+s0], $0x2718, $0x38;
	[tilespmem:$0x1FA30] =	vst v63  }
0x3a: {  	_ =	swait.ge [sflag:s19], $0x2718  }
0x3b: {  	[sflag:s19] =	ssyncset.done $0x0  }
0x3c: {  	[sflag:s19] =	ssyncadd.s32 $0xFFFFD8E8  }
0x3d: {  	_ =	swait.ge [sflag:s21], $0x2400  }
0x3e: {  	[sflag:s21] =	ssyncset.done $0x0  }
0x3f: {  	[sflag:s21] =	ssyncadd.s32 $0xFFFFDC00  }
0x40: {  	_ =	swait.ge [sflag:s21], $0x2400  }
0x41: {  	[sflag:s21] =	ssyncset.done $0x0  }
0x42: {  	[sflag:s21] =	ssyncadd.s32 $0xFFFFDC00  }
0x43: {  	_ =	swait.ge [sflag:s21], $0x2400  }
0x44: {  	[sflag:s21] =	ssyncset.done $0x0  }
0x45: {  	[sflag:s21] =	ssyncadd.s32 $0xFFFFDC00  }
0x46: {  	_ =	swait.ge [sflag:s21], $0x2400  }
0x47: {  	[sflag:s21] =	ssyncset.done $0x0  }
0x48: {  	[sflag:s21] =	ssyncadd.s32 $0xFFFFDC00  }
0x49: {  	_ =	swait.ge [sflag:s21], $0x2400  }
0x4a: {  	[sflag:s21] =	ssyncset.done $0x0  }
0x4b: {  	[sflag:s21] =	ssyncadd.s32 $0xFFFFDC00  }
0x4c: {  	_ =	swait.ge [sflag:s21], $0x2400  }
0x4d: {  	[sflag:s21] =	ssyncset.done $0x0  }
0x4e: {  	[sflag:s21] =	ssyncadd.s32 $0xFFFFDC00  }
0x4f: {  	_ =	swait.ge [sflag:s21], $0x2400  }
0x50: {  	[sflag:s21] =	ssyncset.done $0x0  }
0x51: {  	[sflag:s21] =	ssyncadd.s32 $0xFFFFDC00  }
0x52: {  	_ =	swait.ge [sflag:s21], $0x2400  }
0x53: {  	[sflag:s21] =	ssyncset.done $0x0  }
0x54: {  	[sflag:s21] =	ssyncadd.s32 $0xFFFFDC00  }
0x55: {  	_ =	swait.ge [sflag:s21], $0x2000  }
0x56: {  	[sflag:s21] =	ssyncset.done $0x0  }
0x57: {  	[sflag:s21] =	ssyncadd.s32 $0xFFFFE000  }
0x58: {  	[bflag:$0x0] =	sbarrier.arrive $0xFFFF  }
0x59: {  	[tilespmem:s18], [sflag:$0x1] =	stream.indirect.gather [hbm4b:s2+s22], $0x80, s0, s22, $0xb8;
	[tilespmem:$0x1FA30] =	vst v63  }
0x5a: {  	_ = 	snop  }
0x5b: {  	[tilespmem:s23], [sflag:$0x2] =	stream.indirect.gather [hbm4b:s2+s22], $0x80, s22, s22, $0xb8;
	[tilespmem:$0x1FA30] =	vst v63  }
0x5c: {  	s20 =	simm.s32 $0x90  }
0x5d: {  	[tilespmem:s25], [sflag:$0x3] =	stream.indirect.gather [hbm4b:s2+s22], $0x80, s20, s22, $0xb8;
	[tilespmem:$0x1FA30] =	vst v63  }
0x5e: {  	_ =	swait.ge [sflag:s26], $0x2400  }
0x5f: {  	[sflag:s26] =	ssyncset.done $0x0  }
0x60: {  	s24 =	simm.s32 $0x2718;
	[sflag:s26] =	ssyncadd.s32 $0xFFFFDC00  }
0x61: {  	[spmem:s3] =	stream.indirect.scatter.add.f32 [tilespmem:s18], [sflag:$0x4], $0x80, s24, s22, $0xb8;
	[tilespmem:$0x1FA30] =	vst v63  }
0x62: {  	_ =	swait.ge [sflag:s28], $0x2400  }
0x63: {  	[sflag:s28] =	ssyncset.done $0x0  }
0x64: {  	s20 =	simm.s32 $0x2760;
	[sflag:s28] =	ssyncadd.s32 $0xFFFFDC00  }
0x65: {  	[spmem:s3] =	stream.indirect.scatter.add.f32 [tilespmem:s23], [sflag:$0x5], $0x80, s20, s22, $0xb8;
	[tilespmem:$0x1FA30] =	vst v63  }
0x66: {  	_ =	swait.ge [sflag:s29], $0x2400  }
0x67: {  	[sflag:s29] =	ssyncset.done $0x0  }
0x68: {  	s24 =	simm.s32 $0x27A8;
	[sflag:s29] =	ssyncadd.s32 $0xFFFFDC00  }
0x69: {  	[spmem:s3] =	stream.indirect.scatter.add.f32 [tilespmem:s25], [sflag:$0x6], $0x80, s24, s22, $0xb8;
	[tilespmem:$0x1FA30] =	vst v63  }
0x6a: {  	_ =	swait.ge [sflag:s30], $0x2400  }
0x6b: {  	[sflag:s30] =	ssyncset.done $0x0  }
0x6c: {  	s20 =	simm.s32 $0xD8;
	[sflag:s30] =	ssyncadd.s32 $0xFFFFDC00  }
0x6d: {  	[tilespmem:s18], [sflag:$0x1] =	stream.indirect.gather [hbm4b:s2+s22], $0x80, s20, s22, $0xb8;
	[tilespmem:$0x1FA30] =	vst v63  }
0x6e: {  	_ =	swait.ge [sflag:s31], $0x2400  }
0x6f: {  	[sflag:s31] =	ssyncset.done $0x0  }
0x70: {  	s24 =	simm.s32 $0x120;
	[sflag:s31] =	ssyncadd.s32 $0xFFFFDC00  }
0x71: {  	[tilespmem:s23], [sflag:$0x2] =	stream.indirect.gather [hbm4b:s2+s22], $0x80, s24, s22, $0xb8;
	[tilespmem:$0x1FA30] =	vst v63  }
0x72: {  	_ =	swait.ge [sflag:s1], $0x2400  }
0x73: {  	[sflag:s1] =	ssyncset.done $0x0  }
0x74: {  	s0 =	simm.s32 $0x168;
	s24 =	simm.s32 $0x360;
	[sflag:s1] =	ssyncadd.s32 $0xFFFFDC00  }
.LBB2_4:
0x75: {  	[tilespmem:s25], [sflag:$0x3] =	stream.indirect.gather [hbm4b:s2+s22], $0x80, s0, s22, $0xb8;
	[tilespmem:$0x1FA30] =	vst v63  }
0x76: {  	s0 =	smov.u32 s24  }
0x77: {  	p0 =	sne.s32 s24, $0x9480;
	s24 =	sadd.s32 $0x360, s24;
	_ =	swait.ge [sflag:s26], $0x2400  }
0x78: {  	s0 =	sshra.s32 s0, $0x2;
	[sflag:s26] =	ssyncset.done $0x0  }
0x79: {  	s20 =	sadd.s32 $0x2718, s0;
	[sflag:s26] =	ssyncadd.s32 $0xFFFFDC00  }
0x7a: {  	[spmem:s3] =	stream.indirect.scatter.add.f32 [tilespmem:s18], [sflag:$0x4], $0x80, s20, s22, $0xb8;
	[tilespmem:$0x1FA30] =	vst v63  }
0x7b: {  	_ =	swait.ge [sflag:s28], $0x2400  }
0x7c: {  	[sflag:s28] =	ssyncset.done $0x0  }
0x7d: {  	s20 =	sadd.s32 $0x2760, s0;
	[sflag:s28] =	ssyncadd.s32 $0xFFFFDC00  }
0x7e: {  	[spmem:s3] =	stream.indirect.scatter.add.f32 [tilespmem:s23], [sflag:$0x5], $0x80, s20, s22, $0xb8;
	[tilespmem:$0x1FA30] =	vst v63  }
0x7f: {  	_ =	swait.ge [sflag:s29], $0x2400  }
0x80: {  	[sflag:s29] =	ssyncset.done $0x0  }
0x81: {  	s20 =	sadd.s32 $0x27A8, s0;
	[sflag:s29] =	ssyncadd.s32 $0xFFFFDC00  }
0x82: {  	[spmem:s3] =	stream.indirect.scatter.add.f32 [tilespmem:s25], [sflag:$0x6], $0x80, s20, s22, $0xb8;
	[tilespmem:$0x1FA30] =	vst v63  }
0x83: {  	_ =	swait.ge [sflag:s30], $0x2400  }
0x84: {  	[sflag:s30] =	ssyncset.done $0x0  }
0x85: {  	s20 =	sadd.s32 $0xD8, s0;
	[sflag:s30] =	ssyncadd.s32 $0xFFFFDC00  }
0x86: {  	[tilespmem:s18], [sflag:$0x1] =	stream.indirect.gather [hbm4b:s2+s22], $0x80, s20, s22, $0xb8;
	[tilespmem:$0x1FA30] =	vst v63  }
0x87: {  	_ =	swait.ge [sflag:s31], $0x2400  }
0x88: {  	[sflag:s31] =	ssyncset.done $0x0  }
.Ltmp1:
0x89: {  	s20 =	sadd.s32 $0x120, s0;
	[sflag:s31] =	ssyncadd.s32 $0xFFFFDC00;
	(pc) =	sbr.rel @p0 .LBB2_4-.Ltmp1, $4  }
0x8a: {  	[tilespmem:s23], [sflag:$0x2] =	stream.indirect.gather [hbm4b:s2+s22], $0x80, s20, s22, $0xb8;
	[tilespmem:$0x1FA30] =	vst v63  }
0x8b: {  	_ =	swait.ge [sflag:s1], $0x2400  }
0x8c: {  	[sflag:s1] =	ssyncset.done $0x0  }
0x8d: {  	s0 =	sadd.s32 $0x168, s0;
	[sflag:s1] =	ssyncadd.s32 $0xFFFFDC00  }
0x8e: {  	[tilespmem:s25], [sflag:$0x3] =	stream.indirect.gather [hbm4b:s2+s22], $0x80, s0, s22, $0xb8;
	[tilespmem:$0x1FA30] =	vst v63  }
0x8f: {  	_ =	swait.ge [sflag:s26], $0x2400  }
0x90: {  	[sflag:s26] =	ssyncset.done $0x0  }
0x91: {  	s20 =	simm.s32 $0x4D10;
	[sflag:s26] =	ssyncadd.s32 $0xFFFFDC00  }
0x92: {  	[spmem:s3] =	stream.indirect.scatter.add.f32 [tilespmem:s18], [sflag:$0x4], $0x80, s20, s22, $0xb8;
	[tilespmem:$0x1FA30] =	vst v63  }
0x93: {  	_ =	swait.ge [sflag:s28], $0x2400  }
0x94: {  	[sflag:s28] =	ssyncset.done $0x0  }
0x95: {  	s24 =	simm.s32 $0x4D58;
	[sflag:s28] =	ssyncadd.s32 $0xFFFFDC00  }
0x96: {  	[spmem:s3] =	stream.indirect.scatter.add.f32 [tilespmem:s23], [sflag:$0x5], $0x80, s24, s22, $0xb8;
	[tilespmem:$0x1FA30] =	vst v63  }
0x97: {  	_ =	swait.ge [sflag:s29], $0x2400  }
0x98: {  	[sflag:s29] =	ssyncset.done $0x0  }
0x99: {  	s20 =	simm.s32 $0x4DA0;
	[sflag:s29] =	ssyncadd.s32 $0xFFFFDC00  }
0x9a: {  	[spmem:s3] =	stream.indirect.scatter.add.f32 [tilespmem:s25], [sflag:$0x6], $0x80, s20, s22, $0xb8;
	[tilespmem:$0x1FA30] =	vst v63  }
0x9b: {  	_ =	swait.ge [sflag:s30], $0x2400  }
0x9c: {  	[sflag:s30] =	ssyncset.done $0x0  }
0x9d: {  	s24 =	simm.s32 $0x26D0;
	[sflag:s30] =	ssyncadd.s32 $0xFFFFDC00  }
0x9e: {  	[tilespmem:s18], [sflag:$0x1] =	stream.indirect.gather [hbm4b:s2+s22], $0x80, s24, s22, $0xb8;
	[tilespmem:$0x1FA30] =	vst v63  }
0x9f: {  	_ =	swait.ge [sflag:s31], $0x2400  }
0xa0: {  	[sflag:s31] =	ssyncset.done $0x0  }
0xa1: {  	[sflag:s31] =	ssyncadd.s32 $0xFFFFDC00  }
0xa2: {  	_ =	swait.ge [sflag:s1], $0x2400  }
0xa3: {  	[sflag:s1] =	ssyncset.done $0x0  }
0xa4: {  	[sflag:s1] =	ssyncadd.s32 $0xFFFFDC00  }
0xa5: {  	_ =	swait.ge [sflag:s26], $0x2400  }
0xa6: {  	[sflag:s26] =	ssyncset.done $0x0  }
0xa7: {  	s20 =	simm.s32 $0x4DE8;
	[sflag:s26] =	ssyncadd.s32 $0xFFFFDC00  }
0xa8: {  	[spmem:s3] =	stream.indirect.scatter.add.f32 [tilespmem:s18], [sflag:$0x8], $0x80, s20, s22, $0xb8;
	[tilespmem:$0x1FA30] =	vst v63  }
0xa9: {  	s24 =	stileid.u32;
	_ =	swait.ge [sflag:s19], $0x2400  }
0xaa: {  	s4 =	sadd.s32 $0x1, s4;
	s0 =	sshll.u32 s24, $0x6;
	[sflag:s19] =	ssyncset.done $0x0  }
0xab: {  	p0 =	sne.s32 s4, s17;
	s0 =	sor.u32 $0x1C08, s0;
	[sflag:s19] =	ssyncadd.s32 $0xFFFFDC00  }
.Ltmp2:
0xac: {  	s20 =	sshrl.u32 s5, $0x3;
	[bflag:$0x0] =	sbarrier.arrive $0xFFFF;
	(pc) =	sbr.rel @p0 .LBB2_1-.Ltmp2, $4  }
0xad: {  	[hbm:s16], [sflag:s0] =	dma.local [spmem:s20], $0x2800  }
0xae: {  	_ =	swait.ge [sflag:s19], $0x2800  }
0xaf: {  	[sflag:s19] =	ssyncset.done $0x0  }
0xb0: {  	[sflag:s19] =	ssyncadd.s32 $0xFFFFD800  }
0xb1: {  	_ =	sfence.sel $0x180000  }
0xb2: {  	[bflag:$0x0] =	sbarrier.arrive $0xFFFF  }
0xb3: {  	_ =	strace $0x9000004A  }
0xb4: {  	s0 =	stileid.u32;
	[bflag:$0x2] =	sbarrier.arrive $0xFFFF  }
0xb5: {  	p0 =	sne.s32 s0, $0x0;
	s0 =	rddreg [dreg:$0x3]  }
0xb6: {  	s0 =	sadd.s32 @!p0 $0x100000, s0  }
0xb7: {  	[sflag:s0] =	ssyncadd.tile.s32 @!p0 $0x1;
	_ =	shalt  }
.Lfunc_end2:
_tile_overlayer_lowered:
.L_overlay_start_2:
0xb8: {  	(tag) =	ssettag $0x2  }
0xb9: {  	s0 =	rddreg [dreg:$0x0];
	s2 =	stileid.u32  }
0xba: {  	s1 =	rddreg [dreg:$0x1];
	p0 =	sne.s32 s2, $0x0  }
0xbb: {  	s3 =	rddreg [dreg:$0x2];
	[bflag:$0x3] =	sbarrier.arrive $0xFFFF;
	s2 =	simm.s32 @!p0 $0x1C08  }
0xbc: {  	[timem:s3], [sflag:s2] =	dma.local @!p0 [hbm:s0], s1  }
0xbd: {  	s0 =	simm.s32 @!p0 $0x8  }
0xbe: {  	_ =	swait.ge @!p0 [sflag:s0], s1  }
0xbf: {  	s1 =	ssub.s32 @!p0 $0x0, s1;
	[sflag:s0] =	ssyncset.done @!p0 $0x0  }
0xc0: {  	[sflag:s0] =	ssyncadd.s32 @!p0 s1  }
0xc1: {  	[bflag:$0x3] =	sbarrier.arrive $0xFFFF  }
0xc2: {  	_ =	shalt  }

// kernel: kernel.14.cloned.1.call-start
scs
__scs_entry_jumppad:
0x0: {  	(pc) =	sbr.rel $0x88, $3  }
0x1: {  	(tag) =	ssettag $0x0;
	lr =	simm.s32 $0x1  }
0x2: {  	[smem:$0x3F97] =	sst lr;
	_ =	strace $0xD0000000  }
0x3: {  	_ = 	snop  }
0x4: {  	_ = 	snop  }
0x5: {  	_ = 	snop  }
0x6: {  	_ = 	snop  }
0x7: {  	_ = 	snop  }
__scs_overlays_trampoline_lowered:
0x8: {  	[smem:$0x3FA6] =	sst s0  }
0x9: {  	[smem:$0x3FA7] =	sst s1  }
0xa: {  	[smem:$0x3FA8] =	sst s2  }
0xb: {  	[smem:$0x3FA9] =	sst s3  }
0xc: {  	[smem:$0x3FAA] =	sst s4  }
0xd: {  	[smem:$0x3FAB] =	sst s5  }
0xe: {  	[smem:$0x3FAC] =	sst s6  }
0xf: {  	[smem:$0x3FAD] =	sst s7  }
0x10: {  	[smem:$0x3FAE] =	sst s8  }
0x11: {  	[smem:$0x3FAF] =	sst s9;
	s0 =	simm.s32 @!p0 $0x0  }
0x12: {  	s1 =	sld [smem:$0x3F95];
	s0 =	simm.s32 @p0 $0x1  }
0x13: {  	[smem:$0x3FB0] =	sst s0;
	s0 =	simm.s32 @!p1 $0x0  }
0x14: {  	s2 =	sld [smem:$0x3F94];
	s0 =	simm.s32 @p1 $0x1  }
0x15: {  	[smem:$0x3FB1] =	sst s0;
	s0 =	simm.s32 @!p2 $0x0  }
0x16: {  	s3 =	sld [smem:$0x3FDB];
	s0 =	simm.s32 @p2 $0x1  }
0x17: {  	s4 =	simm.s32 $0x1BF5;
	[smem:$0x3FB3] =	sst s0  }
0x18: {  	s0 =	sld [smem:$0x3F96];
	_ =	swait.ge [sflag:s4], $0x0  }
0x19: {  	s7 =	sld [smem:$0x3F97]  }
0x1a: {  	s8 =	sadd.s32 $0xFFFFE003, lr  }
0x1b: {  	s9 =	sadd.s32 $0xFFFFFEF7, lr;
	s5 =	simm.s32 $0xFFFFFFFF;
	p2 =	slt.u32 s8, $0xFFFFF086  }
0x1c: {  	p1 =	slt.u32 s9, $0xF7A;
	s5 =	simm.s32 @!p2 $0x0  }
0x1d: {  	s5 =	simm.s32 @p1 $0x1;
	p0 =	seq.s32 s7, s2  }
0x1e: {  	s7 =	smul.u32 @!p0 $0xF7A, s2;
	p2 =	seq.s32 @!p0 s5, $0x0  }
0x1f: {  	s9 =	smul.u32 $0xF7A, s1;
	s8 =	simm.s32 @!p0 $0x1BF5;
	p2 =	por !p2, p0  }
0x20: {  	[sflag:s8] =	ssyncset.s32 @!p0 $0xFFFFF086;
	s6 =	sadd.s32 @!p0 s3, s7;
	s7 =	simm.s32 @!p0 $0x108  }
0x21: {  	s3 =	sadd.s32 s3, s9;
	s6 =	sadd.s32 @!p0 $0x88, s6;
	s7 =	simm.s32 @p2 $0x1082  }
0x22: {  	[simem:s7], [sflag:s8] =	dma.local @!p0 [hbm:s6], $0xF7A  }
0x23: {  	s9 =	sor.u32 $0xD0000000, s2;
	s6 =	simm.s32 $0x108;
	_ =	swait.ge @!p0 [sflag:s8], $0x0  }
0x24: {  	s3 =	sadd.s32 $0x88, s3;
	s6 =	simm.s32 @!p1 $0x1082;
	[sflag:s4] =	ssyncset.s32 $0xFFFFF086  }
0x25: {  	[simem:s6], [sflag:s4] =	dma.local [hbm:s3], $0xF7A  }
0x26: {  	[smem:$0x3F97] =	sst s1;
	(tag) =	ssettag s2;
	_ =	strace s9  }
0x27: {  	s1 =	sld [smem:$0x3FA7]  }
0x28: {  	s2 =	sld [smem:$0x3FA8]  }
0x29: {  	s4 =	sld [smem:$0x3FAA]  }
0x2a: {  	p0 =	seq.s32 s5, $0x0;
	s5 =	sld [smem:$0x3FAB]  }
0x2b: {  	s6 =	sld [smem:$0x3FAC]  }
0x2c: {  	s7 =	sld [smem:$0x3FAD]  }
0x2d: {  	s3 =	simm.s32 $0x108;
	s8 =	sld [smem:$0x3FAE]  }
0x2e: {  	s3 =	simm.s32 @!p0 $0x1082;
	s9 =	sld [smem:$0x3FAF]  }
0x2f: {  	lr =	sadd.s32 s0, s3;
	s0 =	sld [smem:$0x3FA6]  }
0x30: {  	s3 =	sld [smem:$0x3FA9]  }
0x31: {  	[smem:$0x3FB2] =	sst s10  }
0x32: {  	s10 =	sld [smem:$0x3FB0];
	_ =	sdelay $0x3  }
0x33: {  	p0 =	seq.s32 s10, $0x1;
	s10 =	sld [smem:$0x3FB2];
	_ =	sdelay $0x3  }
0x34: {  	[smem:$0x3FB2] =	sst s10  }
0x35: {  	s10 =	sld [smem:$0x3FB1];
	_ =	sdelay $0x3  }
0x36: {  	p1 =	seq.s32 s10, $0x1;
	s10 =	sld [smem:$0x3FB2];
	_ =	sdelay $0x3  }
0x37: {  	[smem:$0x3FB2] =	sst s10  }
0x38: {  	s10 =	sld [smem:$0x3FB3]  }
0x39: {  	_ = 	snop;
	(pc) =	sbr.ind lr, $3  }
0x3a: {  	_ = 	snop  }
0x3b: {  	_ = 	snop  }
0x3c: {  	p2 =	seq.s32 s10, $0x1;
	s10 =	sld [smem:$0x3FB2]  }
0x3d: {  	_ =	shalt  }
0x3e: {  	_ =	shalt  }
0x3f: {  	_ =	shalt  }
0x40: {  	_ =	shalt  }
0x41: {  	_ =	shalt  }
0x42: {  	_ =	shalt  }
0x43: {  	_ =	shalt  }
0x44: {  	_ =	shalt  }
0x45: {  	_ =	shalt  }
0x46: {  	_ =	shalt  }
0x47: {  	_ =	shalt  }
0x48: {  	_ =	shalt  }
0x49: {  	_ =	shalt  }
0x4a: {  	_ =	shalt  }
0x4b: {  	_ =	shalt  }
0x4c: {  	_ =	shalt  }
0x4d: {  	_ =	shalt  }
0x4e: {  	_ =	shalt  }
0x4f: {  	_ =	shalt  }
0x50: {  	_ =	shalt  }
0x51: {  	_ =	shalt  }
0x52: {  	_ =	shalt  }
0x53: {  	_ =	shalt  }
0x54: {  	_ =	shalt  }
0x55: {  	_ =	shalt  }
0x56: {  	_ =	shalt  }
0x57: {  	_ =	shalt  }
0x58: {  	_ =	shalt  }
0x59: {  	_ =	shalt  }
0x5a: {  	_ =	shalt  }
0x5b: {  	_ =	shalt  }
0x5c: {  	_ =	shalt  }
0x5d: {  	_ =	shalt  }
0x5e: {  	_ =	shalt  }
0x5f: {  	_ =	shalt  }
0x60: {  	_ =	shalt  }
0x61: {  	_ =	shalt  }
0x62: {  	_ =	shalt  }
0x63: {  	_ =	shalt  }
0x64: {  	_ =	shalt  }
0x65: {  	_ =	shalt  }
0x66: {  	_ =	shalt  }
0x67: {  	_ =	shalt  }
0x68: {  	_ =	shalt  }
0x69: {  	_ =	shalt  }
0x6a: {  	_ =	shalt  }
0x6b: {  	_ =	shalt  }
0x6c: {  	_ =	shalt  }
0x6d: {  	_ =	shalt  }
0x6e: {  	_ =	shalt  }
0x6f: {  	_ =	shalt  }
0x70: {  	_ =	shalt  }
0x71: {  	_ =	shalt  }
0x72: {  	_ =	shalt  }
0x73: {  	_ =	shalt  }
0x74: {  	_ =	shalt  }
0x75: {  	_ =	shalt  }
0x76: {  	_ =	shalt  }
0x77: {  	_ =	shalt  }
0x78: {  	_ =	shalt  }
0x79: {  	_ =	shalt  }
0x7a: {  	_ =	shalt  }
0x7b: {  	_ =	shalt  }
0x7c: {  	_ =	shalt  }
0x7d: {  	_ =	shalt  }
0x7e: {  	_ =	shalt  }
0x7f: {  	_ =	shalt  }
0x80: {  	_ =	shalt  }
0x81: {  	_ =	shalt  }
0x82: {  	_ =	shalt  }
0x83: {  	_ =	shalt  }
0x84: {  	_ =	shalt  }
0x85: {  	_ =	shalt  }
0x86: {  	_ =	shalt  }
0x87: {  	_ =	shalt  }
.Lfunc_end0:
.L_simem_size_0:
called_computation.2_lowered:
.L_overlay_start_0:
0x88: {  	s2 =	sld [smem:$0x3FD9]  }
0x89: {  	s3 =	sld [smem:$0x3FFE];
	_ =	sdelay $0x1  }
0x8a: {  	s1 =	srdreg.scid  }
0x8b: {  	s0 =	sand.u32 $0x1, s1  }
0x8c: {  	s14 =	sshll.u32 s0, $0xA;
	s2 =	sadd.s32 s3, s2  }
0x8d: {  	s2 =	sadd.s32 s2, s14  }
0x8e: {  	[smem:$0x3FBE] =	sst s2  }
0x8f: {  	_ = 	snop  }
0x90: {  	s2 =	sld [smem:$0x3FD0];
	_ =	sdelay $0x2  }
0x91: {  	s15 =	simm.s32 $0xA;
	s4 =	simm.s32 $0x10  }
0x92: {  	[smem:s4], [sflag:s15] =	dma.local [hbm:s2], $0x1  }
0x93: {  	_ =	swait.eq [sflag:s15], $0x1  }
0x94: {  	[sflag:s15] =	ssyncset.done $0x0  }
0x95: {  	[sflag:s15] =	ssyncadd.s32 $0xFFFFFFFF  }
0x96: {  	s16 =	sld [smem:$0x10];
	(tm) =	ssettm $0x1  }
0x97: {  	s17 =	sld [smem:$0x3FFB];
	_ =	sdelay $0x3  }
0x98: {  	_ =	strace s17  }
0x99: {  	s3 =	sld [smem:$0x3FFC];
	_ =	sdelay $0x3  }
0x9a: {  	_ =	strace s3  }
0x9b: {  	s3 =	sld [smem:$0x3FFD];
	_ =	sdelay $0x3  }
0x9c: {  	_ =	strace s3  }
0x9d: {  	_ =	strace $0x8FFFFFFF  }
0x9e: {  	s18 =	sld [smem:$0x3FDB];
	_ =	sdelay $0x1  }
0x9f: {  	s19 =	simm.s32 $_scs_section_size  }
0xa0: {  	s5 =	simm.s32 $_size__tile_overlayer_lowered;
	s6 =	simm.s32 $_tile_overlayer_lowered  }
0xa1: {  	s22 =	simm.s32 $0x1BFF;
	s21 =	sshll.u32 s6, $0x1;
	s3 =	sadd.s32 s19, s18  }
0xa2: {  	s7 =	simm.s32 $0x0;
	s20 =	sshll.u32 s5, $0x1;
	s5 =	sadd.s32 s21, s3  }
0xa3: {  	[timem:s7], [sflag:s22] =	dma.local [hbm:s5], s20  }
0xa4: {  	_ =	swait.ge [sflag:s22], s20  }
0xa5: {  	s4 =	ssub.s32 $0x0, s20;
	[sflag:s22] =	ssyncset.done $0x0  }
0xa6: {  	[sflag:s22] =	ssyncadd.s32 s4;
	_ =	sdelay $0x1  }
0xa7: {  	s23 =	simm.s32 $0x1B8B  }
0xa8: {  	_ =	swait.ge [sflag:s23], $0x1  }
0xa9: {  	[sflag:s23] =	ssyncset.done $0x0  }
0xaa: {  	s25 =	simm.s32 $0x1B8E;
	s24 =	sld [smem:$0x3FFE];
	[sflag:s23] =	ssyncadd.s32 $0xFFFFFFFF  }
0xab: {  	s26 =	simm.s32 $execute0_lowered;
	[smem:$0x3FD2] =	sst s25  }
0xac: {  	s5 =	sshll.u32 s26, $0x1;
	_ =	strace $0x8000004C;
	[dreg:$0x1] =	wrdreg $0xFFFFFFFF  }
0xad: {  	s28 =	simm.s32 $_size_execute0_lowered;
	s3 =	sadd.s32 s3, s5;
	[dreg:$0x0] =	wrdreg $0x0  }
0xae: {  	s5 =	sshll.u32 s28, $0x1;
	[dreg:$0x2] =	wrdreg s3  }
0xaf: {  	[dreg:$0x3] =	wrdreg s5  }
0xb0: {  	[dreg:$0x4] =	wrdreg $0xC0  }
0xb1: {  	_ =	task [dreg:s7], $0x5FFFF  }
0xb2: {  	[dreg:$0x1] =	wrdreg $0xFFFFFFFF  }
0xb3: {  	[dreg:$0x0] =	wrdreg $0x60  }
0xb4: {  	[dreg:$0x2] =	wrdreg s16  }
0xb5: {  	[dreg:$0x3] =	wrdreg s24  }
0xb6: {  	[dreg:$0x4] =	wrdreg $0xBA300  }
0xb7: {  	[dreg:$0x5] =	wrdreg $0x9  }
0xb8: {  	_ =	task.clear_ibuf [dreg:s7], $0x6FFFF;
	_ =	strace $0x9000004C  }
0xb9: {  	s29 =	simm.s32 $0x9;
	_ =	strace $0x8000004E  }
0xba: {  	_ =	swait.ge [sflag:s29], $0x1  }
0xbb: {  	[sflag:s29] =	ssyncadd.s32 $0xFFFFFFFF  }
0xbc: {  	_ =	strace $0x9000004E  }
0xbd: {  	_ =	sfence  }
0xbe: {  	s30 =	sld [smem:$0x0];
	_ =	sdelay $0x2  }
0xbf: {  	s31 =	sshll.u32 s1, $0xD;
	s1 =	sshrl.u32 s1, $0x2  }
0xc0: {  	s3 =	sand.u32 $0x4000, s31;
	s1 =	sadd.s32 s1, s30  }
0xc1: {  	s0 =	sor.u32 s3, s0;
	s1 =	sshll.u32 s1, $0x11  }
0xc2: {  	s0 =	sor.u32 s1, s0  }
0xc3: {  	s0 =	sadd.s32 $0x8F2B, s0  }
0xc4: {  	[sflag:s0] =	ssyncadd.remote.s32 $0x1  }
0xc5: {  	_ =	sfence.sel $0xFFFF  }
0xc6: {  	[dreg:$0x0] =	wrdreg $0xFFFFFFFF;
	(pc) =	sbr.abs _section_cstart, $3  }
0xc7: {  	[dreg:$0x1] =	wrdreg $0xFFFFFFFF  }
0xc8: {  	_ =	task.clear_ibuf [dreg:s7], $0x2FFFF;
	_ =	strace $0x9FFFFFFF  }
0xc9: {  	(tm) =	ssettm $0x7FFFFFFF  }
tec
execute0_lowered:
.L_overlay_start_1:
0x0: {  	(tag) =	ssettag $0x1  }
0x1: {  	s0 =	srdreg.scid;
	s2 =	rddreg [dreg:$0x0]  }
0x2: {  	s8 =	stileid.u32;
	s5 =	rddreg [dreg:$0x1]  }
0x3: {  	s3 =	rddreg [dreg:$0x2];
	s4 =	simm.s32 $0x0;
	s18 =	simm.s32 $0x4E30  }
0x4: {  	s19 =	simm.s32 $0x8;
	s21 =	simm.s32 $0x7;
	s22 =	simm.s32 $0x48  }
0x5: {  	s23 =	simm.s32 $0x7230;
	s25 =	simm.s32 $0x9630;
	s28 =	simm.s32 $0x2  }
0x6: {  	s29 =	simm.s32 $0x3;
	s30 =	simm.s32 $0x4;
	s31 =	simm.s32 $0x5  }
0x7: {  	s0 =	sand.u32 $0x1, s0;
	s1 =	sshll.u32 s8, $0x1;
	s6 =	smul.u32 $0x14000, s8  }
0x8: {  	[smem:$0x7FF] =	sst s4;
	s8 =	smul.u32 $0x50000, s8;
	s1 =	sor.u32 s0, s1  }
0x9: {  	s7 =	smul.u32 $0x140000, s0;
	_ =	strace $0x8000004D;
	s0 =	ssub.s32 $0x2, s0  }
0xa: {  	s1 =	smul.u32 $0x4E3, s1;
	s8 =	sshrl.u32 s8, $0x2;
	s26 =	sshrl.u32 s0, $0x1  }
0xb: {  	s7 =	sadd.s32 s6, s7;
	s13 =	sadd.s32 s8, s3;
	s0 =	ssub.s32 s0, s26  }
0xc: {  	s26 =	simm.s32 $0x1;
	s1 =	sadd.s32 s1, s5;
	s7 =	sshrl.u32 s7, $0x3  }
0xd: {  	s8 =	sadd.s32 $0x6C00, s13;
	s9 =	sadd.s32 $0x9000, s13;
	s10 =	sadd.s32 $0xB400, s13  }
0xe: {  	s11 =	sadd.s32 $0xD800, s13;
	s12 =	sadd.s32 $0xFC00, s13;
	s17 =	smax.u32 s0, $0x1  }
0xf: {  	s16 =	sadd.s32 s7, s5;
	s5 =	sadd.s32 s6, s3;
	s6 =	sadd.s32 $0x2400, s13  }
0x10: {  	s7 =	sadd.s32 $0x4800, s13;
	s13 =	sadd.s32 $0x12000, s13;
	s14 =	sadd.s32 $0x16400, s1  }
0x11: {  	v0 =	vimm.f32 $0.0e+00;
	s15 =	sadd.s32 $0x20200, s1;
	s1 =	simm.s32 $0x6;
	s16 =	sadd.s32 $0x2A000, s16  }
.LBB2_1:
0x12: {  	s24 =	simm.s32 $0x0;
	s0 =	simm.s32 $0x200  }
.LBB2_2:
0x13: {  	p0 =	sne.s32 s0, $0x8E00;
	[tilespmem:s24+$0x4EA0] =	vst v0  }
0x14: {  	[tilespmem:s24+$0x4E30] =	vst v0  }
0x15: {  	[tilespmem:s24+$0x4E40] =	vst v0  }
.Ltmp0:
0x16: {  	[tilespmem:s24+$0x4E50] =	vst v0;
	(pc) =	sbr.rel @p0 .LBB2_2-.Ltmp0, $4  }
0x17: {  	[tilespmem:s24+$0x4E60] =	vst v0  }
0x18: {  	[tilespmem:s24+$0x4E70] =	vst v0  }
0x19: {  	[tilespmem:s24+$0x4E80] =	vst v0  }
0x1a: {  	[tilespmem:s24+$0x4E90] =	vst v0;
	s24 =	sshra.s32 s0, $0x2;
	s0 =	sadd.s32 $0x200, s0  }
0x1b: {  	[tilespmem:s24+$0x4EA0] =	vst v0  }
0x1c: {  	[tilespmem:s24+$0x4E30] =	vst v0  }
0x1d: {  	[tilespmem:s24+$0x4E40] =	vst v0  }
0x1e: {  	[tilespmem:s24+$0x4E50] =	vst v0  }
0x1f: {  	[tilespmem:s24+$0x4E60] =	vst v0  }
0x20: {  	[tilespmem:s24+$0x4E70] =	vst v0  }
0x21: {  	[tilespmem:s24+$0x4E80] =	vst v0  }
0x22: {  	[tilespmem:s24+$0x4E90] =	vst v0  }
0x23: {  	[spmem:s5] =	stream.linear.scatter [tilespmem:s18], [sflag:$0x7], $0x2400, $0x38;
	[tilespmem:$0x1FA30] =	vst v63  }
0x24: {  	_ = 	snop  }
0x25: {  	[spmem:s6] =	stream.linear.scatter [tilespmem:s18], [sflag:$0x7], $0x2400, $0x38;
	[tilespmem:$0x1FA30] =	vst v63  }
0x26: {  	_ = 	snop  }
0x27: {  	[spmem:s7] =	stream.linear.scatter [tilespmem:s18], [sflag:$0x7], $0x2400, $0x38;
	[tilespmem:$0x1FA30] =	vst v63  }
0x28: {  	_ = 	snop  }
0x29: {  	[spmem:s8] =	stream.linear.scatter [tilespmem:s18], [sflag:$0x7], $0x2400, $0x38;
	[tilespmem:$0x1FA30] =	vst v63  }
0x2a: {  	_ = 	snop  }
0x2b: {  	[spmem:s9] =	stream.linear.scatter [tilespmem:s18], [sflag:$0x7], $0x2400, $0x38;
	[tilespmem:$0x1FA30] =	vst v63  }
0x2c: {  	_ = 	snop  }
0x2d: {  	[spmem:s10] =	stream.linear.scatter [tilespmem:s18], [sflag:$0x7], $0x2400, $0x38;
	[tilespmem:$0x1FA30] =	vst v63  }
0x2e: {  	_ = 	snop  }
0x2f: {  	[spmem:s11] =	stream.linear.scatter [tilespmem:s18], [sflag:$0x7], $0x2400, $0x38;
	[tilespmem:$0x1FA30] =	vst v63  }
0x30: {  	_ = 	snop  }
0x31: {  	[spmem:s12] =	stream.linear.scatter [tilespmem:s18], [sflag:$0x7], $0x2400, $0x38;
	[tilespmem:$0x1FA30] =	vst v63  }
0x32: {  	_ = 	snop  }
0x33: {  	[spmem:s13] =	stream.linear.scatter [tilespmem:s18], [sflag:$0x7], $0x2000, $0x38;
	[tilespmem:$0x1FA30] =	vst v63  }
0x34: {  	s0 =	simm.s32 $0x0  }
0x35: {  	[tilespmem:s0], [sflag:$0x8] =	stream.linear.gather [hbm4b:s14+s0], $0x2718, $0x38;
	[tilespmem:$0x1FA30] =	vst v63  }
0x36: {  	_ =	swait.ge [sflag:s19], $0x2718  }
0x37: {  	[sflag:s19] =	ssyncset.done $0x0  }
0x38: {  	s20 =	simm.s32 $0x2718;
	[sflag:s19] =	ssyncadd.s32 $0xFFFFD8E8  }
0x39: {  	[tilespmem:s20], [sflag:$0x8] =	stream.linear.gather [hbm4b:s15+s0], $0x2718, $0x38;
	[tilespmem:$0x1FA30] =	vst v63  }
0x3a: {  	_ =	swait.ge [sflag:s19], $0x2718  }
0x3b: {  	[sflag:s19] =	ssyncset.done $0x0  }
0x3c: {  	[sflag:s19] =	ssyncadd.s32 $0xFFFFD8E8  }
0x3d: {  	_ =	swait.ge [sflag:s21], $0x2400  }
0x3e: {  	[sflag:s21] =	ssyncset.done $0x0  }
0x3f: {  	[sflag:s21] =	ssyncadd.s32 $0xFFFFDC00  }
0x40: {  	_ =	swait.ge [sflag:s21], $0x2400  }
0x41: {  	[sflag:s21] =	ssyncset.done $0x0  }
0x42: {  	[sflag:s21] =	ssyncadd.s32 $0xFFFFDC00  }
0x43: {  	_ =	swait.ge [sflag:s21], $0x2400  }
0x44: {  	[sflag:s21] =	ssyncset.done $0x0  }
0x45: {  	[sflag:s21] =	ssyncadd.s32 $0xFFFFDC00  }
0x46: {  	_ =	swait.ge [sflag:s21], $0x2400  }
0x47: {  	[sflag:s21] =	ssyncset.done $0x0  }
0x48: {  	[sflag:s21] =	ssyncadd.s32 $0xFFFFDC00  }
0x49: {  	_ =	swait.ge [sflag:s21], $0x2400  }
0x4a: {  	[sflag:s21] =	ssyncset.done $0x0  }
0x4b: {  	[sflag:s21] =	ssyncadd.s32 $0xFFFFDC00  }
0x4c: {  	_ =	swait.ge [sflag:s21], $0x2400  }
0x4d: {  	[sflag:s21] =	ssyncset.done $0x0  }
0x4e: {  	[sflag:s21] =	ssyncadd.s32 $0xFFFFDC00  }
0x4f: {  	_ =	swait.ge [sflag:s21], $0x2400  }
0x50: {  	[sflag:s21] =	ssyncset.done $0x0  }
0x51: {  	[sflag:s21] =	ssyncadd.s32 $0xFFFFDC00  }
0x52: {  	_ =	swait.ge [sflag:s21], $0x2400  }
0x53: {  	[sflag:s21] =	ssyncset.done $0x0  }
0x54: {  	[sflag:s21] =	ssyncadd.s32 $0xFFFFDC00  }
0x55: {  	_ =	swait.ge [sflag:s21], $0x2000  }
0x56: {  	[sflag:s21] =	ssyncset.done $0x0  }
0x57: {  	[sflag:s21] =	ssyncadd.s32 $0xFFFFE000  }
0x58: {  	[bflag:$0x0] =	sbarrier.arrive $0xFFFF  }
0x59: {  	[tilespmem:s18], [sflag:$0x1] =	stream.indirect.gather [hbm4b:s2+s22], $0x80, s0, s22, $0xb8;
	[tilespmem:$0x1FA30] =	vst v63  }
0x5a: {  	_ = 	snop  }
0x5b: {  	[tilespmem:s23], [sflag:$0x2] =	stream.indirect.gather [hbm4b:s2+s22], $0x80, s22, s22, $0xb8;
	[tilespmem:$0x1FA30] =	vst v63  }
0x5c: {  	s20 =	simm.s32 $0x90  }
0x5d: {  	[tilespmem:s25], [sflag:$0x3] =	stream.indirect.gather [hbm4b:s2+s22], $0x80, s20, s22, $0xb8;
	[tilespmem:$0x1FA30] =	vst v63  }
0x5e: {  	_ =	swait.ge [sflag:s26], $0x2400  }
0x5f: {  	[sflag:s26] =	ssyncset.done $0x0  }
0x60: {  	s24 =	simm.s32 $0x2718;
	[sflag:s26] =	ssyncadd.s32 $0xFFFFDC00  }
0x61: {  	[spmem:s3] =	stream.indirect.scatter.add.f32 [tilespmem:s18], [sflag:$0x4], $0x80, s24, s22, $0xb8;
	[tilespmem:$0x1FA30] =	vst v63  }
0x62: {  	_ =	swait.ge [sflag:s28], $0x2400  }
0x63: {  	[sflag:s28] =	ssyncset.done $0x0  }
0x64: {  	s20 =	simm.s32 $0x2760;
	[sflag:s28] =	ssyncadd.s32 $0xFFFFDC00  }
0x65: {  	[spmem:s3] =	stream.indirect.scatter.add.f32 [tilespmem:s23], [sflag:$0x5], $0x80, s20, s22, $0xb8;
	[tilespmem:$0x1FA30] =	vst v63  }
0x66: {  	_ =	swait.ge [sflag:s29], $0x2400  }
0x67: {  	[sflag:s29] =	ssyncset.done $0x0  }
0x68: {  	s24 =	simm.s32 $0x27A8;
	[sflag:s29] =	ssyncadd.s32 $0xFFFFDC00  }
0x69: {  	[spmem:s3] =	stream.indirect.scatter.add.f32 [tilespmem:s25], [sflag:$0x6], $0x80, s24, s22, $0xb8;
	[tilespmem:$0x1FA30] =	vst v63  }
0x6a: {  	_ =	swait.ge [sflag:s30], $0x2400  }
0x6b: {  	[sflag:s30] =	ssyncset.done $0x0  }
0x6c: {  	s20 =	simm.s32 $0xD8;
	[sflag:s30] =	ssyncadd.s32 $0xFFFFDC00  }
0x6d: {  	[tilespmem:s18], [sflag:$0x1] =	stream.indirect.gather [hbm4b:s2+s22], $0x80, s20, s22, $0xb8;
	[tilespmem:$0x1FA30] =	vst v63  }
0x6e: {  	_ =	swait.ge [sflag:s31], $0x2400  }
0x6f: {  	[sflag:s31] =	ssyncset.done $0x0  }
0x70: {  	s24 =	simm.s32 $0x120;
	[sflag:s31] =	ssyncadd.s32 $0xFFFFDC00  }
0x71: {  	[tilespmem:s23], [sflag:$0x2] =	stream.indirect.gather [hbm4b:s2+s22], $0x80, s24, s22, $0xb8;
	[tilespmem:$0x1FA30] =	vst v63  }
0x72: {  	_ =	swait.ge [sflag:s1], $0x2400  }
0x73: {  	[sflag:s1] =	ssyncset.done $0x0  }
0x74: {  	s0 =	simm.s32 $0x168;
	s24 =	simm.s32 $0x360;
	[sflag:s1] =	ssyncadd.s32 $0xFFFFDC00  }
.LBB2_4:
0x75: {  	[tilespmem:s25], [sflag:$0x3] =	stream.indirect.gather [hbm4b:s2+s22], $0x80, s0, s22, $0xb8;
	[tilespmem:$0x1FA30] =	vst v63  }
0x76: {  	s0 =	smov.u32 s24  }
0x77: {  	p0 =	sne.s32 s24, $0x9480;
	s24 =	sadd.s32 $0x360, s24;
	_ =	swait.ge [sflag:s26], $0x2400  }
0x78: {  	s0 =	sshra.s32 s0, $0x2;
	[sflag:s26] =	ssyncset.done $0x0  }
0x79: {  	s20 =	sadd.s32 $0x2718, s0;
	[sflag:s26] =	ssyncadd.s32 $0xFFFFDC00  }
0x7a: {  	[spmem:s3] =	stream.indirect.scatter.add.f32 [tilespmem:s18], [sflag:$0x4], $0x80, s20, s22, $0xb8;
	[tilespmem:$0x1FA30] =	vst v63  }
0x7b: {  	_ =	swait.ge [sflag:s28], $0x2400  }
0x7c: {  	[sflag:s28] =	ssyncset.done $0x0  }
0x7d: {  	s20 =	sadd.s32 $0x2760, s0;
	[sflag:s28] =	ssyncadd.s32 $0xFFFFDC00  }
0x7e: {  	[spmem:s3] =	stream.indirect.scatter.add.f32 [tilespmem:s23], [sflag:$0x5], $0x80, s20, s22, $0xb8;
	[tilespmem:$0x1FA30] =	vst v63  }
0x7f: {  	_ =	swait.ge [sflag:s29], $0x2400  }
0x80: {  	[sflag:s29] =	ssyncset.done $0x0  }
0x81: {  	s20 =	sadd.s32 $0x27A8, s0;
	[sflag:s29] =	ssyncadd.s32 $0xFFFFDC00  }
0x82: {  	[spmem:s3] =	stream.indirect.scatter.add.f32 [tilespmem:s25], [sflag:$0x6], $0x80, s20, s22, $0xb8;
	[tilespmem:$0x1FA30] =	vst v63  }
0x83: {  	_ =	swait.ge [sflag:s30], $0x2400  }
0x84: {  	[sflag:s30] =	ssyncset.done $0x0  }
0x85: {  	s20 =	sadd.s32 $0xD8, s0;
	[sflag:s30] =	ssyncadd.s32 $0xFFFFDC00  }
0x86: {  	[tilespmem:s18], [sflag:$0x1] =	stream.indirect.gather [hbm4b:s2+s22], $0x80, s20, s22, $0xb8;
	[tilespmem:$0x1FA30] =	vst v63  }
0x87: {  	_ =	swait.ge [sflag:s31], $0x2400  }
0x88: {  	[sflag:s31] =	ssyncset.done $0x0  }
.Ltmp1:
0x89: {  	s20 =	sadd.s32 $0x120, s0;
	[sflag:s31] =	ssyncadd.s32 $0xFFFFDC00;
	(pc) =	sbr.rel @p0 .LBB2_4-.Ltmp1, $4  }
0x8a: {  	[tilespmem:s23], [sflag:$0x2] =	stream.indirect.gather [hbm4b:s2+s22], $0x80, s20, s22, $0xb8;
	[tilespmem:$0x1FA30] =	vst v63  }
0x8b: {  	_ =	swait.ge [sflag:s1], $0x2400  }
0x8c: {  	[sflag:s1] =	ssyncset.done $0x0  }
0x8d: {  	s0 =	sadd.s32 $0x168, s0;
	[sflag:s1] =	ssyncadd.s32 $0xFFFFDC00  }
0x8e: {  	[tilespmem:s25], [sflag:$0x3] =	stream.indirect.gather [hbm4b:s2+s22], $0x80, s0, s22, $0xb8;
	[tilespmem:$0x1FA30] =	vst v63  }
0x8f: {  	_ =	swait.ge [sflag:s26], $0x2400  }
0x90: {  	[sflag:s26] =	ssyncset.done $0x0  }
0x91: {  	s20 =	simm.s32 $0x4D10;
	[sflag:s26] =	ssyncadd.s32 $0xFFFFDC00  }
0x92: {  	[spmem:s3] =	stream.indirect.scatter.add.f32 [tilespmem:s18], [sflag:$0x4], $0x80, s20, s22, $0xb8;
	[tilespmem:$0x1FA30] =	vst v63  }
0x93: {  	_ =	swait.ge [sflag:s28], $0x2400  }
0x94: {  	[sflag:s28] =	ssyncset.done $0x0  }
0x95: {  	s24 =	simm.s32 $0x4D58;
	[sflag:s28] =	ssyncadd.s32 $0xFFFFDC00  }
0x96: {  	[spmem:s3] =	stream.indirect.scatter.add.f32 [tilespmem:s23], [sflag:$0x5], $0x80, s24, s22, $0xb8;
	[tilespmem:$0x1FA30] =	vst v63  }
0x97: {  	_ =	swait.ge [sflag:s29], $0x2400  }
0x98: {  	[sflag:s29] =	ssyncset.done $0x0  }
0x99: {  	s20 =	simm.s32 $0x4DA0;
	[sflag:s29] =	ssyncadd.s32 $0xFFFFDC00  }
0x9a: {  	[spmem:s3] =	stream.indirect.scatter.add.f32 [tilespmem:s25], [sflag:$0x6], $0x80, s20, s22, $0xb8;
	[tilespmem:$0x1FA30] =	vst v63  }
0x9b: {  	_ =	swait.ge [sflag:s30], $0x2400  }
0x9c: {  	[sflag:s30] =	ssyncset.done $0x0  }
0x9d: {  	s24 =	simm.s32 $0x26D0;
	[sflag:s30] =	ssyncadd.s32 $0xFFFFDC00  }
0x9e: {  	[tilespmem:s18], [sflag:$0x1] =	stream.indirect.gather [hbm4b:s2+s22], $0x80, s24, s22, $0xb8;
	[tilespmem:$0x1FA30] =	vst v63  }
0x9f: {  	_ =	swait.ge [sflag:s31], $0x2400  }
0xa0: {  	[sflag:s31] =	ssyncset.done $0x0  }
0xa1: {  	[sflag:s31] =	ssyncadd.s32 $0xFFFFDC00  }
0xa2: {  	_ =	swait.ge [sflag:s1], $0x2400  }
0xa3: {  	[sflag:s1] =	ssyncset.done $0x0  }
0xa4: {  	[sflag:s1] =	ssyncadd.s32 $0xFFFFDC00  }
0xa5: {  	_ =	swait.ge [sflag:s26], $0x2400  }
0xa6: {  	[sflag:s26] =	ssyncset.done $0x0  }
0xa7: {  	s20 =	simm.s32 $0x4DE8;
	[sflag:s26] =	ssyncadd.s32 $0xFFFFDC00  }
0xa8: {  	[spmem:s3] =	stream.indirect.scatter.add.f32 [tilespmem:s18], [sflag:$0x8], $0x80, s20, s22, $0xb8;
	[tilespmem:$0x1FA30] =	vst v63  }
0xa9: {  	s24 =	stileid.u32;
	_ =	swait.ge [sflag:s19], $0x2400  }
0xaa: {  	s4 =	sadd.s32 $0x1, s4;
	s0 =	sshll.u32 s24, $0x6;
	[sflag:s19] =	ssyncset.done $0x0  }
0xab: {  	p0 =	sne.s32 s4, s17;
	s0 =	sor.u32 $0x1C08, s0;
	[sflag:s19] =	ssyncadd.s32 $0xFFFFDC00  }
.Ltmp2:
0xac: {  	s20 =	sshrl.u32 s5, $0x3;
	[bflag:$0x0] =	sbarrier.arrive $0xFFFF;
	(pc) =	sbr.rel @p0 .LBB2_1-.Ltmp2, $4  }
0xad: {  	[hbm:s16], [sflag:s0] =	dma.local [spmem:s20], $0x2800  }
0xae: {  	_ =	swait.ge [sflag:s19], $0x2800  }
0xaf: {  	[sflag:s19] =	ssyncset.done $0x0  }
0xb0: {  	[sflag:s19] =	ssyncadd.s32 $0xFFFFD800  }
0xb1: {  	_ =	sfence.sel $0x180000  }
0xb2: {  	[bflag:$0x0] =	sbarrier.arrive $0xFFFF  }
0xb3: {  	_ =	strace $0x9000004D  }
0xb4: {  	s0 =	stileid.u32;
	[bflag:$0x2] =	sbarrier.arrive $0xFFFF  }
0xb5: {  	p0 =	sne.s32 s0, $0x0;
	s0 =	rddreg [dreg:$0x3]  }
0xb6: {  	s0 =	sadd.s32 @!p0 $0x100000, s0  }
0xb7: {  	[sflag:s0] =	ssyncadd.tile.s32 @!p0 $0x1;
	_ =	shalt  }
.Lfunc_end2:
_tile_overlayer_lowered:
.L_overlay_start_2:
0xb8: {  	(tag) =	ssettag $0x2  }
0xb9: {  	s0 =	rddreg [dreg:$0x0];
	s2 =	stileid.u32  }
0xba: {  	s1 =	rddreg [dreg:$0x1];
	p0 =	sne.s32 s2, $0x0  }
0xbb: {  	s3 =	rddreg [dreg:$0x2];
	[bflag:$0x3] =	sbarrier.arrive $0xFFFF;
	s2 =	simm.s32 @!p0 $0x1C08  }
0xbc: {  	[timem:s3], [sflag:s2] =	dma.local @!p0 [hbm:s0], s1  }
0xbd: {  	s0 =	simm.s32 @!p0 $0x8  }
0xbe: {  	_ =	swait.ge @!p0 [sflag:s0], s1  }
0xbf: {  	s1 =	ssub.s32 @!p0 $0x0, s1;
	[sflag:s0] =	ssyncset.done @!p0 $0x0  }
0xc0: {  	[sflag:s0] =	ssyncadd.s32 @!p0 s1  }
0xc1: {  	[bflag:$0x3] =	sbarrier.arrive $0xFFFF  }
0xc2: {  	_ =	shalt  }

// kernel: kernel.8.cloned.1.call-start
scs
__scs_entry_jumppad:
0x0: {  	(pc) =	sbr.rel $0x88, $3  }
0x1: {  	(tag) =	ssettag $0x0;
	lr =	simm.s32 $0x1  }
0x2: {  	[smem:$0x3F97] =	sst lr;
	_ =	strace $0xD0000000  }
0x3: {  	_ = 	snop  }
0x4: {  	_ = 	snop  }
0x5: {  	_ = 	snop  }
0x6: {  	_ = 	snop  }
0x7: {  	_ = 	snop  }
__scs_overlays_trampoline_lowered:
0x8: {  	[smem:$0x3FA6] =	sst s0  }
0x9: {  	[smem:$0x3FA7] =	sst s1  }
0xa: {  	[smem:$0x3FA8] =	sst s2  }
0xb: {  	[smem:$0x3FA9] =	sst s3  }
0xc: {  	[smem:$0x3FAA] =	sst s4  }
0xd: {  	[smem:$0x3FAB] =	sst s5  }
0xe: {  	[smem:$0x3FAC] =	sst s6  }
0xf: {  	[smem:$0x3FAD] =	sst s7  }
0x10: {  	[smem:$0x3FAE] =	sst s8  }
0x11: {  	[smem:$0x3FAF] =	sst s9;
	s0 =	simm.s32 @!p0 $0x0  }
0x12: {  	s1 =	sld [smem:$0x3F95];
	s0 =	simm.s32 @p0 $0x1  }
0x13: {  	[smem:$0x3FB0] =	sst s0;
	s0 =	simm.s32 @!p1 $0x0  }
0x14: {  	s2 =	sld [smem:$0x3F94];
	s0 =	simm.s32 @p1 $0x1  }
0x15: {  	[smem:$0x3FB1] =	sst s0;
	s0 =	simm.s32 @!p2 $0x0  }
0x16: {  	s3 =	sld [smem:$0x3FDB];
	s0 =	simm.s32 @p2 $0x1  }
0x17: {  	s4 =	simm.s32 $0x1BF5;
	[smem:$0x3FB3] =	sst s0  }
0x18: {  	s0 =	sld [smem:$0x3F96];
	_ =	swait.ge [sflag:s4], $0x0  }
0x19: {  	s7 =	sld [smem:$0x3F97]  }
0x1a: {  	s8 =	sadd.s32 $0xFFFFE003, lr  }
0x1b: {  	s9 =	sadd.s32 $0xFFFFFEF7, lr;
	s5 =	simm.s32 $0xFFFFFFFF;
	p2 =	slt.u32 s8, $0xFFFFF086  }
0x1c: {  	p1 =	slt.u32 s9, $0xF7A;
	s5 =	simm.s32 @!p2 $0x0  }
0x1d: {  	s5 =	simm.s32 @p1 $0x1;
	p0 =	seq.s32 s7, s2  }
0x1e: {  	s7 =	smul.u32 @!p0 $0xF7A, s2;
	p2 =	seq.s32 @!p0 s5, $0x0  }
0x1f: {  	s9 =	smul.u32 $0xF7A, s1;
	s8 =	simm.s32 @!p0 $0x1BF5;
	p2 =	por !p2, p0  }
0x20: {  	[sflag:s8] =	ssyncset.s32 @!p0 $0xFFFFF086;
	s6 =	sadd.s32 @!p0 s3, s7;
	s7 =	simm.s32 @!p0 $0x108  }
0x21: {  	s3 =	sadd.s32 s3, s9;
	s6 =	sadd.s32 @!p0 $0x88, s6;
	s7 =	simm.s32 @p2 $0x1082  }
0x22: {  	[simem:s7], [sflag:s8] =	dma.local @!p0 [hbm:s6], $0xF7A  }
0x23: {  	s9 =	sor.u32 $0xD0000000, s2;
	s6 =	simm.s32 $0x108;
	_ =	swait.ge @!p0 [sflag:s8], $0x0  }
0x24: {  	s3 =	sadd.s32 $0x88, s3;
	s6 =	simm.s32 @!p1 $0x1082;
	[sflag:s4] =	ssyncset.s32 $0xFFFFF086  }
0x25: {  	[simem:s6], [sflag:s4] =	dma.local [hbm:s3], $0xF7A  }
0x26: {  	[smem:$0x3F97] =	sst s1;
	(tag) =	ssettag s2;
	_ =	strace s9  }
0x27: {  	s1 =	sld [smem:$0x3FA7]  }
0x28: {  	s2 =	sld [smem:$0x3FA8]  }
0x29: {  	s4 =	sld [smem:$0x3FAA]  }
0x2a: {  	p0 =	seq.s32 s5, $0x0;
	s5 =	sld [smem:$0x3FAB]  }
0x2b: {  	s6 =	sld [smem:$0x3FAC]  }
0x2c: {  	s7 =	sld [smem:$0x3FAD]  }
0x2d: {  	s3 =	simm.s32 $0x108;
	s8 =	sld [smem:$0x3FAE]  }
0x2e: {  	s3 =	simm.s32 @!p0 $0x1082;
	s9 =	sld [smem:$0x3FAF]  }
0x2f: {  	lr =	sadd.s32 s0, s3;
	s0 =	sld [smem:$0x3FA6]  }
0x30: {  	s3 =	sld [smem:$0x3FA9]  }
0x31: {  	[smem:$0x3FB2] =	sst s10  }
0x32: {  	s10 =	sld [smem:$0x3FB0];
	_ =	sdelay $0x3  }
0x33: {  	p0 =	seq.s32 s10, $0x1;
	s10 =	sld [smem:$0x3FB2];
	_ =	sdelay $0x3  }
0x34: {  	[smem:$0x3FB2] =	sst s10  }
0x35: {  	s10 =	sld [smem:$0x3FB1];
	_ =	sdelay $0x3  }
0x36: {  	p1 =	seq.s32 s10, $0x1;
	s10 =	sld [smem:$0x3FB2];
	_ =	sdelay $0x3  }
0x37: {  	[smem:$0x3FB2] =	sst s10  }
0x38: {  	s10 =	sld [smem:$0x3FB3]  }
0x39: {  	_ = 	snop;
	(pc) =	sbr.ind lr, $3  }
0x3a: {  	_ = 	snop  }
0x3b: {  	_ = 	snop  }
0x3c: {  	p2 =	seq.s32 s10, $0x1;
	s10 =	sld [smem:$0x3FB2]  }
0x3d: {  	_ =	shalt  }
0x3e: {  	_ =	shalt  }
0x3f: {  	_ =	shalt  }
0x40: {  	_ =	shalt  }
0x41: {  	_ =	shalt  }
0x42: {  	_ =	shalt  }
0x43: {  	_ =	shalt  }
0x44: {  	_ =	shalt  }
0x45: {  	_ =	shalt  }
0x46: {  	_ =	shalt  }
0x47: {  	_ =	shalt  }
0x48: {  	_ =	shalt  }
0x49: {  	_ =	shalt  }
0x4a: {  	_ =	shalt  }
0x4b: {  	_ =	shalt  }
0x4c: {  	_ =	shalt  }
0x4d: {  	_ =	shalt  }
0x4e: {  	_ =	shalt  }
0x4f: {  	_ =	shalt  }
0x50: {  	_ =	shalt  }
0x51: {  	_ =	shalt  }
0x52: {  	_ =	shalt  }
0x53: {  	_ =	shalt  }
0x54: {  	_ =	shalt  }
0x55: {  	_ =	shalt  }
0x56: {  	_ =	shalt  }
0x57: {  	_ =	shalt  }
0x58: {  	_ =	shalt  }
0x59: {  	_ =	shalt  }
0x5a: {  	_ =	shalt  }
0x5b: {  	_ =	shalt  }
0x5c: {  	_ =	shalt  }
0x5d: {  	_ =	shalt  }
0x5e: {  	_ =	shalt  }
0x5f: {  	_ =	shalt  }
0x60: {  	_ =	shalt  }
0x61: {  	_ =	shalt  }
0x62: {  	_ =	shalt  }
0x63: {  	_ =	shalt  }
0x64: {  	_ =	shalt  }
0x65: {  	_ =	shalt  }
0x66: {  	_ =	shalt  }
0x67: {  	_ =	shalt  }
0x68: {  	_ =	shalt  }
0x69: {  	_ =	shalt  }
0x6a: {  	_ =	shalt  }
0x6b: {  	_ =	shalt  }
0x6c: {  	_ =	shalt  }
0x6d: {  	_ =	shalt  }
0x6e: {  	_ =	shalt  }
0x6f: {  	_ =	shalt  }
0x70: {  	_ =	shalt  }
0x71: {  	_ =	shalt  }
0x72: {  	_ =	shalt  }
0x73: {  	_ =	shalt  }
0x74: {  	_ =	shalt  }
0x75: {  	_ =	shalt  }
0x76: {  	_ =	shalt  }
0x77: {  	_ =	shalt  }
0x78: {  	_ =	shalt  }
0x79: {  	_ =	shalt  }
0x7a: {  	_ =	shalt  }
0x7b: {  	_ =	shalt  }
0x7c: {  	_ =	shalt  }
0x7d: {  	_ =	shalt  }
0x7e: {  	_ =	shalt  }
0x7f: {  	_ =	shalt  }
0x80: {  	_ =	shalt  }
0x81: {  	_ =	shalt  }
0x82: {  	_ =	shalt  }
0x83: {  	_ =	shalt  }
0x84: {  	_ =	shalt  }
0x85: {  	_ =	shalt  }
0x86: {  	_ =	shalt  }
0x87: {  	_ =	shalt  }
.Lfunc_end0:
.L_simem_size_0:
called_computation_lowered:
.L_overlay_start_0:
0x88: {  	s2 =	sld [smem:$0x3FD9]  }
0x89: {  	s3 =	sld [smem:$0x3FFE];
	_ =	sdelay $0x1  }
0x8a: {  	s1 =	srdreg.scid  }
0x8b: {  	s0 =	sand.u32 $0x1, s1  }
0x8c: {  	s14 =	sshll.u32 s0, $0xA;
	s2 =	sadd.s32 s3, s2  }
0x8d: {  	s2 =	sadd.s32 s2, s14  }
0x8e: {  	[smem:$0x3FBE] =	sst s2  }
0x8f: {  	_ = 	snop  }
0x90: {  	s2 =	sld [smem:$0x3FD0];
	_ =	sdelay $0x2  }
0x91: {  	s15 =	simm.s32 $0xA;
	s4 =	simm.s32 $0x10  }
0x92: {  	[smem:s4], [sflag:s15] =	dma.local [hbm:s2], $0x1  }
0x93: {  	_ =	swait.eq [sflag:s15], $0x1  }
0x94: {  	[sflag:s15] =	ssyncset.done $0x0  }
0x95: {  	[sflag:s15] =	ssyncadd.s32 $0xFFFFFFFF  }
0x96: {  	s16 =	sld [smem:$0x10];
	(tm) =	ssettm $0x1  }
0x97: {  	s17 =	sld [smem:$0x3FFB];
	_ =	sdelay $0x3  }
0x98: {  	_ =	strace s17  }
0x99: {  	s3 =	sld [smem:$0x3FFC];
	_ =	sdelay $0x3  }
0x9a: {  	_ =	strace s3  }
0x9b: {  	s3 =	sld [smem:$0x3FFD];
	_ =	sdelay $0x3  }
0x9c: {  	_ =	strace s3  }
0x9d: {  	_ =	strace $0x8FFFFFFF  }
0x9e: {  	s18 =	sld [smem:$0x3FDB];
	_ =	sdelay $0x1  }
0x9f: {  	s19 =	simm.s32 $_scs_section_size  }
0xa0: {  	s5 =	simm.s32 $_size__tile_overlayer_lowered;
	s6 =	simm.s32 $_tile_overlayer_lowered  }
0xa1: {  	s22 =	simm.s32 $0x1BFF;
	s21 =	sshll.u32 s6, $0x1;
	s3 =	sadd.s32 s19, s18  }
0xa2: {  	s7 =	simm.s32 $0x0;
	s20 =	sshll.u32 s5, $0x1;
	s5 =	sadd.s32 s21, s3  }
0xa3: {  	[timem:s7], [sflag:s22] =	dma.local [hbm:s5], s20  }
0xa4: {  	_ =	swait.ge [sflag:s22], s20  }
0xa5: {  	s4 =	ssub.s32 $0x0, s20;
	[sflag:s22] =	ssyncset.done $0x0  }
0xa6: {  	[sflag:s22] =	ssyncadd.s32 s4;
	_ =	sdelay $0x1  }
0xa7: {  	s23 =	simm.s32 $0x1B8B  }
0xa8: {  	_ =	swait.ge [sflag:s23], $0x1  }
0xa9: {  	[sflag:s23] =	ssyncset.done $0x0  }
0xaa: {  	s25 =	simm.s32 $0x1B8E;
	s24 =	sld [smem:$0x3FFE];
	[sflag:s23] =	ssyncadd.s32 $0xFFFFFFFF  }
0xab: {  	s26 =	simm.s32 $execute0_lowered;
	[smem:$0x3FD2] =	sst s25  }
0xac: {  	s5 =	sshll.u32 s26, $0x1;
	_ =	strace $0x80000046;
	[dreg:$0x1] =	wrdreg $0xFFFFFFFF  }
0xad: {  	s28 =	simm.s32 $_size_execute0_lowered;
	s3 =	sadd.s32 s3, s5;
	[dreg:$0x0] =	wrdreg $0x0  }
0xae: {  	s5 =	sshll.u32 s28, $0x1;
	[dreg:$0x2] =	wrdreg s3  }
0xaf: {  	[dreg:$0x3] =	wrdreg s5  }
0xb0: {  	[dreg:$0x4] =	wrdreg $0xC0  }
0xb1: {  	_ =	task [dreg:s7], $0x5FFFF  }
0xb2: {  	[dreg:$0x1] =	wrdreg $0xFFFFFFFF  }
0xb3: {  	[dreg:$0x0] =	wrdreg $0x60  }
0xb4: {  	[dreg:$0x2] =	wrdreg s24  }
0xb5: {  	[dreg:$0x3] =	wrdreg s16  }
0xb6: {  	[dreg:$0x4] =	wrdreg $0x9  }
0xb7: {  	_ =	task.clear_ibuf [dreg:s7], $0x5FFFF;
	_ =	strace $0x90000046  }
0xb8: {  	s29 =	simm.s32 $0x9;
	_ =	strace $0x80000048  }
0xb9: {  	_ =	swait.ge [sflag:s29], $0x1  }
0xba: {  	[sflag:s29] =	ssyncadd.s32 $0xFFFFFFFF  }
0xbb: {  	_ =	strace $0x90000048  }
0xbc: {  	_ =	sfence  }
0xbd: {  	s30 =	sld [smem:$0x0];
	_ =	sdelay $0x2  }
0xbe: {  	s31 =	sshll.u32 s1, $0xD;
	s1 =	sshrl.u32 s1, $0x2  }
0xbf: {  	s3 =	sand.u32 $0x4000, s31;
	s1 =	sadd.s32 s1, s30  }
0xc0: {  	s0 =	sor.u32 s3, s0;
	s1 =	sshll.u32 s1, $0x11  }
0xc1: {  	s0 =	sor.u32 s1, s0  }
0xc2: {  	s0 =	sadd.s32 $0x8F2B, s0  }
0xc3: {  	[sflag:s0] =	ssyncadd.remote.s32 $0x1  }
0xc4: {  	_ =	sfence.sel $0xFFFF  }
0xc5: {  	[dreg:$0x0] =	wrdreg $0xFFFFFFFF;
	(pc) =	sbr.abs _section_cstart, $3  }
0xc6: {  	[dreg:$0x1] =	wrdreg $0xFFFFFFFF  }
0xc7: {  	_ =	task.clear_ibuf [dreg:s7], $0x2FFFF;
	_ =	strace $0x9FFFFFFF  }
0xc8: {  	(tm) =	ssettm $0x7FFFFFFF  }
0xc9: {  	_ =	shalt  }
tec
execute0_lowered:
.L_overlay_start_1:
0x0: {  	(tag) =	ssettag $0x1  }
0x1: {  	s1 =	srdreg.scid;
	s0 =	stileid.u32  }
0x2: {  	s4 =	rddreg [dreg:$0x0];
	s3 =	sand.u32 $0x1, s1;
	s30 =	sshll.u32 s0, $0x1  }
0x3: {  	s5 =	rddreg [dreg:$0x1];
	s1 =	sor.u32 s3, s30  }
0x4: {  	s2 =	simm.s32 $0x0;
	s9 =	simm.s32 $0x2710;
	s6 =	smul.u32 $0x2710, s1  }
0x5: {  	s10 =	simm.s32 $0x0;
	[smem:$0x7FF] =	sst s2;
	s3 =	ssub.s32 $0x2, s3  }
0x6: {  	s1 =	rddreg [dreg:$0x2];
	s31 =	sshrl.u32 s3, $0x1;
	s6 =	sshrl.u32 s6, $0x3  }
0x7: {  	_ =	strace $0x80000047;
	s8 =	ssub.s32 s3, s31;
	s7 =	sadd.s32 s6, s4  }
0x8: {  	s4 =	sadd.s32 s5, s6;
	s3 =	sadd.s32 $0xC600, s7;
	s5 =	sadd.s32 $0x2800, s7  }
0x9: {  	v0 =	vimm.f32 $0.0e+00;
	v1 =	vimm.f32 $1.000000000e+00;
	s6 =	sadd.s32 $0x9C40, s4;
	s7 =	smax.u32 s8, $0x1;
	s8 =	simm.s32 $0x1  }
.LBB2_1:
0xa: {  	[tilespmem:s2], [sflag:$0x1] =	stream.linear.gather [hbm4b:s3+s2], $0x2710, $0x38;
	[tilespmem:$0x4E20] =	vst v63  }
0xb: {  	_ =	swait.ge [sflag:s8], $0x2710  }
0xc: {  	[sflag:s8] =	ssyncset.done $0x0  }
0xd: {  	s11 =	simm.s32 $0x0;
	[sflag:s8] =	ssyncadd.s32 $0xFFFFD8F0  }
.LBB2_2:
0xe: {  	p0 =	sne.s32 s11, $0x9C00  }
.Ltmp0:
0xf: {  	_ = 	snop;
	(pc) =	sbr.rel @p0 .LBB2_2-.Ltmp0, $3  }
0x10: {  	_ =	sdelay $0x1  }
0x11: {  	s12 =	sshra.s32 s11, $0x2  }
0x12: {  	s11 =	sadd.s32 $0x40, s11;
	[tilespmem:s12+$0x2710] =	vst v0  }
0x13: {  	s11 =	simm.s32 $0x0  }
.LBB2_4:
0x14: {  	s12 =	sshra.s32 s11, $0x2  }
0x15: {  	v2 =	vld [tilespmem:s12+$0x0];
	_ =	sdelay $0x7  }
0x16: {  	[tilespmem:v2+s9+$0x0] =	vst.idx.add.f32.msk $0xffff, v1  }
0x17: {  	v2 =	vld [tilespmem:s12+$0x10];
	_ =	sdelay $0x7  }
0x18: {  	[tilespmem:v2+s9+$0x0] =	vst.idx.add.f32.msk $0xffff, v1  }
0x19: {  	v2 =	vld [tilespmem:s12+$0x20];
	_ =	sdelay $0x7  }
0x1a: {  	[tilespmem:v2+s9+$0x0] =	vst.idx.add.f32.msk $0xffff, v1  }
0x1b: {  	v2 =	vld [tilespmem:s12+$0x30];
	_ =	sdelay $0x7  }
0x1c: {  	[tilespmem:v2+s9+$0x0] =	vst.idx.add.f32.msk $0xffff, v1  }
0x1d: {  	v2 =	vld [tilespmem:s12+$0x40];
	_ =	sdelay $0x2  }
0x1e: {  	p0 =	sne.s32 s11, $0x9B00  }
.Ltmp1:
0x1f: {  	_ = 	snop;
	(pc) =	sbr.rel @p0 .LBB2_4-.Ltmp1, $2  }
0x20: {  	_ =	sdelay $0x2  }
0x21: {  	s11 =	sadd.s32 $0x140, s11;
	[tilespmem:v2+s9+$0x0] =	vst.idx.add.f32.msk $0xffff, v1  }
0x22: {  	s11 =	simm.s32 $0x0  }
0x23: {  	[hbm4b:s4+s11] =	stream.linear.scatter [tilespmem:s9], [sflag:$0x1], $0x2710, $0x38;
	[tilespmem:$0x4E20] =	vst v63  }
0x24: {  	_ =	swait.ge [sflag:s8], $0x2710  }
0x25: {  	[sflag:s8] =	ssyncset.done $0x0  }
0x26: {  	[sflag:s8] =	ssyncadd.s32 $0xFFFFD8F0  }
0x27: {  	[tilespmem:s11], [sflag:$0x1] =	stream.linear.gather [hbm4b:s5+s11], $0x2710, $0x38;
	[tilespmem:$0x4E20] =	vst v63  }
0x28: {  	_ =	swait.ge [sflag:s8], $0x2710  }
0x29: {  	[sflag:s8] =	ssyncset.done $0x0  }
0x2a: {  	s12 =	simm.s32 $0x40;
	s13 =	simm.s32 $0x0;
	[sflag:s8] =	ssyncadd.s32 $0xFFFFD8F0  }
.LBB2_6:
0x2b: {  	p0 =	sne.s32 s12, $0x9C00;
	[tilespmem:s13+$0x2710] =	vst v0;
	s13 =	smov.u32 s12;
	s12 =	sadd.s32 $0x40, s12  }
.Ltmp2:
0x2c: {  	(pc) =	sbr.rel @p0 .LBB2_6-.Ltmp2, $2  }
0x2d: {  	_ =	sdelay $0x2  }
0x2e: {  	s13 =	sshra.s32 s13, $0x2  }
0x2f: {  	[tilespmem:s13+$0x2710] =	vst v0  }
.LBB2_8:
0x30: {  	s12 =	sshra.s32 s11, $0x2  }
0x31: {  	v2 =	vld [tilespmem:s12+$0x0];
	_ =	sdelay $0x7  }
0x32: {  	[tilespmem:v2+s9+$0x0] =	vst.idx.add.f32.msk $0xffff, v1  }
0x33: {  	v2 =	vld [tilespmem:s12+$0x10];
	_ =	sdelay $0x7  }
0x34: {  	[tilespmem:v2+s9+$0x0] =	vst.idx.add.f32.msk $0xffff, v1  }
0x35: {  	v2 =	vld [tilespmem:s12+$0x20];
	_ =	sdelay $0x7  }
0x36: {  	[tilespmem:v2+s9+$0x0] =	vst.idx.add.f32.msk $0xffff, v1  }
0x37: {  	v2 =	vld [tilespmem:s12+$0x30];
	_ =	sdelay $0x7  }
0x38: {  	[tilespmem:v2+s9+$0x0] =	vst.idx.add.f32.msk $0xffff, v1  }
0x39: {  	v2 =	vld [tilespmem:s12+$0x40];
	_ =	sdelay $0x2  }
0x3a: {  	p0 =	sne.s32 s11, $0x9B00  }
.Ltmp3:
0x3b: {  	_ = 	snop;
	(pc) =	sbr.rel @p0 .LBB2_8-.Ltmp3, $2  }
0x3c: {  	_ =	sdelay $0x2  }
0x3d: {  	s11 =	sadd.s32 $0x140, s11;
	[tilespmem:v2+s9+$0x0] =	vst.idx.add.f32.msk $0xffff, v1  }
0x3e: {  	s10 =	sadd.s32 $0x1, s10  }
0x3f: {  	p0 =	sne.s32 s10, s7  }
.Ltmp4:
0x40: {  	_ = 	snop;
	(pc) =	sbr.rel @p0 .LBB2_1-.Ltmp4, $4  }
0x41: {  	[hbm4b:s6+s2] =	stream.linear.scatter [tilespmem:s9], [sflag:$0x1], $0x2710, $0x38;
	[tilespmem:$0x4E20] =	vst v63  }
0x42: {  	_ =	swait.ge [sflag:s8], $0x2710  }
0x43: {  	[sflag:s8] =	ssyncset.done $0x0  }
0x44: {  	[sflag:s8] =	ssyncadd.s32 $0xFFFFD8F0  }
0x45: {  	_ =	sfence.sel $0x180000  }
0x46: {  	[bflag:$0x0] =	sbarrier.arrive $0xFFFF  }
0x47: {  	p0 =	sne.s32 s0, $0x0;
	_ =	strace $0x90000047  }
0x48: {  	s0 =	sadd.s32 @!p0 $0x100000, s1;
	[bflag:$0x2] =	sbarrier.arrive $0xFFFF  }
0x49: {  	[sflag:s0] =	ssyncadd.tile.s32 @!p0 $0x1;
	_ =	shalt  }
.Lfunc_end2:
_tile_overlayer_lowered:
.L_overlay_start_2:
0x4a: {  	(tag) =	ssettag $0x2  }
0x4b: {  	s0 =	rddreg [dreg:$0x0];
	s2 =	stileid.u32  }
0x4c: {  	s1 =	rddreg [dreg:$0x1];
	p0 =	sne.s32 s2, $0x0  }
0x4d: {  	s3 =	rddreg [dreg:$0x2];
	[bflag:$0x3] =	sbarrier.arrive $0xFFFF;
	s2 =	simm.s32 @!p0 $0x1C01  }
0x4e: {  	[timem:s3], [sflag:s2] =	dma.local @!p0 [hbm:s0], s1  }
0x4f: {  	s0 =	simm.s32 @!p0 $0x1  }
0x50: {  	_ =	swait.ge @!p0 [sflag:s0], s1  }
0x51: {  	s1 =	ssub.s32 @!p0 $0x0, s1;
	[sflag:s0] =	ssyncset.done @!p0 $0x0  }
0x52: {  	[sflag:s0] =	ssyncadd.s32 @!p0 s1  }
0x53: {  	[bflag:$0x3] =	sbarrier.arrive $0xFFFF  }
0x54: {  	_ =	shalt  }

</sc_bundles>
